<compile_context>
chip_gen: v7x
topology: tpu7x:2x2x1
jax: 0.10.2.dev20260603
libtpu: 0.0.44.dev20260713+nightly
codegen_flags: <defaults>
</compile_context>

<pallas_src>
import functools

import jax
import jax.numpy as jnp
from jax import lax
from jax.experimental import pallas as pl
from jax.experimental.pallas import tpu as pltpu
from jax.experimental.pallas import tpu_sc as plsc

_K = 512
_D = 64
_NB = 8
_NW = 32


def _tc_body(z_ref, em2_ref, iota_ref, idx_ref, norm_ref):
    @pl.when(pl.program_id(0) == 0)
    def _():
        em2 = em2_ref[...]
        norm_ref[...] = jnp.sum(em2 * em2, axis=1, keepdims=True) * 0.25

    for b in range(_NB):
        z = z_ref[b]
        s = jax.lax.dot_general(
            em2_ref[...], z, (((1,), (0,)), ((), ())),
            preferred_element_type=jnp.float32)
        a = s + norm_ref[...]
        m = jnp.min(a, axis=0, keepdims=True)
        oh = (a <= m).astype(jnp.float32)
        fi = jax.lax.dot_general(
            iota_ref[...], oh, (((1,), (0,)), ((), ())),
            preferred_element_type=jnp.float32)
        P = z_ref.shape[-1]
        idx_ref[pl.ds(b * P, P)] = jnp.minimum(
            fi[0] * 128.0 + fi[1], float(_K - 1)).astype(jnp.int32)


def _tc_indices(z_r, e):
    B, C, P = z_r.shape
    k = jnp.arange(_K, dtype=jnp.float32)
    hi = jnp.floor(k / 128.0)
    iota_rows = jnp.concatenate(
        [hi[None, :], (k - hi * 128.0)[None, :],
         jnp.zeros((6, _K), jnp.float32)], axis=0)
    return pl.pallas_call(
        _tc_body,
        grid=(B // _NB,),
        in_specs=[
            pl.BlockSpec((_NB, C, P), lambda i: (i, 0, 0)),
            pl.BlockSpec((_K, _D), lambda i: (0, 0)),
            pl.BlockSpec((8, _K), lambda i: (0, 0)),
        ],
        out_specs=pl.BlockSpec((_NB * P,), lambda i: (i,)),
        out_shape=jax.ShapeDtypeStruct((B * P,), jnp.int32),
        scratch_shapes=[pltpu.VMEM((_K, 1), jnp.float32)],
    )(z_r, e * -2.0, iota_rows)


def _sc_gather(eT, idx, B, P):
    bpw = B // _NW
    groups = P // 16

    mesh = plsc.VectorSubcoreMesh(core_axis_name="c", subcore_axis_name="s")

    @functools.partial(
        pl.kernel,
        mesh=mesh,
        compiler_params=pltpu.CompilerParams(needs_layout_passes=False),
        out_type=jax.ShapeDtypeStruct((B * _D * P,), jnp.float32),
        scratch_types=[
            pltpu.VMEM((_D * _K,), jnp.float32),
            pltpu.VMEM((P,), jnp.int32),
            pltpu.VMEM((_D * P,), jnp.float32),
        ],
    )
    def gather_k(eT_hbm, idx_hbm, out_hbm, tab, idxv, buf):
        wid = lax.axis_index("s") * 2 + lax.axis_index("c")
        pltpu.sync_copy(eT_hbm, tab)

        def batch_body(bloc, _):
            b = wid * bpw + bloc
            pltpu.sync_copy(idx_hbm.at[pl.ds(b * P, P)], idxv)

            @plsc.parallel_loop(0, groups, step=1, unroll=2)
            def g_body(g):
                ids = idxv[pl.ds(g * 16, 16)]
                for c in range(_D):
                    vals = plsc.load_gather(tab, [ids + (c * _K)])
                    buf[pl.ds(c * P + g * 16, 16)] = vals
            pltpu.sync_copy(buf, out_hbm.at[pl.ds(b * _D * P, _D * P)])
            return 0

        lax.fori_loop(0, bpw, batch_body, 0)

    return gather_k(eT, idx)


def kernel(z_e, e):
    B, C, H, W = z_e.shape
    P = H * W
    z_r = z_e.reshape(B, C, P)
    idx = _tc_indices(z_r, e)
    out = _sc_gather(e.T.reshape(-1), idx, B, P)
    return out.reshape(B, C, H, W)

# --- scband reference (transcript-rebuilt; emitter-appended) ---
"""Pipeline reference for scband-quantizer-ema-23244363006433 (READ-ONLY COPY).

The authoritative reference and input builder live on the scoring server;
editing this copy changes nothing except your own understanding.
"""

import jax, jax.numpy as jnp
import numpy as np

EMBEDDING_DIM = 64
NUM_EMBEDDINGS = 512


def setup_inputs(seed: int = 0) -> dict:
    key = jax.random.key(seed)
    k1, k2 = jax.random.split(key)
    z_e = jax.random.normal(k1, (256, 64, 32, 32), dtype=jnp.float32)
    # codebook buffer e: randn(NUM_EMBEDDINGS, EMBEDDING_DIM)
    e = jax.random.normal(k2, (NUM_EMBEDDINGS, EMBEDDING_DIM), dtype=jnp.float32)
    return {"z_e": z_e, "e": e}


def reference(z_e, e):
    B, C, H, W = z_e.shape
    z_e_flat = jnp.transpose(z_e, (0, 2, 3, 1)).reshape(-1, EMBEDDING_DIM)
    # squared L2 distance to every codebook entry
    dist = (
        jnp.sum(z_e_flat ** 2, axis=1, keepdims=True)
        + jnp.sum(e ** 2, axis=1)[None, :]
        - 2.0 * z_e_flat @ e.T
    )
    indices_flat = jnp.argmin(dist, axis=1)
    # embedding lookup (gather)
    z_q = jnp.take(e, indices_flat, axis=0).reshape(B, H, W, EMBEDDING_DIM)
    return jnp.transpose(z_q, (0, 3, 1, 2))

if __name__ == "__main__":
    import jax
    _d = setup_inputs()
    print(jax.jit(kernel)(*tuple(_d.values())))

</pallas_src>

<mosaic_0001>
#map = affine_map<(d0, d1) -> (0)>
module attributes {stable_mosaic.version = 14 : i64} {
  func.func @gather_k(%arg0: i32, %arg1: i32, %arg2: memref<32768xf32, #tpu.memory_space<hbm>>, %arg3: memref<262144xi32, #tpu.memory_space<hbm>>, %arg4: memref<16777216xf32, #tpu.memory_space<hbm>>, %arg5: memref<32768xf32, #tpu.memory_space<vmem>>, %arg6: memref<1024xi32, #tpu.memory_space<vmem>>, %arg7: memref<65536xf32, #tpu.memory_space<vmem>>) attributes {dimension_semantics = [#tpu.dimension_semantics<core_parallel>, #tpu.dimension_semantics<subcore_parallel>], iteration_bounds = array<i64: 2, 16>, scalar_prefetch = 0 : i64, scratch_operands = 3 : i64, tpu.core_type = #tpu.core_type<sc_vector_subcore>, window_params = [{transform_indices = #map}, {transform_indices = #map}, {transform_indices = #map}]} {
    %mul3A = arith.constant 2 : i32
    %mul3A_0 = arith.muli %arg1, %mul3A : i32
    %add3A = arith.addi %mul3A_0, %arg0 : i32
    "tpu.region"() ({
      %run_scoped3A = tpu.sem_alloc : memref<!tpu.dma_semaphore, #tpu.memory_space<semaphore_mem>>
      tpu.enqueue_dma source(%arg2 : memref<32768xf32, #tpu.memory_space<hbm>>) target(%arg5 : memref<32768xf32, #tpu.memory_space<vmem>>) target_semaphore(%run_scoped3A : memref<!tpu.dma_semaphore, #tpu.memory_space<semaphore_mem>>)
      tpu.wait_dma2 semaphore(%run_scoped3A : memref<!tpu.dma_semaphore, #tpu.memory_space<semaphore_mem>>) src(%arg2 : memref<32768xf32, #tpu.memory_space<hbm>>) dst(%arg5 : memref<32768xf32, #tpu.memory_space<vmem>>)
      tpu.yield
    }) : () -> ()
    %scan3A = arith.constant 0 : i32
    %scan3A_1 = arith.constant 0 : i32
    %scan3A_2 = arith.constant 8 : i32
    %scan3A_3 = arith.addi %scan3A_1, %scan3A_2 : i32
    %scan3A_4 = arith.constant 1 : i32
    %scan3A_5 = scf.for %scan3A_7 = %scan3A_1 to %scan3A_3 step %scan3A_4 iter_args(%scan3A_8 = %scan3A) -> (i32)  : i32 {
      %mul3A_9 = arith.constant 8 : i32
      %mul3A_10 = arith.muli %add3A, %mul3A_9 : i32
      %add3A_11 = arith.addi %mul3A_10, %scan3A_7 : i32
      %mul3A_12 = arith.constant 1024 : i32
      %mul3A_13 = arith.muli %add3A_11, %mul3A_12 : i32
      "tpu.region"() ({
        %run_scoped3A = tpu.sem_alloc : memref<!tpu.dma_semaphore, #tpu.memory_space<semaphore_mem>>
        %dma_start3A = tpu.memref_slice %arg3[%mul3A_13] : memref<262144xi32, #tpu.memory_space<hbm>> -> memref<1024xi32, #tpu.memory_space<hbm>>
        %dma_start3A_21 = tpu.memref_slice %arg3[%mul3A_13] : memref<262144xi32, #tpu.memory_space<hbm>> -> memref<1024xi32, #tpu.memory_space<hbm>>
        tpu.enqueue_dma source(%dma_start3A_21 : memref<1024xi32, #tpu.memory_space<hbm>>) target(%arg6 : memref<1024xi32, #tpu.memory_space<vmem>>) target_semaphore(%run_scoped3A : memref<!tpu.dma_semaphore, #tpu.memory_space<semaphore_mem>>)
        %dma_wait3A = tpu.memref_slice %arg3[%mul3A_13] : memref<262144xi32, #tpu.memory_space<hbm>> -> memref<1024xi32, #tpu.memory_space<hbm>>
        %dma_wait3A_22 = tpu.memref_slice %arg3[%mul3A_13] : memref<262144xi32, #tpu.memory_space<hbm>> -> memref<1024xi32, #tpu.memory_space<hbm>>
        tpu.wait_dma2 semaphore(%run_scoped3A : memref<!tpu.dma_semaphore, #tpu.memory_space<semaphore_mem>>) src(%dma_wait3A_22 : memref<1024xi32, #tpu.memory_space<hbm>>) dst(%arg6 : memref<1024xi32, #tpu.memory_space<vmem>>)
        tpu.yield
      }) : () -> ()
      %parallel_loop3A = arith.constant 0 : i32
      %parallel_loop3A_14 = arith.constant 64 : i32
      %parallel_loop3A_15 = arith.constant 1 : i32
      scf.for %parallel_loop3A_21 = %parallel_loop3A to %parallel_loop3A_14 step %parallel_loop3A_15  : i32 {
        %parallel_loop3A_22 = arith.constant 16 : i32
        %parallel_loop3A_23 = arith.muli %parallel_loop3A_21, %parallel_loop3A_22 : i32
        %parallel_loop3A_24 = arith.index_cast %parallel_loop3A_23 : i32 to index
        %parallel_loop3A_25 = tpu.vector_load %arg6[%parallel_loop3A_24] {strides = array<i32>} : memref<1024xi32, #tpu.memory_space<vmem>>, vector<16xi32>,
        %parallel_loop3A_26 = arith.constant 0 : i32
        %parallel_loop3A_27 = vector.broadcast %parallel_loop3A_26 : i32 to vector<16xi32>
        %parallel_loop3A_28 = arith.addi %parallel_loop3A_25, %parallel_loop3A_27 : vector<16xi32>
        %parallel_loop3A_29 = tpu.vector_load_idx %arg5[%parallel_loop3A_28] : memref<32768xf32, #tpu.memory_space<vmem>>[vector<16xi32>], vector<16xf32>,
        %parallel_loop3A_30 = arith.constant 16 : i32
        %parallel_loop3A_31 = arith.muli %parallel_loop3A_21, %parallel_loop3A_30 : i32
        %parallel_loop3A_32 = arith.constant 0 : i32
        %parallel_loop3A_33 = arith.addi %parallel_loop3A_32, %parallel_loop3A_31 : i32
        %parallel_loop3A_34 = arith.index_cast %parallel_loop3A_33 : i32 to index
        %parallel_loop3A_35 = tpu.vector_load %arg7[%parallel_loop3A_34] {strides = array<i32>} : memref<65536xf32, #tpu.memory_space<vmem>>, vector<16xf32>,
        tpu.vector_store %arg7[%parallel_loop3A_34], %parallel_loop3A_29 {strides = array<i32>} : memref<65536xf32, #tpu.memory_space<vmem>>, vector<16xf32>,
        %parallel_loop3A_36 = arith.constant 512 : i32
        %parallel_loop3A_37 = vector.broadcast %parallel_loop3A_36 : i32 to vector<16xi32>
        %parallel_loop3A_38 = arith.addi %parallel_loop3A_25, %parallel_loop3A_37 : vector<16xi32>
        %parallel_loop3A_39 = tpu.vector_load_idx %arg5[%parallel_loop3A_38] : memref<32768xf32, #tpu.memory_space<vmem>>[vector<16xi32>], vector<16xf32>,
        %parallel_loop3A_40 = arith.constant 16 : i32
        %parallel_loop3A_41 = arith.muli %parallel_loop3A_21, %parallel_loop3A_40 : i32
        %parallel_loop3A_42 = arith.constant 1024 : i32
        %parallel_loop3A_43 = arith.addi %parallel_loop3A_42, %parallel_loop3A_41 : i32
        %parallel_loop3A_44 = arith.index_cast %parallel_loop3A_43 : i32 to index
        %parallel_loop3A_45 = tpu.vector_load %arg7[%parallel_loop3A_44] {strides = array<i32>} : memref<65536xf32, #tpu.memory_space<vmem>>, vector<16xf32>,
        tpu.vector_store %arg7[%parallel_loop3A_44], %parallel_loop3A_39 {strides = array<i32>} : memref<65536xf32, #tpu.memory_space<vmem>>, vector<16xf32>,
        %parallel_loop3A_46 = arith.constant 1024 : i32
        %parallel_loop3A_47 = vector.broadcast %parallel_loop3A_46 : i32 to vector<16xi32>
        %parallel_loop3A_48 = arith.addi %parallel_loop3A_25, %parallel_loop3A_47 : vector<16xi32>
        %parallel_loop3A_49 = tpu.vector_load_idx %arg5[%parallel_loop3A_48] : memref<32768xf32, #tpu.memory_space<vmem>>[vector<16xi32>], vector<16xf32>,
        %parallel_loop3A_50 = arith.constant 16 : i32
        %parallel_loop3A_51 = arith.muli %parallel_loop3A_21, %parallel_loop3A_50 : i32
        %parallel_loop3A_52 = arith.constant 2048 : i32
        %parallel_loop3A_53 = arith.addi %parallel_loop3A_52, %parallel_loop3A_51 : i32
        %parallel_loop3A_54 = arith.index_cast %parallel_loop3A_53 : i32 to index
        %parallel_loop3A_55 = tpu.vector_load %arg7[%parallel_loop3A_54] {strides = array<i32>} : memref<65536xf32, #tpu.memory_space<vmem>>, vector<16xf32>,
        tpu.vector_store %arg7[%parallel_loop3A_54], %parallel_loop3A_49 {strides = array<i32>} : memref<65536xf32, #tpu.memory_space<vmem>>, vector<16xf32>,
        %parallel_loop3A_56 = arith.constant 1536 : i32
        %parallel_loop3A_57 = vector.broadcast %parallel_loop3A_56 : i32 to vector<16xi32>
        %parallel_loop3A_58 = arith.addi %parallel_loop3A_25, %parallel_loop3A_57 : vector<16xi32>
        %parallel_loop3A_59 = tpu.vector_load_idx %arg5[%parallel_loop3A_58] : memref<32768xf32, #tpu.memory_space<vmem>>[vector<16xi32>], vector<16xf32>,
        %parallel_loop3A_60 = arith.constant 16 : i32
        %parallel_loop3A_61 = arith.muli %parallel_loop3A_21, %parallel_loop3A_60 : i32
        %parallel_loop3A_62 = arith.constant 3072 : i32
        %parallel_loop3A_63 = arith.addi %parallel_loop3A_62, %parallel_loop3A_61 : i32
        %parallel_loop3A_64 = arith.index_cast %parallel_loop3A_63 : i32 to index
        %parallel_loop3A_65 = tpu.vector_load %arg7[%parallel_loop3A_64] {strides = array<i32>} : memref<65536xf32, #tpu.memory_space<vmem>>, vector<16xf32>,
        tpu.vector_store %arg7[%parallel_loop3A_64], %parallel_loop3A_59 {strides = array<i32>} : memref<65536xf32, #tpu.memory_space<vmem>>, vector<16xf32>,
        %parallel_loop3A_66 = arith.constant 2048 : i32
        %parallel_loop3A_67 = vector.broadcast %parallel_loop3A_66 : i32 to vector<16xi32>
        %parallel_loop3A_68 = arith.addi %parallel_loop3A_25, %parallel_loop3A_67 : vector<16xi32>
        %parallel_loop3A_69 = tpu.vector_load_idx %arg5[%parallel_loop3A_68] : memref<32768xf32, #tpu.memory_space<vmem>>[vector<16xi32>], vector<16xf32>,
        %parallel_loop3A_70 = arith.constant 16 : i32
        %parallel_loop3A_71 = arith.muli %parallel_loop3A_21, %parallel_loop3A_70 : i32
        %parallel_loop3A_72 = arith.constant 4096 : i32
        %parallel_loop3A_73 = arith.addi %parallel_loop3A_72, %parallel_loop3A_71 : i32
        %parallel_loop3A_74 = arith.index_cast %parallel_loop3A_73 : i32 to index
        %parallel_loop3A_75 = tpu.vector_load %arg7[%parallel_loop3A_74] {strides = array<i32>} : memref<65536xf32, #tpu.memory_space<vmem>>, vector<16xf32>,
        tpu.vector_store %arg7[%parallel_loop3A_74], %parallel_loop3A_69 {strides = array<i32>} : memref<65536xf32, #tpu.memory_space<vmem>>, vector<16xf32>,
        %parallel_loop3A_76 = arith.constant 2560 : i32
        %parallel_loop3A_77 = vector.broadcast %parallel_loop3A_76 : i32 to vector<16xi32>
        %parallel_loop3A_78 = arith.addi %parallel_loop3A_25, %parallel_loop3A_77 : vector<16xi32>
        %parallel_loop3A_79 = tpu.vector_load_idx %arg5[%parallel_loop3A_78] : memref<32768xf32, #tpu.memory_space<vmem>>[vector<16xi32>], vector<16xf32>,
        %parallel_loop3A_80 = arith.constant 16 : i32
        %parallel_loop3A_81 = arith.muli %parallel_loop3A_21, %parallel_loop3A_80 : i32
        %parallel_loop3A_82 = arith.constant 5120 : i32
        %parallel_loop3A_83 = arith.addi %parallel_loop3A_82, %parallel_loop3A_81 : i32
        %parallel_loop3A_84 = arith.index_cast %parallel_loop3A_83 : i32 to index
        %parallel_loop3A_85 = tpu.vector_load %arg7[%parallel_loop3A_84] {strides = array<i32>} : memref<65536xf32, #tpu.memory_space<vmem>>, vector<16xf32>,
        tpu.vector_store %arg7[%parallel_loop3A_84], %parallel_loop3A_79 {strides = array<i32>} : memref<65536xf32, #tpu.memory_space<vmem>>, vector<16xf32>,
        %parallel_loop3A_86 = arith.constant 3072 : i32
        %parallel_loop3A_87 = vector.broadcast %parallel_loop3A_86 : i32 to vector<16xi32>
        %parallel_loop3A_88 = arith.addi %parallel_loop3A_25, %parallel_loop3A_87 : vector<16xi32>
        %parallel_loop3A_89 = tpu.vector_load_idx %arg5[%parallel_loop3A_88] : memref<32768xf32, #tpu.memory_space<vmem>>[vector<16xi32>], vector<16xf32>,
        %parallel_loop3A_90 = arith.constant 16 : i32
        %parallel_loop3A_91 = arith.muli %parallel_loop3A_21, %parallel_loop3A_90 : i32
        %parallel_loop3A_92 = arith.constant 6144 : i32
        %parallel_loop3A_93 = arith.addi %parallel_loop3A_92, %parallel_loop3A_91 : i32
        %parallel_loop3A_94 = arith.index_cast %parallel_loop3A_93 : i32 to index
        %parallel_loop3A_95 = tpu.vector_load %arg7[%parallel_loop3A_94] {strides = array<i32>} : memref<65536xf32, #tpu.memory_space<vmem>>, vector<16xf32>,
        tpu.vector_store %arg7[%parallel_loop3A_94], %parallel_loop3A_89 {strides = array<i32>} : memref<65536xf32, #tpu.memory_space<vmem>>, vector<16xf32>,
        %parallel_loop3A_96 = arith.constant 3584 : i32
        %parallel_loop3A_97 = vector.broadcast %parallel_loop3A_96 : i32 to vector<16xi32>
        %parallel_loop3A_98 = arith.addi %parallel_loop3A_25, %parallel_loop3A_97 : vector<16xi32>
        %parallel_loop3A_99 = tpu.vector_load_idx %arg5[%parallel_loop3A_98] : memref<32768xf32, #tpu.memory_space<vmem>>[vector<16xi32>], vector<16xf32>,
        %parallel_loop3A_100 = arith.constant 16 : i32
        %parallel_loop3A_101 = arith.muli %parallel_loop3A_21, %parallel_loop3A_100 : i32
        %parallel_loop3A_102 = arith.constant 7168 : i32
        %parallel_loop3A_103 = arith.addi %parallel_loop3A_102, %parallel_loop3A_101 : i32
        %parallel_loop3A_104 = arith.index_cast %parallel_loop3A_103 : i32 to index
        %parallel_loop3A_105 = tpu.vector_load %arg7[%parallel_loop3A_104] {strides = array<i32>} : memref<65536xf32, #tpu.memory_space<vmem>>, vector<16xf32>,
        tpu.vector_store %arg7[%parallel_loop3A_104], %parallel_loop3A_99 {strides = array<i32>} : memref<65536xf32, #tpu.memory_space<vmem>>, vector<16xf32>,
        %parallel_loop3A_106 = arith.constant 4096 : i32
        %parallel_loop3A_107 = vector.broadcast %parallel_loop3A_106 : i32 to vector<16xi32>
        %parallel_loop3A_108 = arith.addi %parallel_loop3A_25, %parallel_loop3A_107 : vector<16xi32>
        %parallel_loop3A_109 = tpu.vector_load_idx %arg5[%parallel_loop3A_108] : memref<32768xf32, #tpu.memory_space<vmem>>[vector<16xi32>], vector<16xf32>,
        %parallel_loop3A_110 = arith.constant 16 : i32
        %parallel_loop3A_111 = arith.muli %parallel_loop3A_21, %parallel_loop3A_110 : i32
        %parallel_loop3A_112 = arith.constant 8192 : i32
        %parallel_loop3A_113 = arith.addi %parallel_loop3A_112, %parallel_loop3A_111 : i32
        %parallel_loop3A_114 = arith.index_cast %parallel_loop3A_113 : i32 to index
        %parallel_loop3A_115 = tpu.vector_load %arg7[%parallel_loop3A_114] {strides = array<i32>} : memref<65536xf32, #tpu.memory_space<vmem>>, vector<16xf32>,
        tpu.vector_store %arg7[%parallel_loop3A_114], %parallel_loop3A_109 {strides = array<i32>} : memref<65536xf32, #tpu.memory_space<vmem>>, vector<16xf32>,
        %parallel_loop3A_116 = arith.constant 4608 : i32
        %parallel_loop3A_117 = vector.broadcast %parallel_loop3A_116 : i32 to vector<16xi32>
        %parallel_loop3A_118 = arith.addi %parallel_loop3A_25, %parallel_loop3A_117 : vector<16xi32>
        %parallel_loop3A_119 = tpu.vector_load_idx %arg5[%parallel_loop3A_118] : memref<32768xf32, #tpu.memory_space<vmem>>[vector<16xi32>], vector<16xf32>,
        %parallel_loop3A_120 = arith.constant 16 : i32
        %parallel_loop3A_121 = arith.muli %parallel_loop3A_21, %parallel_loop3A_120 : i32
        %parallel_loop3A_122 = arith.constant 9216 : i32
        %parallel_loop3A_123 = arith.addi %parallel_loop3A_122, %parallel_loop3A_121 : i32
        %parallel_loop3A_124 = arith.index_cast %parallel_loop3A_123 : i32 to index
        %parallel_loop3A_125 = tpu.vector_load %arg7[%parallel_loop3A_124] {strides = array<i32>} : memref<65536xf32, #tpu.memory_space<vmem>>, vector<16xf32>,
        tpu.vector_store %arg7[%parallel_loop3A_124], %parallel_loop3A_119 {strides = array<i32>} : memref<65536xf32, #tpu.memory_space<vmem>>, vector<16xf32>,
        %parallel_loop3A_126 = arith.constant 5120 : i32
        %parallel_loop3A_127 = vector.broadcast %parallel_loop3A_126 : i32 to vector<16xi32>
        %parallel_loop3A_128 = arith.addi %parallel_loop3A_25, %parallel_loop3A_127 : vector<16xi32>
        %parallel_loop3A_129 = tpu.vector_load_idx %arg5[%parallel_loop3A_128] : memref<32768xf32, #tpu.memory_space<vmem>>[vector<16xi32>], vector<16xf32>,
        %parallel_loop3A_130 = arith.constant 16 : i32
        %parallel_loop3A_131 = arith.muli %parallel_loop3A_21, %parallel_loop3A_130 : i32
        %parallel_loop3A_132 = arith.constant 10240 : i32
        %parallel_loop3A_133 = arith.addi %parallel_loop3A_132, %parallel_loop3A_131 : i32
        %parallel_loop3A_134 = arith.index_cast %parallel_loop3A_133 : i32 to index
        %parallel_loop3A_135 = tpu.vector_load %arg7[%parallel_loop3A_134] {strides = array<i32>} : memref<65536xf32, #tpu.memory_space<vmem>>, vector<16xf32>,
        tpu.vector_store %arg7[%parallel_loop3A_134], %parallel_loop3A_129 {strides = array<i32>} : memref<65536xf32, #tpu.memory_space<vmem>>, vector<16xf32>,
        %parallel_loop3A_136 = arith.constant 5632 : i32
        %parallel_loop3A_137 = vector.broadcast %parallel_loop3A_136 : i32 to vector<16xi32>
        %parallel_loop3A_138 = arith.addi %parallel_loop3A_25, %parallel_loop3A_137 : vector<16xi32>
        %parallel_loop3A_139 = tpu.vector_load_idx %arg5[%parallel_loop3A_138] : memref<32768xf32, #tpu.memory_space<vmem>>[vector<16xi32>], vector<16xf32>,
        %parallel_loop3A_140 = arith.constant 16 : i32
        %parallel_loop3A_141 = arith.muli %parallel_loop3A_21, %parallel_loop3A_140 : i32
        %parallel_loop3A_142 = arith.constant 11264 : i32
        %parallel_loop3A_143 = arith.addi %parallel_loop3A_142, %parallel_loop3A_141 : i32
        %parallel_loop3A_144 = arith.index_cast %parallel_loop3A_143 : i32 to index
        %parallel_loop3A_145 = tpu.vector_load %arg7[%parallel_loop3A_144] {strides = array<i32>} : memref<65536xf32, #tpu.memory_space<vmem>>, vector<16xf32>,
        tpu.vector_store %arg7[%parallel_loop3A_144], %parallel_loop3A_139 {strides = array<i32>} : memref<65536xf32, #tpu.memory_space<vmem>>, vector<16xf32>,
        %parallel_loop3A_146 = arith.constant 6144 : i32
        %parallel_loop3A_147 = vector.broadcast %parallel_loop3A_146 : i32 to vector<16xi32>
        %parallel_loop3A_148 = arith.addi %parallel_loop3A_25, %parallel_loop3A_147 : vector<16xi32>
        %parallel_loop3A_149 = tpu.vector_load_idx %arg5[%parallel_loop3A_148] : memref<32768xf32, #tpu.memory_space<vmem>>[vector<16xi32>], vector<16xf32>,
        %parallel_loop3A_150 = arith.constant 16 : i32
        %parallel_loop3A_151 = arith.muli %parallel_loop3A_21, %parallel_loop3A_150 : i32
        %parallel_loop3A_152 = arith.constant 12288 : i32
        %parallel_loop3A_153 = arith.addi %parallel_loop3A_152, %parallel_loop3A_151 : i32
        %parallel_loop3A_154 = arith.index_cast %parallel_loop3A_153 : i32 to index
        %parallel_loop3A_155 = tpu.vector_load %arg7[%parallel_loop3A_154] {strides = array<i32>} : memref<65536xf32, #tpu.memory_space<vmem>>, vector<16xf32>,
        tpu.vector_store %arg7[%parallel_loop3A_154], %parallel_loop3A_149 {strides = array<i32>} : memref<65536xf32, #tpu.memory_space<vmem>>, vector<16xf32>,
        %parallel_loop3A_156 = arith.constant 6656 : i32
        %parallel_loop3A_157 = vector.broadcast %parallel_loop3A_156 : i32 to vector<16xi32>
        %parallel_loop3A_158 = arith.addi %parallel_loop3A_25, %parallel_loop3A_157 : vector<16xi32>
        %parallel_loop3A_159 = tpu.vector_load_idx %arg5[%parallel_loop3A_158] : memref<32768xf32, #tpu.memory_space<vmem>>[vector<16xi32>], vector<16xf32>,
        %parallel_loop3A_160 = arith.constant 16 : i32
        %parallel_loop3A_161 = arith.muli %parallel_loop3A_21, %parallel_loop3A_160 : i32
        %parallel_loop3A_162 = arith.constant 13312 : i32
        %parallel_loop3A_163 = arith.addi %parallel_loop3A_162, %parallel_loop3A_161 : i32
        %parallel_loop3A_164 = arith.index_cast %parallel_loop3A_163 : i32 to index
        %parallel_loop3A_165 = tpu.vector_load %arg7[%parallel_loop3A_164] {strides = array<i32>} : memref<65536xf32, #tpu.memory_space<vmem>>, vector<16xf32>,
        tpu.vector_store %arg7[%parallel_loop3A_164], %parallel_loop3A_159 {strides = array<i32>} : memref<65536xf32, #tpu.memory_space<vmem>>, vector<16xf32>,
        %parallel_loop3A_166 = arith.constant 7168 : i32
        %parallel_loop3A_167 = vector.broadcast %parallel_loop3A_166 : i32 to vector<16xi32>
        %parallel_loop3A_168 = arith.addi %parallel_loop3A_25, %parallel_loop3A_167 : vector<16xi32>
        %parallel_loop3A_169 = tpu.vector_load_idx %arg5[%parallel_loop3A_168] : memref<32768xf32, #tpu.memory_space<vmem>>[vector<16xi32>], vector<16xf32>,
        %parallel_loop3A_170 = arith.constant 16 : i32
        %parallel_loop3A_171 = arith.muli %parallel_loop3A_21, %parallel_loop3A_170 : i32
        %parallel_loop3A_172 = arith.constant 14336 : i32
        %parallel_loop3A_173 = arith.addi %parallel_loop3A_172, %parallel_loop3A_171 : i32
        %parallel_loop3A_174 = arith.index_cast %parallel_loop3A_173 : i32 to index
        %parallel_loop3A_175 = tpu.vector_load %arg7[%parallel_loop3A_174] {strides = array<i32>} : memref<65536xf32, #tpu.memory_space<vmem>>, vector<16xf32>,
        tpu.vector_store %arg7[%parallel_loop3A_174], %parallel_loop3A_169 {strides = array<i32>} : memref<65536xf32, #tpu.memory_space<vmem>>, vector<16xf32>,
        %parallel_loop3A_176 = arith.constant 7680 : i32
        %parallel_loop3A_177 = vector.broadcast %parallel_loop3A_176 : i32 to vector<16xi32>
        %parallel_loop3A_178 = arith.addi %parallel_loop3A_25, %parallel_loop3A_177 : vector<16xi32>
        %parallel_loop3A_179 = tpu.vector_load_idx %arg5[%parallel_loop3A_178] : memref<32768xf32, #tpu.memory_space<vmem>>[vector<16xi32>], vector<16xf32>,
        %parallel_loop3A_180 = arith.constant 16 : i32
        %parallel_loop3A_181 = arith.muli %parallel_loop3A_21, %parallel_loop3A_180 : i32
        %parallel_loop3A_182 = arith.constant 15360 : i32
        %parallel_loop3A_183 = arith.addi %parallel_loop3A_182, %parallel_loop3A_181 : i32
        %parallel_loop3A_184 = arith.index_cast %parallel_loop3A_183 : i32 to index
        %parallel_loop3A_185 = tpu.vector_load %arg7[%parallel_loop3A_184] {strides = array<i32>} : memref<65536xf32, #tpu.memory_space<vmem>>, vector<16xf32>,
        tpu.vector_store %arg7[%parallel_loop3A_184], %parallel_loop3A_179 {strides = array<i32>} : memref<65536xf32, #tpu.memory_space<vmem>>, vector<16xf32>,
        %parallel_loop3A_186 = arith.constant 8192 : i32
        %parallel_loop3A_187 = vector.broadcast %parallel_loop3A_186 : i32 to vector<16xi32>
        %parallel_loop3A_188 = arith.addi %parallel_loop3A_25, %parallel_loop3A_187 : vector<16xi32>
        %parallel_loop3A_189 = tpu.vector_load_idx %arg5[%parallel_loop3A_188] : memref<32768xf32, #tpu.memory_space<vmem>>[vector<16xi32>], vector<16xf32>,
        %parallel_loop3A_190 = arith.constant 16 : i32
        %parallel_loop3A_191 = arith.muli %parallel_loop3A_21, %parallel_loop3A_190 : i32
        %parallel_loop3A_192 = arith.constant 16384 : i32
        %parallel_loop3A_193 = arith.addi %parallel_loop3A_192, %parallel_loop3A_191 : i32
        %parallel_loop3A_194 = arith.index_cast %parallel_loop3A_193 : i32 to index
        %parallel_loop3A_195 = tpu.vector_load %arg7[%parallel_loop3A_194] {strides = array<i32>} : memref<65536xf32, #tpu.memory_space<vmem>>, vector<16xf32>,
        tpu.vector_store %arg7[%parallel_loop3A_194], %parallel_loop3A_189 {strides = array<i32>} : memref<65536xf32, #tpu.memory_space<vmem>>, vector<16xf32>,
        %parallel_loop3A_196 = arith.constant 8704 : i32
        %parallel_loop3A_197 = vector.broadcast %parallel_loop3A_196 : i32 to vector<16xi32>
        %parallel_loop3A_198 = arith.addi %parallel_loop3A_25, %parallel_loop3A_197 : vector<16xi32>
        %parallel_loop3A_199 = tpu.vector_load_idx %arg5[%parallel_loop3A_198] : memref<32768xf32, #tpu.memory_space<vmem>>[vector<16xi32>], vector<16xf32>,
        %parallel_loop3A_200 = arith.constant 16 : i32
        %parallel_loop3A_201 = arith.muli %parallel_loop3A_21, %parallel_loop3A_200 : i32
        %parallel_loop3A_202 = arith.constant 17408 : i32
        %parallel_loop3A_203 = arith.addi %parallel_loop3A_202, %parallel_loop3A_201 : i32
        %parallel_loop3A_204 = arith.index_cast %parallel_loop3A_203 : i32 to index
        %parallel_loop3A_205 = tpu.vector_load %arg7[%parallel_loop3A_204] {strides = array<i32>} : memref<65536xf32, #tpu.memory_space<vmem>>, vector<16xf32>,
        tpu.vector_store %arg7[%parallel_loop3A_204], %parallel_loop3A_199 {strides = array<i32>} : memref<65536xf32, #tpu.memory_space<vmem>>, vector<16xf32>,
        %parallel_loop3A_206 = arith.constant 9216 : i32
        %parallel_loop3A_207 = vector.broadcast %parallel_loop3A_206 : i32 to vector<16xi32>
        %parallel_loop3A_208 = arith.addi %parallel_loop3A_25, %parallel_loop3A_207 : vector<16xi32>
        %parallel_loop3A_209 = tpu.vector_load_idx %arg5[%parallel_loop3A_208] : memref<32768xf32, #tpu.memory_space<vmem>>[vector<16xi32>], vector<16xf32>,
        %parallel_loop3A_210 = arith.constant 16 : i32
        %parallel_loop3A_211 = arith.muli %parallel_loop3A_21, %parallel_loop3A_210 : i32
        %parallel_loop3A_212 = arith.constant 18432 : i32
        %parallel_loop3A_213 = arith.addi %parallel_loop3A_212, %parallel_loop3A_211 : i32
        %parallel_loop3A_214 = arith.index_cast %parallel_loop3A_213 : i32 to index
        %parallel_loop3A_215 = tpu.vector_load %arg7[%parallel_loop3A_214] {strides = array<i32>} : memref<65536xf32, #tpu.memory_space<vmem>>, vector<16xf32>,
        tpu.vector_store %arg7[%parallel_loop3A_214], %parallel_loop3A_209 {strides = array<i32>} : memref<65536xf32, #tpu.memory_space<vmem>>, vector<16xf32>,
        %parallel_loop3A_216 = arith.constant 9728 : i32
        %parallel_loop3A_217 = vector.broadcast %parallel_loop3A_216 : i32 to vector<16xi32>
        %parallel_loop3A_218 = arith.addi %parallel_loop3A_25, %parallel_loop3A_217 : vector<16xi32>
        %parallel_loop3A_219 = tpu.vector_load_idx %arg5[%parallel_loop3A_218] : memref<32768xf32, #tpu.memory_space<vmem>>[vector<16xi32>], vector<16xf32>,
        %parallel_loop3A_220 = arith.constant 16 : i32
        %parallel_loop3A_221 = arith.muli %parallel_loop3A_21, %parallel_loop3A_220 : i32
        %parallel_loop3A_222 = arith.constant 19456 : i32
        %parallel_loop3A_223 = arith.addi %parallel_loop3A_222, %parallel_loop3A_221 : i32
        %parallel_loop3A_224 = arith.index_cast %parallel_loop3A_223 : i32 to index
        %parallel_loop3A_225 = tpu.vector_load %arg7[%parallel_loop3A_224] {strides = array<i32>} : memref<65536xf32, #tpu.memory_space<vmem>>, vector<16xf32>,
        tpu.vector_store %arg7[%parallel_loop3A_224], %parallel_loop3A_219 {strides = array<i32>} : memref<65536xf32, #tpu.memory_space<vmem>>, vector<16xf32>,
        %parallel_loop3A_226 = arith.constant 10240 : i32
        %parallel_loop3A_227 = vector.broadcast %parallel_loop3A_226 : i32 to vector<16xi32>
        %parallel_loop3A_228 = arith.addi %parallel_loop3A_25, %parallel_loop3A_227 : vector<16xi32>
        %parallel_loop3A_229 = tpu.vector_load_idx %arg5[%parallel_loop3A_228] : memref<32768xf32, #tpu.memory_space<vmem>>[vector<16xi32>], vector<16xf32>,
        %parallel_loop3A_230 = arith.constant 16 : i32
        %parallel_loop3A_231 = arith.muli %parallel_loop3A_21, %parallel_loop3A_230 : i32
        %parallel_loop3A_232 = arith.constant 20480 : i32
        %parallel_loop3A_233 = arith.addi %parallel_loop3A_232, %parallel_loop3A_231 : i32
        %parallel_loop3A_234 = arith.index_cast %parallel_loop3A_233 : i32 to index
        %parallel_loop3A_235 = tpu.vector_load %arg7[%parallel_loop3A_234] {strides = array<i32>} : memref<65536xf32, #tpu.memory_space<vmem>>, vector<16xf32>,
        tpu.vector_store %arg7[%parallel_loop3A_234], %parallel_loop3A_229 {strides = array<i32>} : memref<65536xf32, #tpu.memory_space<vmem>>, vector<16xf32>,
        %parallel_loop3A_236 = arith.constant 10752 : i32
        %parallel_loop3A_237 = vector.broadcast %parallel_loop3A_236 : i32 to vector<16xi32>
        %parallel_loop3A_238 = arith.addi %parallel_loop3A_25, %parallel_loop3A_237 : vector<16xi32>
        %parallel_loop3A_239 = tpu.vector_load_idx %arg5[%parallel_loop3A_238] : memref<32768xf32, #tpu.memory_space<vmem>>[vector<16xi32>], vector<16xf32>,
        %parallel_loop3A_240 = arith.constant 16 : i32
        %parallel_loop3A_241 = arith.muli %parallel_loop3A_21, %parallel_loop3A_240 : i32
        %parallel_loop3A_242 = arith.constant 21504 : i32
        %parallel_loop3A_243 = arith.addi %parallel_loop3A_242, %parallel_loop3A_241 : i32
        %parallel_loop3A_244 = arith.index_cast %parallel_loop3A_243 : i32 to index
        %parallel_loop3A_245 = tpu.vector_load %arg7[%parallel_loop3A_244] {strides = array<i32>} : memref<65536xf32, #tpu.memory_space<vmem>>, vector<16xf32>,
        tpu.vector_store %arg7[%parallel_loop3A_244], %parallel_loop3A_239 {strides = array<i32>} : memref<65536xf32, #tpu.memory_space<vmem>>, vector<16xf32>,
        %parallel_loop3A_246 = arith.constant 11264 : i32
        %parallel_loop3A_247 = vector.broadcast %parallel_loop3A_246 : i32 to vector<16xi32>
        %parallel_loop3A_248 = arith.addi %parallel_loop3A_25, %parallel_loop3A_247 : vector<16xi32>
        %parallel_loop3A_249 = tpu.vector_load_idx %arg5[%parallel_loop3A_248] : memref<32768xf32, #tpu.memory_space<vmem>>[vector<16xi32>], vector<16xf32>,
        %parallel_loop3A_250 = arith.constant 16 : i32
        %parallel_loop3A_251 = arith.muli %parallel_loop3A_21, %parallel_loop3A_250 : i32
        %parallel_loop3A_252 = arith.constant 22528 : i32
        %parallel_loop3A_253 = arith.addi %parallel_loop3A_252, %parallel_loop3A_251 : i32
        %parallel_loop3A_254 = arith.index_cast %parallel_loop3A_253 : i32 to index
        %parallel_loop3A_255 = tpu.vector_load %arg7[%parallel_loop3A_254] {strides = array<i32>} : memref<65536xf32, #tpu.memory_space<vmem>>, vector<16xf32>,
        tpu.vector_store %arg7[%parallel_loop3A_254], %parallel_loop3A_249 {strides = array<i32>} : memref<65536xf32, #tpu.memory_space<vmem>>, vector<16xf32>,
        %parallel_loop3A_256 = arith.constant 11776 : i32
        %parallel_loop3A_257 = vector.broadcast %parallel_loop3A_256 : i32 to vector<16xi32>
        %parallel_loop3A_258 = arith.addi %parallel_loop3A_25, %parallel_loop3A_257 : vector<16xi32>
        %parallel_loop3A_259 = tpu.vector_load_idx %arg5[%parallel_loop3A_258] : memref<32768xf32, #tpu.memory_space<vmem>>[vector<16xi32>], vector<16xf32>,
        %parallel_loop3A_260 = arith.constant 16 : i32
        %parallel_loop3A_261 = arith.muli %parallel_loop3A_21, %parallel_loop3A_260 : i32
        %parallel_loop3A_262 = arith.constant 23552 : i32
        %parallel_loop3A_263 = arith.addi %parallel_loop3A_262, %parallel_loop3A_261 : i32
        %parallel_loop3A_264 = arith.index_cast %parallel_loop3A_263 : i32 to index
        %parallel_loop3A_265 = tpu.vector_load %arg7[%parallel_loop3A_264] {strides = array<i32>} : memref<65536xf32, #tpu.memory_space<vmem>>, vector<16xf32>,
        tpu.vector_store %arg7[%parallel_loop3A_264], %parallel_loop3A_259 {strides = array<i32>} : memref<65536xf32, #tpu.memory_space<vmem>>, vector<16xf32>,
        %parallel_loop3A_266 = arith.constant 12288 : i32
        %parallel_loop3A_267 = vector.broadcast %parallel_loop3A_266 : i32 to vector<16xi32>
        %parallel_loop3A_268 = arith.addi %parallel_loop3A_25, %parallel_loop3A_267 : vector<16xi32>
        %parallel_loop3A_269 = tpu.vector_load_idx %arg5[%parallel_loop3A_268] : memref<32768xf32, #tpu.memory_space<vmem>>[vector<16xi32>], vector<16xf32>,
        %parallel_loop3A_270 = arith.constant 16 : i32
        %parallel_loop3A_271 = arith.muli %parallel_loop3A_21, %parallel_loop3A_270 : i32
        %parallel_loop3A_272 = arith.constant 24576 : i32
        %parallel_loop3A_273 = arith.addi %parallel_loop3A_272, %parallel_loop3A_271 : i32
        %parallel_loop3A_274 = arith.index_cast %parallel_loop3A_273 : i32 to index
        %parallel_loop3A_275 = tpu.vector_load %arg7[%parallel_loop3A_274] {strides = array<i32>} : memref<65536xf32, #tpu.memory_space<vmem>>, vector<16xf32>,
        tpu.vector_store %arg7[%parallel_loop3A_274], %parallel_loop3A_269 {strides = array<i32>} : memref<65536xf32, #tpu.memory_space<vmem>>, vector<16xf32>,
        %parallel_loop3A_276 = arith.constant 12800 : i32
        %parallel_loop3A_277 = vector.broadcast %parallel_loop3A_276 : i32 to vector<16xi32>
        %parallel_loop3A_278 = arith.addi %parallel_loop3A_25, %parallel_loop3A_277 : vector<16xi32>
        %parallel_loop3A_279 = tpu.vector_load_idx %arg5[%parallel_loop3A_278] : memref<32768xf32, #tpu.memory_space<vmem>>[vector<16xi32>], vector<16xf32>,
        %parallel_loop3A_280 = arith.constant 16 : i32
        %parallel_loop3A_281 = arith.muli %parallel_loop3A_21, %parallel_loop3A_280 : i32
        %parallel_loop3A_282 = arith.constant 25600 : i32
        %parallel_loop3A_283 = arith.addi %parallel_loop3A_282, %parallel_loop3A_281 : i32
        %parallel_loop3A_284 = arith.index_cast %parallel_loop3A_283 : i32 to index
        %parallel_loop3A_285 = tpu.vector_load %arg7[%parallel_loop3A_284] {strides = array<i32>} : memref<65536xf32, #tpu.memory_space<vmem>>, vector<16xf32>,
        tpu.vector_store %arg7[%parallel_loop3A_284], %parallel_loop3A_279 {strides = array<i32>} : memref<65536xf32, #tpu.memory_space<vmem>>, vector<16xf32>,
        %parallel_loop3A_286 = arith.constant 13312 : i32
        %parallel_loop3A_287 = vector.broadcast %parallel_loop3A_286 : i32 to vector<16xi32>
        %parallel_loop3A_288 = arith.addi %parallel_loop3A_25, %parallel_loop3A_287 : vector<16xi32>
        %parallel_loop3A_289 = tpu.vector_load_idx %arg5[%parallel_loop3A_288] : memref<32768xf32, #tpu.memory_space<vmem>>[vector<16xi32>], vector<16xf32>,
        %parallel_loop3A_290 = arith.constant 16 : i32
        %parallel_loop3A_291 = arith.muli %parallel_loop3A_21, %parallel_loop3A_290 : i32
        %parallel_loop3A_292 = arith.constant 26624 : i32
        %parallel_loop3A_293 = arith.addi %parallel_loop3A_292, %parallel_loop3A_291 : i32
        %parallel_loop3A_294 = arith.index_cast %parallel_loop3A_293 : i32 to index
        %parallel_loop3A_295 = tpu.vector_load %arg7[%parallel_loop3A_294] {strides = array<i32>} : memref<65536xf32, #tpu.memory_space<vmem>>, vector<16xf32>,
        tpu.vector_store %arg7[%parallel_loop3A_294], %parallel_loop3A_289 {strides = array<i32>} : memref<65536xf32, #tpu.memory_space<vmem>>, vector<16xf32>,
        %parallel_loop3A_296 = arith.constant 13824 : i32
        %parallel_loop3A_297 = vector.broadcast %parallel_loop3A_296 : i32 to vector<16xi32>
        %parallel_loop3A_298 = arith.addi %parallel_loop3A_25, %parallel_loop3A_297 : vector<16xi32>
        %parallel_loop3A_299 = tpu.vector_load_idx %arg5[%parallel_loop3A_298] : memref<32768xf32, #tpu.memory_space<vmem>>[vector<16xi32>], vector<16xf32>,
        %parallel_loop3A_300 = arith.constant 16 : i32
        %parallel_loop3A_301 = arith.muli %parallel_loop3A_21, %parallel_loop3A_300 : i32
        %parallel_loop3A_302 = arith.constant 27648 : i32
        %parallel_loop3A_303 = arith.addi %parallel_loop3A_302, %parallel_loop3A_301 : i32
        %parallel_loop3A_304 = arith.index_cast %parallel_loop3A_303 : i32 to index
        %parallel_loop3A_305 = tpu.vector_load %arg7[%parallel_loop3A_304] {strides = array<i32>} : memref<65536xf32, #tpu.memory_space<vmem>>, vector<16xf32>,
        tpu.vector_store %arg7[%parallel_loop3A_304], %parallel_loop3A_299 {strides = array<i32>} : memref<65536xf32, #tpu.memory_space<vmem>>, vector<16xf32>,
        %parallel_loop3A_306 = arith.constant 14336 : i32
        %parallel_loop3A_307 = vector.broadcast %parallel_loop3A_306 : i32 to vector<16xi32>
        %parallel_loop3A_308 = arith.addi %parallel_loop3A_25, %parallel_loop3A_307 : vector<16xi32>
        %parallel_loop3A_309 = tpu.vector_load_idx %arg5[%parallel_loop3A_308] : memref<32768xf32, #tpu.memory_space<vmem>>[vector<16xi32>], vector<16xf32>,
        %parallel_loop3A_310 = arith.constant 16 : i32
        %parallel_loop3A_311 = arith.muli %parallel_loop3A_21, %parallel_loop3A_310 : i32
        %parallel_loop3A_312 = arith.constant 28672 : i32
        %parallel_loop3A_313 = arith.addi %parallel_loop3A_312, %parallel_loop3A_311 : i32
        %parallel_loop3A_314 = arith.index_cast %parallel_loop3A_313 : i32 to index
        %parallel_loop3A_315 = tpu.vector_load %arg7[%parallel_loop3A_314] {strides = array<i32>} : memref<65536xf32, #tpu.memory_space<vmem>>, vector<16xf32>,
        tpu.vector_store %arg7[%parallel_loop3A_314], %parallel_loop3A_309 {strides = array<i32>} : memref<65536xf32, #tpu.memory_space<vmem>>, vector<16xf32>,
        %parallel_loop3A_316 = arith.constant 14848 : i32
        %parallel_loop3A_317 = vector.broadcast %parallel_loop3A_316 : i32 to vector<16xi32>
        %parallel_loop3A_318 = arith.addi %parallel_loop3A_25, %parallel_loop3A_317 : vector<16xi32>
        %parallel_loop3A_319 = tpu.vector_load_idx %arg5[%parallel_loop3A_318] : memref<32768xf32, #tpu.memory_space<vmem>>[vector<16xi32>], vector<16xf32>,
        %parallel_loop3A_320 = arith.constant 16 : i32
        %parallel_loop3A_321 = arith.muli %parallel_loop3A_21, %parallel_loop3A_320 : i32
        %parallel_loop3A_322 = arith.constant 29696 : i32
        %parallel_loop3A_323 = arith.addi %parallel_loop3A_322, %parallel_loop3A_321 : i32
        %parallel_loop3A_324 = arith.index_cast %parallel_loop3A_323 : i32 to index
        %parallel_loop3A_325 = tpu.vector_load %arg7[%parallel_loop3A_324] {strides = array<i32>} : memref<65536xf32, #tpu.memory_space<vmem>>, vector<16xf32>,
        tpu.vector_store %arg7[%parallel_loop3A_324], %parallel_loop3A_319 {strides = array<i32>} : memref<65536xf32, #tpu.memory_space<vmem>>, vector<16xf32>,
        %parallel_loop3A_326 = arith.constant 15360 : i32
        %parallel_loop3A_327 = vector.broadcast %parallel_loop3A_326 : i32 to vector<16xi32>
        %parallel_loop3A_328 = arith.addi %parallel_loop3A_25, %parallel_loop3A_327 : vector<16xi32>
        %parallel_loop3A_329 = tpu.vector_load_idx %arg5[%parallel_loop3A_328] : memref<32768xf32, #tpu.memory_space<vmem>>[vector<16xi32>], vector<16xf32>,
        %parallel_loop3A_330 = arith.constant 16 : i32
        %parallel_loop3A_331 = arith.muli %parallel_loop3A_21, %parallel_loop3A_330 : i32
        %parallel_loop3A_332 = arith.constant 30720 : i32
        %parallel_loop3A_333 = arith.addi %parallel_loop3A_332, %parallel_loop3A_331 : i32
        %parallel_loop3A_334 = arith.index_cast %parallel_loop3A_333 : i32 to index
        %parallel_loop3A_335 = tpu.vector_load %arg7[%parallel_loop3A_334] {strides = array<i32>} : memref<65536xf32, #tpu.memory_space<vmem>>, vector<16xf32>,
        tpu.vector_store %arg7[%parallel_loop3A_334], %parallel_loop3A_329 {strides = array<i32>} : memref<65536xf32, #tpu.memory_space<vmem>>, vector<16xf32>,
        %parallel_loop3A_336 = arith.constant 15872 : i32
        %parallel_loop3A_337 = vector.broadcast %parallel_loop3A_336 : i32 to vector<16xi32>
        %parallel_loop3A_338 = arith.addi %parallel_loop3A_25, %parallel_loop3A_337 : vector<16xi32>
        %parallel_loop3A_339 = tpu.vector_load_idx %arg5[%parallel_loop3A_338] : memref<32768xf32, #tpu.memory_space<vmem>>[vector<16xi32>], vector<16xf32>,
        %parallel_loop3A_340 = arith.constant 16 : i32
        %parallel_loop3A_341 = arith.muli %parallel_loop3A_21, %parallel_loop3A_340 : i32
        %parallel_loop3A_342 = arith.constant 31744 : i32
        %parallel_loop3A_343 = arith.addi %parallel_loop3A_342, %parallel_loop3A_341 : i32
        %parallel_loop3A_344 = arith.index_cast %parallel_loop3A_343 : i32 to index
        %parallel_loop3A_345 = tpu.vector_load %arg7[%parallel_loop3A_344] {strides = array<i32>} : memref<65536xf32, #tpu.memory_space<vmem>>, vector<16xf32>,
        tpu.vector_store %arg7[%parallel_loop3A_344], %parallel_loop3A_339 {strides = array<i32>} : memref<65536xf32, #tpu.memory_space<vmem>>, vector<16xf32>,
        %parallel_loop3A_346 = arith.constant 16384 : i32
        %parallel_loop3A_347 = vector.broadcast %parallel_loop3A_346 : i32 to vector<16xi32>
        %parallel_loop3A_348 = arith.addi %parallel_loop3A_25, %parallel_loop3A_347 : vector<16xi32>
        %parallel_loop3A_349 = tpu.vector_load_idx %arg5[%parallel_loop3A_348] : memref<32768xf32, #tpu.memory_space<vmem>>[vector<16xi32>], vector<16xf32>,
        %parallel_loop3A_350 = arith.constant 16 : i32
        %parallel_loop3A_351 = arith.muli %parallel_loop3A_21, %parallel_loop3A_350 : i32
        %parallel_loop3A_352 = arith.constant 32768 : i32
        %parallel_loop3A_353 = arith.addi %parallel_loop3A_352, %parallel_loop3A_351 : i32
        %parallel_loop3A_354 = arith.index_cast %parallel_loop3A_353 : i32 to index
        %parallel_loop3A_355 = tpu.vector_load %arg7[%parallel_loop3A_354] {strides = array<i32>} : memref<65536xf32, #tpu.memory_space<vmem>>, vector<16xf32>,
        tpu.vector_store %arg7[%parallel_loop3A_354], %parallel_loop3A_349 {strides = array<i32>} : memref<65536xf32, #tpu.memory_space<vmem>>, vector<16xf32>,
        %parallel_loop3A_356 = arith.constant 16896 : i32
        %parallel_loop3A_357 = vector.broadcast %parallel_loop3A_356 : i32 to vector<16xi32>
        %parallel_loop3A_358 = arith.addi %parallel_loop3A_25, %parallel_loop3A_357 : vector<16xi32>
        %parallel_loop3A_359 = tpu.vector_load_idx %arg5[%parallel_loop3A_358] : memref<32768xf32, #tpu.memory_space<vmem>>[vector<16xi32>], vector<16xf32>,
        %parallel_loop3A_360 = arith.constant 16 : i32
        %parallel_loop3A_361 = arith.muli %parallel_loop3A_21, %parallel_loop3A_360 : i32
        %parallel_loop3A_362 = arith.constant 33792 : i32
        %parallel_loop3A_363 = arith.addi %parallel_loop3A_362, %parallel_loop3A_361 : i32
        %parallel_loop3A_364 = arith.index_cast %parallel_loop3A_363 : i32 to index
        %parallel_loop3A_365 = tpu.vector_load %arg7[%parallel_loop3A_364] {strides = array<i32>} : memref<65536xf32, #tpu.memory_space<vmem>>, vector<16xf32>,
        tpu.vector_store %arg7[%parallel_loop3A_364], %parallel_loop3A_359 {strides = array<i32>} : memref<65536xf32, #tpu.memory_space<vmem>>, vector<16xf32>,
        %parallel_loop3A_366 = arith.constant 17408 : i32
        %parallel_loop3A_367 = vector.broadcast %parallel_loop3A_366 : i32 to vector<16xi32>
        %parallel_loop3A_368 = arith.addi %parallel_loop3A_25, %parallel_loop3A_367 : vector<16xi32>
        %parallel_loop3A_369 = tpu.vector_load_idx %arg5[%parallel_loop3A_368] : memref<32768xf32, #tpu.memory_space<vmem>>[vector<16xi32>], vector<16xf32>,
        %parallel_loop3A_370 = arith.constant 16 : i32
        %parallel_loop3A_371 = arith.muli %parallel_loop3A_21, %parallel_loop3A_370 : i32
        %parallel_loop3A_372 = arith.constant 34816 : i32
        %parallel_loop3A_373 = arith.addi %parallel_loop3A_372, %parallel_loop3A_371 : i32
        %parallel_loop3A_374 = arith.index_cast %parallel_loop3A_373 : i32 to index
        %parallel_loop3A_375 = tpu.vector_load %arg7[%parallel_loop3A_374] {strides = array<i32>} : memref<65536xf32, #tpu.memory_space<vmem>>, vector<16xf32>,
        tpu.vector_store %arg7[%parallel_loop3A_374], %parallel_loop3A_369 {strides = array<i32>} : memref<65536xf32, #tpu.memory_space<vmem>>, vector<16xf32>,
        %parallel_loop3A_376 = arith.constant 17920 : i32
        %parallel_loop3A_377 = vector.broadcast %parallel_loop3A_376 : i32 to vector<16xi32>
        %parallel_loop3A_378 = arith.addi %parallel_loop3A_25, %parallel_loop3A_377 : vector<16xi32>
        %parallel_loop3A_379 = tpu.vector_load_idx %arg5[%parallel_loop3A_378] : memref<32768xf32, #tpu.memory_space<vmem>>[vector<16xi32>], vector<16xf32>,
        %parallel_loop3A_380 = arith.constant 16 : i32
        %parallel_loop3A_381 = arith.muli %parallel_loop3A_21, %parallel_loop3A_380 : i32
        %parallel_loop3A_382 = arith.constant 35840 : i32
        %parallel_loop3A_383 = arith.addi %parallel_loop3A_382, %parallel_loop3A_381 : i32
        %parallel_loop3A_384 = arith.index_cast %parallel_loop3A_383 : i32 to index
        %parallel_loop3A_385 = tpu.vector_load %arg7[%parallel_loop3A_384] {strides = array<i32>} : memref<65536xf32, #tpu.memory_space<vmem>>, vector<16xf32>,
        tpu.vector_store %arg7[%parallel_loop3A_384], %parallel_loop3A_379 {strides = array<i32>} : memref<65536xf32, #tpu.memory_space<vmem>>, vector<16xf32>,
        %parallel_loop3A_386 = arith.constant 18432 : i32
        %parallel_loop3A_387 = vector.broadcast %parallel_loop3A_386 : i32 to vector<16xi32>
        %parallel_loop3A_388 = arith.addi %parallel_loop3A_25, %parallel_loop3A_387 : vector<16xi32>
        %parallel_loop3A_389 = tpu.vector_load_idx %arg5[%parallel_loop3A_388] : memref<32768xf32, #tpu.memory_space<vmem>>[vector<16xi32>], vector<16xf32>,
        %parallel_loop3A_390 = arith.constant 16 : i32
        %parallel_loop3A_391 = arith.muli %parallel_loop3A_21, %parallel_loop3A_390 : i32
        %parallel_loop3A_392 = arith.constant 36864 : i32
        %parallel_loop3A_393 = arith.addi %parallel_loop3A_392, %parallel_loop3A_391 : i32
        %parallel_loop3A_394 = arith.index_cast %parallel_loop3A_393 : i32 to index
        %parallel_loop3A_395 = tpu.vector_load %arg7[%parallel_loop3A_394] {strides = array<i32>} : memref<65536xf32, #tpu.memory_space<vmem>>, vector<16xf32>,
        tpu.vector_store %arg7[%parallel_loop3A_394], %parallel_loop3A_389 {strides = array<i32>} : memref<65536xf32, #tpu.memory_space<vmem>>, vector<16xf32>,
        %parallel_loop3A_396 = arith.constant 18944 : i32
        %parallel_loop3A_397 = vector.broadcast %parallel_loop3A_396 : i32 to vector<16xi32>
        %parallel_loop3A_398 = arith.addi %parallel_loop3A_25, %parallel_loop3A_397 : vector<16xi32>
        %parallel_loop3A_399 = tpu.vector_load_idx %arg5[%parallel_loop3A_398] : memref<32768xf32, #tpu.memory_space<vmem>>[vector<16xi32>], vector<16xf32>,
        %parallel_loop3A_400 = arith.constant 16 : i32
        %parallel_loop3A_401 = arith.muli %parallel_loop3A_21, %parallel_loop3A_400 : i32
        %parallel_loop3A_402 = arith.constant 37888 : i32
        %parallel_loop3A_403 = arith.addi %parallel_loop3A_402, %parallel_loop3A_401 : i32
        %parallel_loop3A_404 = arith.index_cast %parallel_loop3A_403 : i32 to index
        %parallel_loop3A_405 = tpu.vector_load %arg7[%parallel_loop3A_404] {strides = array<i32>} : memref<65536xf32, #tpu.memory_space<vmem>>, vector<16xf32>,
        tpu.vector_store %arg7[%parallel_loop3A_404], %parallel_loop3A_399 {strides = array<i32>} : memref<65536xf32, #tpu.memory_space<vmem>>, vector<16xf32>,
        %parallel_loop3A_406 = arith.constant 19456 : i32
        %parallel_loop3A_407 = vector.broadcast %parallel_loop3A_406 : i32 to vector<16xi32>
        %parallel_loop3A_408 = arith.addi %parallel_loop3A_25, %parallel_loop3A_407 : vector<16xi32>
        %parallel_loop3A_409 = tpu.vector_load_idx %arg5[%parallel_loop3A_408] : memref<32768xf32, #tpu.memory_space<vmem>>[vector<16xi32>], vector<16xf32>,
        %parallel_loop3A_410 = arith.constant 16 : i32
        %parallel_loop3A_411 = arith.muli %parallel_loop3A_21, %parallel_loop3A_410 : i32
        %parallel_loop3A_412 = arith.constant 38912 : i32
        %parallel_loop3A_413 = arith.addi %parallel_loop3A_412, %parallel_loop3A_411 : i32
        %parallel_loop3A_414 = arith.index_cast %parallel_loop3A_413 : i32 to index
        %parallel_loop3A_415 = tpu.vector_load %arg7[%parallel_loop3A_414] {strides = array<i32>} : memref<65536xf32, #tpu.memory_space<vmem>>, vector<16xf32>,
        tpu.vector_store %arg7[%parallel_loop3A_414], %parallel_loop3A_409 {strides = array<i32>} : memref<65536xf32, #tpu.memory_space<vmem>>, vector<16xf32>,
        %parallel_loop3A_416 = arith.constant 19968 : i32
        %parallel_loop3A_417 = vector.broadcast %parallel_loop3A_416 : i32 to vector<16xi32>
        %parallel_loop3A_418 = arith.addi %parallel_loop3A_25, %parallel_loop3A_417 : vector<16xi32>
        %parallel_loop3A_419 = tpu.vector_load_idx %arg5[%parallel_loop3A_418] : memref<32768xf32, #tpu.memory_space<vmem>>[vector<16xi32>], vector<16xf32>,
        %parallel_loop3A_420 = arith.constant 16 : i32
        %parallel_loop3A_421 = arith.muli %parallel_loop3A_21, %parallel_loop3A_420 : i32
        %parallel_loop3A_422 = arith.constant 39936 : i32
        %parallel_loop3A_423 = arith.addi %parallel_loop3A_422, %parallel_loop3A_421 : i32
        %parallel_loop3A_424 = arith.index_cast %parallel_loop3A_423 : i32 to index
        %parallel_loop3A_425 = tpu.vector_load %arg7[%parallel_loop3A_424] {strides = array<i32>} : memref<65536xf32, #tpu.memory_space<vmem>>, vector<16xf32>,
        tpu.vector_store %arg7[%parallel_loop3A_424], %parallel_loop3A_419 {strides = array<i32>} : memref<65536xf32, #tpu.memory_space<vmem>>, vector<16xf32>,
        %parallel_loop3A_426 = arith.constant 20480 : i32
        %parallel_loop3A_427 = vector.broadcast %parallel_loop3A_426 : i32 to vector<16xi32>
        %parallel_loop3A_428 = arith.addi %parallel_loop3A_25, %parallel_loop3A_427 : vector<16xi32>
        %parallel_loop3A_429 = tpu.vector_load_idx %arg5[%parallel_loop3A_428] : memref<32768xf32, #tpu.memory_space<vmem>>[vector<16xi32>], vector<16xf32>,
        %parallel_loop3A_430 = arith.constant 16 : i32
        %parallel_loop3A_431 = arith.muli %parallel_loop3A_21, %parallel_loop3A_430 : i32
        %parallel_loop3A_432 = arith.constant 40960 : i32
        %parallel_loop3A_433 = arith.addi %parallel_loop3A_432, %parallel_loop3A_431 : i32
        %parallel_loop3A_434 = arith.index_cast %parallel_loop3A_433 : i32 to index
        %parallel_loop3A_435 = tpu.vector_load %arg7[%parallel_loop3A_434] {strides = array<i32>} : memref<65536xf32, #tpu.memory_space<vmem>>, vector<16xf32>,
        tpu.vector_store %arg7[%parallel_loop3A_434], %parallel_loop3A_429 {strides = array<i32>} : memref<65536xf32, #tpu.memory_space<vmem>>, vector<16xf32>,
        %parallel_loop3A_436 = arith.constant 20992 : i32
        %parallel_loop3A_437 = vector.broadcast %parallel_loop3A_436 : i32 to vector<16xi32>
        %parallel_loop3A_438 = arith.addi %parallel_loop3A_25, %parallel_loop3A_437 : vector<16xi32>
        %parallel_loop3A_439 = tpu.vector_load_idx %arg5[%parallel_loop3A_438] : memref<32768xf32, #tpu.memory_space<vmem>>[vector<16xi32>], vector<16xf32>,
        %parallel_loop3A_440 = arith.constant 16 : i32
        %parallel_loop3A_441 = arith.muli %parallel_loop3A_21, %parallel_loop3A_440 : i32
        %parallel_loop3A_442 = arith.constant 41984 : i32
        %parallel_loop3A_443 = arith.addi %parallel_loop3A_442, %parallel_loop3A_441 : i32
        %parallel_loop3A_444 = arith.index_cast %parallel_loop3A_443 : i32 to index
        %parallel_loop3A_445 = tpu.vector_load %arg7[%parallel_loop3A_444] {strides = array<i32>} : memref<65536xf32, #tpu.memory_space<vmem>>, vector<16xf32>,
        tpu.vector_store %arg7[%parallel_loop3A_444], %parallel_loop3A_439 {strides = array<i32>} : memref<65536xf32, #tpu.memory_space<vmem>>, vector<16xf32>,
        %parallel_loop3A_446 = arith.constant 21504 : i32
        %parallel_loop3A_447 = vector.broadcast %parallel_loop3A_446 : i32 to vector<16xi32>
        %parallel_loop3A_448 = arith.addi %parallel_loop3A_25, %parallel_loop3A_447 : vector<16xi32>
        %parallel_loop3A_449 = tpu.vector_load_idx %arg5[%parallel_loop3A_448] : memref<32768xf32, #tpu.memory_space<vmem>>[vector<16xi32>], vector<16xf32>,
        %parallel_loop3A_450 = arith.constant 16 : i32
        %parallel_loop3A_451 = arith.muli %parallel_loop3A_21, %parallel_loop3A_450 : i32
        %parallel_loop3A_452 = arith.constant 43008 : i32
        %parallel_loop3A_453 = arith.addi %parallel_loop3A_452, %parallel_loop3A_451 : i32
        %parallel_loop3A_454 = arith.index_cast %parallel_loop3A_453 : i32 to index
        %parallel_loop3A_455 = tpu.vector_load %arg7[%parallel_loop3A_454] {strides = array<i32>} : memref<65536xf32, #tpu.memory_space<vmem>>, vector<16xf32>,
        tpu.vector_store %arg7[%parallel_loop3A_454], %parallel_loop3A_449 {strides = array<i32>} : memref<65536xf32, #tpu.memory_space<vmem>>, vector<16xf32>,
        %parallel_loop3A_456 = arith.constant 22016 : i32
        %parallel_loop3A_457 = vector.broadcast %parallel_loop3A_456 : i32 to vector<16xi32>
        %parallel_loop3A_458 = arith.addi %parallel_loop3A_25, %parallel_loop3A_457 : vector<16xi32>
        %parallel_loop3A_459 = tpu.vector_load_idx %arg5[%parallel_loop3A_458] : memref<32768xf32, #tpu.memory_space<vmem>>[vector<16xi32>], vector<16xf32>,
        %parallel_loop3A_460 = arith.constant 16 : i32
        %parallel_loop3A_461 = arith.muli %parallel_loop3A_21, %parallel_loop3A_460 : i32
        %parallel_loop3A_462 = arith.constant 44032 : i32
        %parallel_loop3A_463 = arith.addi %parallel_loop3A_462, %parallel_loop3A_461 : i32
        %parallel_loop3A_464 = arith.index_cast %parallel_loop3A_463 : i32 to index
        %parallel_loop3A_465 = tpu.vector_load %arg7[%parallel_loop3A_464] {strides = array<i32>} : memref<65536xf32, #tpu.memory_space<vmem>>, vector<16xf32>,
        tpu.vector_store %arg7[%parallel_loop3A_464], %parallel_loop3A_459 {strides = array<i32>} : memref<65536xf32, #tpu.memory_space<vmem>>, vector<16xf32>,
        %parallel_loop3A_466 = arith.constant 22528 : i32
        %parallel_loop3A_467 = vector.broadcast %parallel_loop3A_466 : i32 to vector<16xi32>
        %parallel_loop3A_468 = arith.addi %parallel_loop3A_25, %parallel_loop3A_467 : vector<16xi32>
        %parallel_loop3A_469 = tpu.vector_load_idx %arg5[%parallel_loop3A_468] : memref<32768xf32, #tpu.memory_space<vmem>>[vector<16xi32>], vector<16xf32>,
        %parallel_loop3A_470 = arith.constant 16 : i32
        %parallel_loop3A_471 = arith.muli %parallel_loop3A_21, %parallel_loop3A_470 : i32
        %parallel_loop3A_472 = arith.constant 45056 : i32
        %parallel_loop3A_473 = arith.addi %parallel_loop3A_472, %parallel_loop3A_471 : i32
        %parallel_loop3A_474 = arith.index_cast %parallel_loop3A_473 : i32 to index
        %parallel_loop3A_475 = tpu.vector_load %arg7[%parallel_loop3A_474] {strides = array<i32>} : memref<65536xf32, #tpu.memory_space<vmem>>, vector<16xf32>,
        tpu.vector_store %arg7[%parallel_loop3A_474], %parallel_loop3A_469 {strides = array<i32>} : memref<65536xf32, #tpu.memory_space<vmem>>, vector<16xf32>,
        %parallel_loop3A_476 = arith.constant 23040 : i32
        %parallel_loop3A_477 = vector.broadcast %parallel_loop3A_476 : i32 to vector<16xi32>
        %parallel_loop3A_478 = arith.addi %parallel_loop3A_25, %parallel_loop3A_477 : vector<16xi32>
        %parallel_loop3A_479 = tpu.vector_load_idx %arg5[%parallel_loop3A_478] : memref<32768xf32, #tpu.memory_space<vmem>>[vector<16xi32>], vector<16xf32>,
        %parallel_loop3A_480 = arith.constant 16 : i32
        %parallel_loop3A_481 = arith.muli %parallel_loop3A_21, %parallel_loop3A_480 : i32
        %parallel_loop3A_482 = arith.constant 46080 : i32
        %parallel_loop3A_483 = arith.addi %parallel_loop3A_482, %parallel_loop3A_481 : i32
        %parallel_loop3A_484 = arith.index_cast %parallel_loop3A_483 : i32 to index
        %parallel_loop3A_485 = tpu.vector_load %arg7[%parallel_loop3A_484] {strides = array<i32>} : memref<65536xf32, #tpu.memory_space<vmem>>, vector<16xf32>,
        tpu.vector_store %arg7[%parallel_loop3A_484], %parallel_loop3A_479 {strides = array<i32>} : memref<65536xf32, #tpu.memory_space<vmem>>, vector<16xf32>,
        %parallel_loop3A_486 = arith.constant 23552 : i32
        %parallel_loop3A_487 = vector.broadcast %parallel_loop3A_486 : i32 to vector<16xi32>
        %parallel_loop3A_488 = arith.addi %parallel_loop3A_25, %parallel_loop3A_487 : vector<16xi32>
        %parallel_loop3A_489 = tpu.vector_load_idx %arg5[%parallel_loop3A_488] : memref<32768xf32, #tpu.memory_space<vmem>>[vector<16xi32>], vector<16xf32>,
        %parallel_loop3A_490 = arith.constant 16 : i32
        %parallel_loop3A_491 = arith.muli %parallel_loop3A_21, %parallel_loop3A_490 : i32
        %parallel_loop3A_492 = arith.constant 47104 : i32
        %parallel_loop3A_493 = arith.addi %parallel_loop3A_492, %parallel_loop3A_491 : i32
        %parallel_loop3A_494 = arith.index_cast %parallel_loop3A_493 : i32 to index
        %parallel_loop3A_495 = tpu.vector_load %arg7[%parallel_loop3A_494] {strides = array<i32>} : memref<65536xf32, #tpu.memory_space<vmem>>, vector<16xf32>,
        tpu.vector_store %arg7[%parallel_loop3A_494], %parallel_loop3A_489 {strides = array<i32>} : memref<65536xf32, #tpu.memory_space<vmem>>, vector<16xf32>,
        %parallel_loop3A_496 = arith.constant 24064 : i32
        %parallel_loop3A_497 = vector.broadcast %parallel_loop3A_496 : i32 to vector<16xi32>
        %parallel_loop3A_498 = arith.addi %parallel_loop3A_25, %parallel_loop3A_497 : vector<16xi32>
        %parallel_loop3A_499 = tpu.vector_load_idx %arg5[%parallel_loop3A_498] : memref<32768xf32, #tpu.memory_space<vmem>>[vector<16xi32>], vector<16xf32>,
        %parallel_loop3A_500 = arith.constant 16 : i32
        %parallel_loop3A_501 = arith.muli %parallel_loop3A_21, %parallel_loop3A_500 : i32
        %parallel_loop3A_502 = arith.constant 48128 : i32
        %parallel_loop3A_503 = arith.addi %parallel_loop3A_502, %parallel_loop3A_501 : i32
        %parallel_loop3A_504 = arith.index_cast %parallel_loop3A_503 : i32 to index
        %parallel_loop3A_505 = tpu.vector_load %arg7[%parallel_loop3A_504] {strides = array<i32>} : memref<65536xf32, #tpu.memory_space<vmem>>, vector<16xf32>,
        tpu.vector_store %arg7[%parallel_loop3A_504], %parallel_loop3A_499 {strides = array<i32>} : memref<65536xf32, #tpu.memory_space<vmem>>, vector<16xf32>,
        %parallel_loop3A_506 = arith.constant 24576 : i32
        %parallel_loop3A_507 = vector.broadcast %parallel_loop3A_506 : i32 to vector<16xi32>
        %parallel_loop3A_508 = arith.addi %parallel_loop3A_25, %parallel_loop3A_507 : vector<16xi32>
        %parallel_loop3A_509 = tpu.vector_load_idx %arg5[%parallel_loop3A_508] : memref<32768xf32, #tpu.memory_space<vmem>>[vector<16xi32>], vector<16xf32>,
        %parallel_loop3A_510 = arith.constant 16 : i32
        %parallel_loop3A_511 = arith.muli %parallel_loop3A_21, %parallel_loop3A_510 : i32
        %parallel_loop3A_512 = arith.constant 49152 : i32
        %parallel_loop3A_513 = arith.addi %parallel_loop3A_512, %parallel_loop3A_511 : i32
        %parallel_loop3A_514 = arith.index_cast %parallel_loop3A_513 : i32 to index
        %parallel_loop3A_515 = tpu.vector_load %arg7[%parallel_loop3A_514] {strides = array<i32>} : memref<65536xf32, #tpu.memory_space<vmem>>, vector<16xf32>,
        tpu.vector_store %arg7[%parallel_loop3A_514], %parallel_loop3A_509 {strides = array<i32>} : memref<65536xf32, #tpu.memory_space<vmem>>, vector<16xf32>,
        %parallel_loop3A_516 = arith.constant 25088 : i32
        %parallel_loop3A_517 = vector.broadcast %parallel_loop3A_516 : i32 to vector<16xi32>
        %parallel_loop3A_518 = arith.addi %parallel_loop3A_25, %parallel_loop3A_517 : vector<16xi32>
        %parallel_loop3A_519 = tpu.vector_load_idx %arg5[%parallel_loop3A_518] : memref<32768xf32, #tpu.memory_space<vmem>>[vector<16xi32>], vector<16xf32>,
        %parallel_loop3A_520 = arith.constant 16 : i32
        %parallel_loop3A_521 = arith.muli %parallel_loop3A_21, %parallel_loop3A_520 : i32
        %parallel_loop3A_522 = arith.constant 50176 : i32
        %parallel_loop3A_523 = arith.addi %parallel_loop3A_522, %parallel_loop3A_521 : i32
        %parallel_loop3A_524 = arith.index_cast %parallel_loop3A_523 : i32 to index
        %parallel_loop3A_525 = tpu.vector_load %arg7[%parallel_loop3A_524] {strides = array<i32>} : memref<65536xf32, #tpu.memory_space<vmem>>, vector<16xf32>,
        tpu.vector_store %arg7[%parallel_loop3A_524], %parallel_loop3A_519 {strides = array<i32>} : memref<65536xf32, #tpu.memory_space<vmem>>, vector<16xf32>,
        %parallel_loop3A_526 = arith.constant 25600 : i32
        %parallel_loop3A_527 = vector.broadcast %parallel_loop3A_526 : i32 to vector<16xi32>
        %parallel_loop3A_528 = arith.addi %parallel_loop3A_25, %parallel_loop3A_527 : vector<16xi32>
        %parallel_loop3A_529 = tpu.vector_load_idx %arg5[%parallel_loop3A_528] : memref<32768xf32, #tpu.memory_space<vmem>>[vector<16xi32>], vector<16xf32>,
        %parallel_loop3A_530 = arith.constant 16 : i32
        %parallel_loop3A_531 = arith.muli %parallel_loop3A_21, %parallel_loop3A_530 : i32
        %parallel_loop3A_532 = arith.constant 51200 : i32
        %parallel_loop3A_533 = arith.addi %parallel_loop3A_532, %parallel_loop3A_531 : i32
        %parallel_loop3A_534 = arith.index_cast %parallel_loop3A_533 : i32 to index
        %parallel_loop3A_535 = tpu.vector_load %arg7[%parallel_loop3A_534] {strides = array<i32>} : memref<65536xf32, #tpu.memory_space<vmem>>, vector<16xf32>,
        tpu.vector_store %arg7[%parallel_loop3A_534], %parallel_loop3A_529 {strides = array<i32>} : memref<65536xf32, #tpu.memory_space<vmem>>, vector<16xf32>,
        %parallel_loop3A_536 = arith.constant 26112 : i32
        %parallel_loop3A_537 = vector.broadcast %parallel_loop3A_536 : i32 to vector<16xi32>
        %parallel_loop3A_538 = arith.addi %parallel_loop3A_25, %parallel_loop3A_537 : vector<16xi32>
        %parallel_loop3A_539 = tpu.vector_load_idx %arg5[%parallel_loop3A_538] : memref<32768xf32, #tpu.memory_space<vmem>>[vector<16xi32>], vector<16xf32>,
        %parallel_loop3A_540 = arith.constant 16 : i32
        %parallel_loop3A_541 = arith.muli %parallel_loop3A_21, %parallel_loop3A_540 : i32
        %parallel_loop3A_542 = arith.constant 52224 : i32
        %parallel_loop3A_543 = arith.addi %parallel_loop3A_542, %parallel_loop3A_541 : i32
        %parallel_loop3A_544 = arith.index_cast %parallel_loop3A_543 : i32 to index
        %parallel_loop3A_545 = tpu.vector_load %arg7[%parallel_loop3A_544] {strides = array<i32>} : memref<65536xf32, #tpu.memory_space<vmem>>, vector<16xf32>,
        tpu.vector_store %arg7[%parallel_loop3A_544], %parallel_loop3A_539 {strides = array<i32>} : memref<65536xf32, #tpu.memory_space<vmem>>, vector<16xf32>,
        %parallel_loop3A_546 = arith.constant 26624 : i32
        %parallel_loop3A_547 = vector.broadcast %parallel_loop3A_546 : i32 to vector<16xi32>
        %parallel_loop3A_548 = arith.addi %parallel_loop3A_25, %parallel_loop3A_547 : vector<16xi32>
        %parallel_loop3A_549 = tpu.vector_load_idx %arg5[%parallel_loop3A_548] : memref<32768xf32, #tpu.memory_space<vmem>>[vector<16xi32>], vector<16xf32>,
        %parallel_loop3A_550 = arith.constant 16 : i32
        %parallel_loop3A_551 = arith.muli %parallel_loop3A_21, %parallel_loop3A_550 : i32
        %parallel_loop3A_552 = arith.constant 53248 : i32
        %parallel_loop3A_553 = arith.addi %parallel_loop3A_552, %parallel_loop3A_551 : i32
        %parallel_loop3A_554 = arith.index_cast %parallel_loop3A_553 : i32 to index
        %parallel_loop3A_555 = tpu.vector_load %arg7[%parallel_loop3A_554] {strides = array<i32>} : memref<65536xf32, #tpu.memory_space<vmem>>, vector<16xf32>,
        tpu.vector_store %arg7[%parallel_loop3A_554], %parallel_loop3A_549 {strides = array<i32>} : memref<65536xf32, #tpu.memory_space<vmem>>, vector<16xf32>,
        %parallel_loop3A_556 = arith.constant 27136 : i32
        %parallel_loop3A_557 = vector.broadcast %parallel_loop3A_556 : i32 to vector<16xi32>
        %parallel_loop3A_558 = arith.addi %parallel_loop3A_25, %parallel_loop3A_557 : vector<16xi32>
        %parallel_loop3A_559 = tpu.vector_load_idx %arg5[%parallel_loop3A_558] : memref<32768xf32, #tpu.memory_space<vmem>>[vector<16xi32>], vector<16xf32>,
        %parallel_loop3A_560 = arith.constant 16 : i32
        %parallel_loop3A_561 = arith.muli %parallel_loop3A_21, %parallel_loop3A_560 : i32
        %parallel_loop3A_562 = arith.constant 54272 : i32
        %parallel_loop3A_563 = arith.addi %parallel_loop3A_562, %parallel_loop3A_561 : i32
        %parallel_loop3A_564 = arith.index_cast %parallel_loop3A_563 : i32 to index
        %parallel_loop3A_565 = tpu.vector_load %arg7[%parallel_loop3A_564] {strides = array<i32>} : memref<65536xf32, #tpu.memory_space<vmem>>, vector<16xf32>,
        tpu.vector_store %arg7[%parallel_loop3A_564], %parallel_loop3A_559 {strides = array<i32>} : memref<65536xf32, #tpu.memory_space<vmem>>, vector<16xf32>,
        %parallel_loop3A_566 = arith.constant 27648 : i32
        %parallel_loop3A_567 = vector.broadcast %parallel_loop3A_566 : i32 to vector<16xi32>
        %parallel_loop3A_568 = arith.addi %parallel_loop3A_25, %parallel_loop3A_567 : vector<16xi32>
        %parallel_loop3A_569 = tpu.vector_load_idx %arg5[%parallel_loop3A_568] : memref<32768xf32, #tpu.memory_space<vmem>>[vector<16xi32>], vector<16xf32>,
        %parallel_loop3A_570 = arith.constant 16 : i32
        %parallel_loop3A_571 = arith.muli %parallel_loop3A_21, %parallel_loop3A_570 : i32
        %parallel_loop3A_572 = arith.constant 55296 : i32
        %parallel_loop3A_573 = arith.addi %parallel_loop3A_572, %parallel_loop3A_571 : i32
        %parallel_loop3A_574 = arith.index_cast %parallel_loop3A_573 : i32 to index
        %parallel_loop3A_575 = tpu.vector_load %arg7[%parallel_loop3A_574] {strides = array<i32>} : memref<65536xf32, #tpu.memory_space<vmem>>, vector<16xf32>,
        tpu.vector_store %arg7[%parallel_loop3A_574], %parallel_loop3A_569 {strides = array<i32>} : memref<65536xf32, #tpu.memory_space<vmem>>, vector<16xf32>,
        %parallel_loop3A_576 = arith.constant 28160 : i32
        %parallel_loop3A_577 = vector.broadcast %parallel_loop3A_576 : i32 to vector<16xi32>
        %parallel_loop3A_578 = arith.addi %parallel_loop3A_25, %parallel_loop3A_577 : vector<16xi32>
        %parallel_loop3A_579 = tpu.vector_load_idx %arg5[%parallel_loop3A_578] : memref<32768xf32, #tpu.memory_space<vmem>>[vector<16xi32>], vector<16xf32>,
        %parallel_loop3A_580 = arith.constant 16 : i32
        %parallel_loop3A_581 = arith.muli %parallel_loop3A_21, %parallel_loop3A_580 : i32
        %parallel_loop3A_582 = arith.constant 56320 : i32
        %parallel_loop3A_583 = arith.addi %parallel_loop3A_582, %parallel_loop3A_581 : i32
        %parallel_loop3A_584 = arith.index_cast %parallel_loop3A_583 : i32 to index
        %parallel_loop3A_585 = tpu.vector_load %arg7[%parallel_loop3A_584] {strides = array<i32>} : memref<65536xf32, #tpu.memory_space<vmem>>, vector<16xf32>,
        tpu.vector_store %arg7[%parallel_loop3A_584], %parallel_loop3A_579 {strides = array<i32>} : memref<65536xf32, #tpu.memory_space<vmem>>, vector<16xf32>,
        %parallel_loop3A_586 = arith.constant 28672 : i32
        %parallel_loop3A_587 = vector.broadcast %parallel_loop3A_586 : i32 to vector<16xi32>
        %parallel_loop3A_588 = arith.addi %parallel_loop3A_25, %parallel_loop3A_587 : vector<16xi32>
        %parallel_loop3A_589 = tpu.vector_load_idx %arg5[%parallel_loop3A_588] : memref<32768xf32, #tpu.memory_space<vmem>>[vector<16xi32>], vector<16xf32>,
        %parallel_loop3A_590 = arith.constant 16 : i32
        %parallel_loop3A_591 = arith.muli %parallel_loop3A_21, %parallel_loop3A_590 : i32
        %parallel_loop3A_592 = arith.constant 57344 : i32
        %parallel_loop3A_593 = arith.addi %parallel_loop3A_592, %parallel_loop3A_591 : i32
        %parallel_loop3A_594 = arith.index_cast %parallel_loop3A_593 : i32 to index
        %parallel_loop3A_595 = tpu.vector_load %arg7[%parallel_loop3A_594] {strides = array<i32>} : memref<65536xf32, #tpu.memory_space<vmem>>, vector<16xf32>,
        tpu.vector_store %arg7[%parallel_loop3A_594], %parallel_loop3A_589 {strides = array<i32>} : memref<65536xf32, #tpu.memory_space<vmem>>, vector<16xf32>,
        %parallel_loop3A_596 = arith.constant 29184 : i32
        %parallel_loop3A_597 = vector.broadcast %parallel_loop3A_596 : i32 to vector<16xi32>
        %parallel_loop3A_598 = arith.addi %parallel_loop3A_25, %parallel_loop3A_597 : vector<16xi32>
        %parallel_loop3A_599 = tpu.vector_load_idx %arg5[%parallel_loop3A_598] : memref<32768xf32, #tpu.memory_space<vmem>>[vector<16xi32>], vector<16xf32>,
        %parallel_loop3A_600 = arith.constant 16 : i32
        %parallel_loop3A_601 = arith.muli %parallel_loop3A_21, %parallel_loop3A_600 : i32
        %parallel_loop3A_602 = arith.constant 58368 : i32
        %parallel_loop3A_603 = arith.addi %parallel_loop3A_602, %parallel_loop3A_601 : i32
        %parallel_loop3A_604 = arith.index_cast %parallel_loop3A_603 : i32 to index
        %parallel_loop3A_605 = tpu.vector_load %arg7[%parallel_loop3A_604] {strides = array<i32>} : memref<65536xf32, #tpu.memory_space<vmem>>, vector<16xf32>,
        tpu.vector_store %arg7[%parallel_loop3A_604], %parallel_loop3A_599 {strides = array<i32>} : memref<65536xf32, #tpu.memory_space<vmem>>, vector<16xf32>,
        %parallel_loop3A_606 = arith.constant 29696 : i32
        %parallel_loop3A_607 = vector.broadcast %parallel_loop3A_606 : i32 to vector<16xi32>
        %parallel_loop3A_608 = arith.addi %parallel_loop3A_25, %parallel_loop3A_607 : vector<16xi32>
        %parallel_loop3A_609 = tpu.vector_load_idx %arg5[%parallel_loop3A_608] : memref<32768xf32, #tpu.memory_space<vmem>>[vector<16xi32>], vector<16xf32>,
        %parallel_loop3A_610 = arith.constant 16 : i32
        %parallel_loop3A_611 = arith.muli %parallel_loop3A_21, %parallel_loop3A_610 : i32
        %parallel_loop3A_612 = arith.constant 59392 : i32
        %parallel_loop3A_613 = arith.addi %parallel_loop3A_612, %parallel_loop3A_611 : i32
        %parallel_loop3A_614 = arith.index_cast %parallel_loop3A_613 : i32 to index
        %parallel_loop3A_615 = tpu.vector_load %arg7[%parallel_loop3A_614] {strides = array<i32>} : memref<65536xf32, #tpu.memory_space<vmem>>, vector<16xf32>,
        tpu.vector_store %arg7[%parallel_loop3A_614], %parallel_loop3A_609 {strides = array<i32>} : memref<65536xf32, #tpu.memory_space<vmem>>, vector<16xf32>,
        %parallel_loop3A_616 = arith.constant 30208 : i32
        %parallel_loop3A_617 = vector.broadcast %parallel_loop3A_616 : i32 to vector<16xi32>
        %parallel_loop3A_618 = arith.addi %parallel_loop3A_25, %parallel_loop3A_617 : vector<16xi32>
        %parallel_loop3A_619 = tpu.vector_load_idx %arg5[%parallel_loop3A_618] : memref<32768xf32, #tpu.memory_space<vmem>>[vector<16xi32>], vector<16xf32>,
        %parallel_loop3A_620 = arith.constant 16 : i32
        %parallel_loop3A_621 = arith.muli %parallel_loop3A_21, %parallel_loop3A_620 : i32
        %parallel_loop3A_622 = arith.constant 60416 : i32
        %parallel_loop3A_623 = arith.addi %parallel_loop3A_622, %parallel_loop3A_621 : i32
        %parallel_loop3A_624 = arith.index_cast %parallel_loop3A_623 : i32 to index
        %parallel_loop3A_625 = tpu.vector_load %arg7[%parallel_loop3A_624] {strides = array<i32>} : memref<65536xf32, #tpu.memory_space<vmem>>, vector<16xf32>,
        tpu.vector_store %arg7[%parallel_loop3A_624], %parallel_loop3A_619 {strides = array<i32>} : memref<65536xf32, #tpu.memory_space<vmem>>, vector<16xf32>,
        %parallel_loop3A_626 = arith.constant 30720 : i32
        %parallel_loop3A_627 = vector.broadcast %parallel_loop3A_626 : i32 to vector<16xi32>
        %parallel_loop3A_628 = arith.addi %parallel_loop3A_25, %parallel_loop3A_627 : vector<16xi32>
        %parallel_loop3A_629 = tpu.vector_load_idx %arg5[%parallel_loop3A_628] : memref<32768xf32, #tpu.memory_space<vmem>>[vector<16xi32>], vector<16xf32>,
        %parallel_loop3A_630 = arith.constant 16 : i32
        %parallel_loop3A_631 = arith.muli %parallel_loop3A_21, %parallel_loop3A_630 : i32
        %parallel_loop3A_632 = arith.constant 61440 : i32
        %parallel_loop3A_633 = arith.addi %parallel_loop3A_632, %parallel_loop3A_631 : i32
        %parallel_loop3A_634 = arith.index_cast %parallel_loop3A_633 : i32 to index
        %parallel_loop3A_635 = tpu.vector_load %arg7[%parallel_loop3A_634] {strides = array<i32>} : memref<65536xf32, #tpu.memory_space<vmem>>, vector<16xf32>,
        tpu.vector_store %arg7[%parallel_loop3A_634], %parallel_loop3A_629 {strides = array<i32>} : memref<65536xf32, #tpu.memory_space<vmem>>, vector<16xf32>,
        %parallel_loop3A_636 = arith.constant 31232 : i32
        %parallel_loop3A_637 = vector.broadcast %parallel_loop3A_636 : i32 to vector<16xi32>
        %parallel_loop3A_638 = arith.addi %parallel_loop3A_25, %parallel_loop3A_637 : vector<16xi32>
        %parallel_loop3A_639 = tpu.vector_load_idx %arg5[%parallel_loop3A_638] : memref<32768xf32, #tpu.memory_space<vmem>>[vector<16xi32>], vector<16xf32>,
        %parallel_loop3A_640 = arith.constant 16 : i32
        %parallel_loop3A_641 = arith.muli %parallel_loop3A_21, %parallel_loop3A_640 : i32
        %parallel_loop3A_642 = arith.constant 62464 : i32
        %parallel_loop3A_643 = arith.addi %parallel_loop3A_642, %parallel_loop3A_641 : i32
        %parallel_loop3A_644 = arith.index_cast %parallel_loop3A_643 : i32 to index
        %parallel_loop3A_645 = tpu.vector_load %arg7[%parallel_loop3A_644] {strides = array<i32>} : memref<65536xf32, #tpu.memory_space<vmem>>, vector<16xf32>,
        tpu.vector_store %arg7[%parallel_loop3A_644], %parallel_loop3A_639 {strides = array<i32>} : memref<65536xf32, #tpu.memory_space<vmem>>, vector<16xf32>,
        %parallel_loop3A_646 = arith.constant 31744 : i32
        %parallel_loop3A_647 = vector.broadcast %parallel_loop3A_646 : i32 to vector<16xi32>
        %parallel_loop3A_648 = arith.addi %parallel_loop3A_25, %parallel_loop3A_647 : vector<16xi32>
        %parallel_loop3A_649 = tpu.vector_load_idx %arg5[%parallel_loop3A_648] : memref<32768xf32, #tpu.memory_space<vmem>>[vector<16xi32>], vector<16xf32>,
        %parallel_loop3A_650 = arith.constant 16 : i32
        %parallel_loop3A_651 = arith.muli %parallel_loop3A_21, %parallel_loop3A_650 : i32
        %parallel_loop3A_652 = arith.constant 63488 : i32
        %parallel_loop3A_653 = arith.addi %parallel_loop3A_652, %parallel_loop3A_651 : i32
        %parallel_loop3A_654 = arith.index_cast %parallel_loop3A_653 : i32 to index
        %parallel_loop3A_655 = tpu.vector_load %arg7[%parallel_loop3A_654] {strides = array<i32>} : memref<65536xf32, #tpu.memory_space<vmem>>, vector<16xf32>,
        tpu.vector_store %arg7[%parallel_loop3A_654], %parallel_loop3A_649 {strides = array<i32>} : memref<65536xf32, #tpu.memory_space<vmem>>, vector<16xf32>,
        %parallel_loop3A_656 = arith.constant 32256 : i32
        %parallel_loop3A_657 = vector.broadcast %parallel_loop3A_656 : i32 to vector<16xi32>
        %parallel_loop3A_658 = arith.addi %parallel_loop3A_25, %parallel_loop3A_657 : vector<16xi32>
        %parallel_loop3A_659 = tpu.vector_load_idx %arg5[%parallel_loop3A_658] : memref<32768xf32, #tpu.memory_space<vmem>>[vector<16xi32>], vector<16xf32>,
        %parallel_loop3A_660 = arith.constant 16 : i32
        %parallel_loop3A_661 = arith.muli %parallel_loop3A_21, %parallel_loop3A_660 : i32
        %parallel_loop3A_662 = arith.constant 64512 : i32
        %parallel_loop3A_663 = arith.addi %parallel_loop3A_662, %parallel_loop3A_661 : i32
        %parallel_loop3A_664 = arith.index_cast %parallel_loop3A_663 : i32 to index
        %parallel_loop3A_665 = tpu.vector_load %arg7[%parallel_loop3A_664] {strides = array<i32>} : memref<65536xf32, #tpu.memory_space<vmem>>, vector<16xf32>,
        tpu.vector_store %arg7[%parallel_loop3A_664], %parallel_loop3A_659 {strides = array<i32>} : memref<65536xf32, #tpu.memory_space<vmem>>, vector<16xf32>,
      } {sc.loop_unroll_factor = 2 : i64, sc.parallel_access}
      %mul3A_16 = arith.constant 64 : i32
      %mul3A_17 = arith.muli %add3A_11, %mul3A_16 : i32
      %mul3A_18 = arith.constant 1024 : i32
      %mul3A_19 = arith.muli %mul3A_17, %mul3A_18 : i32
      "tpu.region"() ({
        %run_scoped3A = tpu.sem_alloc : memref<!tpu.dma_semaphore, #tpu.memory_space<semaphore_mem>>
        %dma_start3A = tpu.memref_slice %arg4[%mul3A_19] : memref<16777216xf32, #tpu.memory_space<hbm>> -> memref<65536xf32, #tpu.memory_space<hbm>>
        %dma_start3A_21 = tpu.memref_slice %arg4[%mul3A_19] : memref<16777216xf32, #tpu.memory_space<hbm>> -> memref<65536xf32, #tpu.memory_space<hbm>>
        tpu.enqueue_dma source(%arg7 : memref<65536xf32, #tpu.memory_space<vmem>>) target(%dma_start3A_21 : memref<65536xf32, #tpu.memory_space<hbm>>) target_semaphore(%run_scoped3A : memref<!tpu.dma_semaphore, #tpu.memory_space<semaphore_mem>>)
        %dma_wait3A = tpu.memref_slice %arg4[%mul3A_19] : memref<16777216xf32, #tpu.memory_space<hbm>> -> memref<65536xf32, #tpu.memory_space<hbm>>
        %dma_wait3A_22 = tpu.memref_slice %arg4[%mul3A_19] : memref<16777216xf32, #tpu.memory_space<hbm>> -> memref<65536xf32, #tpu.memory_space<hbm>>
        tpu.wait_dma2 semaphore(%run_scoped3A : memref<!tpu.dma_semaphore, #tpu.memory_space<semaphore_mem>>) src(%arg7 : memref<65536xf32, #tpu.memory_space<vmem>>) dst(%dma_wait3A_22 : memref<65536xf32, #tpu.memory_space<hbm>>)
        tpu.yield
      }) : () -> ()
      %scan3A_20 = arith.constant 0 : i32
      scf.yield %scan3A_20 : i32
    }
    %scan3A_6 = arith.constant 8 : i32
    return
  }
}

module attributes {stable_mosaic.version = 14 : i64} {
  func.func @_tc_body(%arg0: i32, %arg1: memref<8x64x1024xf32, #tpu.memory_space<vmem>>, %arg2: memref<512x64xf32, #tpu.memory_space<vmem>>, %arg3: memref<8x512xf32, #tpu.memory_space<vmem>>, %arg4: memref<8192xi32, #tpu.memory_space<vmem>>, %arg5: memref<512x1xf32, #tpu.memory_space<vmem>>) attributes {dimension_semantics = [#tpu.dimension_semantics<arbitrary>], iteration_bounds = array<i64: 32>, scalar_prefetch = 0 : i64, scratch_operands = 1 : i64, tpu.core_type = #tpu.core_type<tc>, window_params = [{transform_indices = @transform_0, window_bounds = array<i64: 8, 64, 1024>}, {pipeline_mode = #tpu.pipeline_mode<synchronous>, transform_indices = @transform_1, window_bounds = array<i64: 512, 64>}, {pipeline_mode = #tpu.pipeline_mode<synchronous>, transform_indices = @transform_2, window_bounds = array<i64: 8, 512>}, {transform_indices = @transform_3, window_bounds = array<i64: 8192>}]} {
    %eq3A = arith.constant 0 : i32
    %eq3A_0 = arith.cmpi eq, %arg0, %eq3A : i32
    %convert_element_type3A = arith.extui %eq3A_0 : i1 to i32
    %cond3A = arith.constant 0 : i32
    %cond3A_1 = arith.cmpi ne, %convert_element_type3A, %cond3A : i32
    scf.if %cond3A_1 {
      %get3A_319 = arith.constant 0 : index
      %get3A_320 = arith.constant 0 : index
      %get3A_321 = vector.load %arg2[%get3A_319, %get3A_320] : memref<512x64xf32, #tpu.memory_space<vmem>>, vector<512x64xf32>
      %mul3A_322 = arith.mulf %get3A_321, %get3A_321 : vector<512x64xf32>
      %reduce_sum3A = arith.constant dense<0.000000e+00> : vector<512xf32>
      %reduce_sum3A_323 = vector.multi_reduction <add>, %mul3A_322, %reduce_sum3A [1] : vector<512x64xf32> to vector<512xf32>
      %broadcast_in_dim3A_324 = vector.shape_cast %reduce_sum3A_323 : vector<512xf32> to vector<512x1xf32>
      %mul3A_325 = arith.constant 2.500000e-01 : f32
      %mul3A_326 = vector.broadcast %mul3A_325 : f32 to vector<512x1xf32>
      %mul3A_327 = arith.mulf %broadcast_in_dim3A_324, %mul3A_326 : vector<512x1xf32>
      %swap3A_328 = arith.constant 0 : index
      %swap3A_329 = arith.constant 0 : index
      %swap3A_330 = vector.load %arg5[%swap3A_328, %swap3A_329] : memref<512x1xf32, #tpu.memory_space<vmem>>, vector<512x1xf32>
      tpu.vector_store %arg5[%swap3A_328, %swap3A_329], %mul3A_327 {strides = array<i32>} : memref<512x1xf32, #tpu.memory_space<vmem>>, vector<512x1xf32>,
    } else {
    }
    %get3A = arith.constant 0 : index
    %get3A_2 = arith.constant 0 : index
    %get3A_3 = arith.constant 0 : index
    %get3A_4 = vector.load %arg1[%get3A, %get3A_2, %get3A_3] : memref<8x64x1024xf32, #tpu.memory_space<vmem>>, vector<1x64x1024xf32>
    %get3A_5 = vector.shape_cast %get3A_4 : vector<1x64x1024xf32> to vector<64x1024xf32>
    %get3A_6 = arith.constant 0 : index
    %get3A_7 = arith.constant 0 : index
    %get3A_8 = vector.load %arg2[%get3A_6, %get3A_7] : memref<512x64xf32, #tpu.memory_space<vmem>>, vector<512x64xf32>
    %dot_general3A = arith.constant dense<0.000000e+00> : vector<512x1024xf32>
    %dot_general3A_9 = tpu.matmul %get3A_8, %get3A_5, %dot_general3A {dimension_numbers = #tpu.dot_dimension_numbers<[1], [0], [0], [1], [0, 0, 1, 1], [], []>, transpose_lhs_hint = false} : vector<512x64xf32>, vector<64x1024xf32>, vector<512x1024xf32> -> vector<512x1024xf32>
    %get3A_10 = arith.constant 0 : index
    %get3A_11 = arith.constant 0 : index
    %get3A_12 = vector.load %arg5[%get3A_10, %get3A_11] : memref<512x1xf32, #tpu.memory_space<vmem>>, vector<512x1xf32>
    %add3A = vector.broadcast %get3A_12 : vector<512x1xf32> to vector<512x1024xf32>
    %add3A_13 = arith.addf %dot_general3A_9, %add3A : vector<512x1024xf32>
    %reduce_min3A = arith.constant dense<0x7F800000> : vector<1024xf32>
    %reduce_min3A_14 = vector.multi_reduction <minimumf>, %add3A_13, %reduce_min3A [0] : vector<512x1024xf32> to vector<1024xf32>
    %broadcast_in_dim3A = vector.shape_cast %reduce_min3A_14 : vector<1024xf32> to vector<1x1024xf32>
    %le3A = vector.broadcast %broadcast_in_dim3A : vector<1x1024xf32> to vector<512x1024xf32>
    %le3A_15 = arith.cmpf ole, %add3A_13, %le3A : vector<512x1024xf32>
    %convert_element_type3A_16 = arith.extui %le3A_15 : vector<512x1024xi1> to vector<512x1024xi32>
    %convert_element_type3A_17 = arith.sitofp %convert_element_type3A_16 : vector<512x1024xi32> to vector<512x1024xf32>
    %get3A_18 = arith.constant 0 : index
    %get3A_19 = arith.constant 0 : index
    %get3A_20 = vector.load %arg3[%get3A_18, %get3A_19] : memref<8x512xf32, #tpu.memory_space<vmem>>, vector<8x512xf32>
    %dot_general3A_21 = arith.constant dense<0.000000e+00> : vector<8x1024xf32>
    %dot_general3A_22 = tpu.matmul %get3A_20, %convert_element_type3A_17, %dot_general3A_21 {dimension_numbers = #tpu.dot_dimension_numbers<[1], [0], [0], [1], [0, 0, 1, 1], [], []>, transpose_lhs_hint = false} : vector<8x512xf32>, vector<512x1024xf32>, vector<8x1024xf32> -> vector<8x1024xf32>
    %slice3A = vector.extract_strided_slice %dot_general3A_22 {offsets = [0, 0], sizes = [1, 1024], strides = [1, 1]} : vector<8x1024xf32> to vector<1x1024xf32>
    %squeeze3A = vector.shape_cast %slice3A : vector<1x1024xf32> to vector<1024xf32>
    %mul3A = arith.constant 1.280000e+02 : f32
    %mul3A_23 = vector.broadcast %mul3A : f32 to vector<1024xf32>
    %mul3A_24 = arith.mulf %squeeze3A, %mul3A_23 : vector<1024xf32>
    %slice3A_25 = vector.extract_strided_slice %dot_general3A_22 {offsets = [1, 0], sizes = [1, 1024], strides = [1, 1]} : vector<8x1024xf32> to vector<1x1024xf32>
    %squeeze3A_26 = vector.shape_cast %slice3A_25 : vector<1x1024xf32> to vector<1024xf32>
    %add3A_27 = arith.addf %mul3A_24, %squeeze3A_26 : vector<1024xf32>
    %min3A = arith.constant 5.110000e+02 : f32
    %min3A_28 = vector.broadcast %min3A : f32 to vector<1024xf32>
    %min3A_29 = arith.minimumf %add3A_27, %min3A_28 : vector<1024xf32>
    %convert_element_type3A_30 = arith.fptosi %min3A_29 : vector<1024xf32> to vector<1024xi32>
    %swap3A = arith.constant 0 : index
    %swap3A_31 = vector.load %arg4[%swap3A] : memref<8192xi32, #tpu.memory_space<vmem>>, vector<1024xi32>
    tpu.vector_store %arg4[%swap3A], %convert_element_type3A_30 {strides = array<i32>} : memref<8192xi32, #tpu.memory_space<vmem>>, vector<1024xi32>,
    %get3A_32 = arith.constant 1 : index
    %get3A_33 = arith.constant 0 : index
    %get3A_34 = arith.constant 0 : index
    %get3A_35 = vector.load %arg1[%get3A_32, %get3A_33, %get3A_34] : memref<8x64x1024xf32, #tpu.memory_space<vmem>>, vector<1x64x1024xf32>
    %get3A_36 = vector.shape_cast %get3A_35 : vector<1x64x1024xf32> to vector<64x1024xf32>
    %get3A_37 = arith.constant 0 : index
    %get3A_38 = arith.constant 0 : index
    %get3A_39 = vector.load %arg2[%get3A_37, %get3A_38] : memref<512x64xf32, #tpu.memory_space<vmem>>, vector<512x64xf32>
    %dot_general3A_40 = arith.constant dense<0.000000e+00> : vector<512x1024xf32>
    %dot_general3A_41 = tpu.matmul %get3A_39, %get3A_36, %dot_general3A_40 {dimension_numbers = #tpu.dot_dimension_numbers<[1], [0], [0], [1], [0, 0, 1, 1], [], []>, transpose_lhs_hint = false} : vector<512x64xf32>, vector<64x1024xf32>, vector<512x1024xf32> -> vector<512x1024xf32>
    %get3A_42 = arith.constant 0 : index
    %get3A_43 = arith.constant 0 : index
    %get3A_44 = vector.load %arg5[%get3A_42, %get3A_43] : memref<512x1xf32, #tpu.memory_space<vmem>>, vector<512x1xf32>
    %add3A_45 = vector.broadcast %get3A_44 : vector<512x1xf32> to vector<512x1024xf32>
    %add3A_46 = arith.addf %dot_general3A_41, %add3A_45 : vector<512x1024xf32>
    %reduce_min3A_47 = arith.constant dense<0x7F800000> : vector<1024xf32>
    %reduce_min3A_48 = vector.multi_reduction <minimumf>, %add3A_46, %reduce_min3A_47 [0] : vector<512x1024xf32> to vector<1024xf32>
    %broadcast_in_dim3A_49 = vector.shape_cast %reduce_min3A_48 : vector<1024xf32> to vector<1x1024xf32>
    %le3A_50 = vector.broadcast %broadcast_in_dim3A_49 : vector<1x1024xf32> to vector<512x1024xf32>
    %le3A_51 = arith.cmpf ole, %add3A_46, %le3A_50 : vector<512x1024xf32>
    %convert_element_type3A_52 = arith.extui %le3A_51 : vector<512x1024xi1> to vector<512x1024xi32>
    %convert_element_type3A_53 = arith.sitofp %convert_element_type3A_52 : vector<512x1024xi32> to vector<512x1024xf32>
    %get3A_54 = arith.constant 0 : index
    %get3A_55 = arith.constant 0 : index
    %get3A_56 = vector.load %arg3[%get3A_54, %get3A_55] : memref<8x512xf32, #tpu.memory_space<vmem>>, vector<8x512xf32>
    %dot_general3A_57 = arith.constant dense<0.000000e+00> : vector<8x1024xf32>
    %dot_general3A_58 = tpu.matmul %get3A_56, %convert_element_type3A_53, %dot_general3A_57 {dimension_numbers = #tpu.dot_dimension_numbers<[1], [0], [0], [1], [0, 0, 1, 1], [], []>, transpose_lhs_hint = false} : vector<8x512xf32>, vector<512x1024xf32>, vector<8x1024xf32> -> vector<8x1024xf32>
    %slice3A_59 = vector.extract_strided_slice %dot_general3A_58 {offsets = [0, 0], sizes = [1, 1024], strides = [1, 1]} : vector<8x1024xf32> to vector<1x1024xf32>
    %squeeze3A_60 = vector.shape_cast %slice3A_59 : vector<1x1024xf32> to vector<1024xf32>
    %mul3A_61 = arith.constant 1.280000e+02 : f32
    %mul3A_62 = vector.broadcast %mul3A_61 : f32 to vector<1024xf32>
    %mul3A_63 = arith.mulf %squeeze3A_60, %mul3A_62 : vector<1024xf32>
    %slice3A_64 = vector.extract_strided_slice %dot_general3A_58 {offsets = [1, 0], sizes = [1, 1024], strides = [1, 1]} : vector<8x1024xf32> to vector<1x1024xf32>
    %squeeze3A_65 = vector.shape_cast %slice3A_64 : vector<1x1024xf32> to vector<1024xf32>
    %add3A_66 = arith.addf %mul3A_63, %squeeze3A_65 : vector<1024xf32>
    %min3A_67 = arith.constant 5.110000e+02 : f32
    %min3A_68 = vector.broadcast %min3A_67 : f32 to vector<1024xf32>
    %min3A_69 = arith.minimumf %add3A_66, %min3A_68 : vector<1024xf32>
    %convert_element_type3A_70 = arith.fptosi %min3A_69 : vector<1024xf32> to vector<1024xi32>
    %swap3A_71 = arith.constant 1024 : index
    %swap3A_72 = vector.load %arg4[%swap3A_71] : memref<8192xi32, #tpu.memory_space<vmem>>, vector<1024xi32>
    tpu.vector_store %arg4[%swap3A_71], %convert_element_type3A_70 {strides = array<i32>} : memref<8192xi32, #tpu.memory_space<vmem>>, vector<1024xi32>,
    %get3A_73 = arith.constant 2 : index
    %get3A_74 = arith.constant 0 : index
    %get3A_75 = arith.constant 0 : index
    %get3A_76 = vector.load %arg1[%get3A_73, %get3A_74, %get3A_75] : memref<8x64x1024xf32, #tpu.memory_space<vmem>>, vector<1x64x1024xf32>
    %get3A_77 = vector.shape_cast %get3A_76 : vector<1x64x1024xf32> to vector<64x1024xf32>
    %get3A_78 = arith.constant 0 : index
    %get3A_79 = arith.constant 0 : index
    %get3A_80 = vector.load %arg2[%get3A_78, %get3A_79] : memref<512x64xf32, #tpu.memory_space<vmem>>, vector<512x64xf32>
    %dot_general3A_81 = arith.constant dense<0.000000e+00> : vector<512x1024xf32>
    %dot_general3A_82 = tpu.matmul %get3A_80, %get3A_77, %dot_general3A_81 {dimension_numbers = #tpu.dot_dimension_numbers<[1], [0], [0], [1], [0, 0, 1, 1], [], []>, transpose_lhs_hint = false} : vector<512x64xf32>, vector<64x1024xf32>, vector<512x1024xf32> -> vector<512x1024xf32>
    %get3A_83 = arith.constant 0 : index
    %get3A_84 = arith.constant 0 : index
    %get3A_85 = vector.load %arg5[%get3A_83, %get3A_84] : memref<512x1xf32, #tpu.memory_space<vmem>>, vector<512x1xf32>
    %add3A_86 = vector.broadcast %get3A_85 : vector<512x1xf32> to vector<512x1024xf32>
    %add3A_87 = arith.addf %dot_general3A_82, %add3A_86 : vector<512x1024xf32>
    %reduce_min3A_88 = arith.constant dense<0x7F800000> : vector<1024xf32>
    %reduce_min3A_89 = vector.multi_reduction <minimumf>, %add3A_87, %reduce_min3A_88 [0] : vector<512x1024xf32> to vector<1024xf32>
    %broadcast_in_dim3A_90 = vector.shape_cast %reduce_min3A_89 : vector<1024xf32> to vector<1x1024xf32>
    %le3A_91 = vector.broadcast %broadcast_in_dim3A_90 : vector<1x1024xf32> to vector<512x1024xf32>
    %le3A_92 = arith.cmpf ole, %add3A_87, %le3A_91 : vector<512x1024xf32>
    %convert_element_type3A_93 = arith.extui %le3A_92 : vector<512x1024xi1> to vector<512x1024xi32>
    %convert_element_type3A_94 = arith.sitofp %convert_element_type3A_93 : vector<512x1024xi32> to vector<512x1024xf32>
    %get3A_95 = arith.constant 0 : index
    %get3A_96 = arith.constant 0 : index
    %get3A_97 = vector.load %arg3[%get3A_95, %get3A_96] : memref<8x512xf32, #tpu.memory_space<vmem>>, vector<8x512xf32>
    %dot_general3A_98 = arith.constant dense<0.000000e+00> : vector<8x1024xf32>
    %dot_general3A_99 = tpu.matmul %get3A_97, %convert_element_type3A_94, %dot_general3A_98 {dimension_numbers = #tpu.dot_dimension_numbers<[1], [0], [0], [1], [0, 0, 1, 1], [], []>, transpose_lhs_hint = false} : vector<8x512xf32>, vector<512x1024xf32>, vector<8x1024xf32> -> vector<8x1024xf32>
    %slice3A_100 = vector.extract_strided_slice %dot_general3A_99 {offsets = [0, 0], sizes = [1, 1024], strides = [1, 1]} : vector<8x1024xf32> to vector<1x1024xf32>
    %squeeze3A_101 = vector.shape_cast %slice3A_100 : vector<1x1024xf32> to vector<1024xf32>
    %mul3A_102 = arith.constant 1.280000e+02 : f32
    %mul3A_103 = vector.broadcast %mul3A_102 : f32 to vector<1024xf32>
    %mul3A_104 = arith.mulf %squeeze3A_101, %mul3A_103 : vector<1024xf32>
    %slice3A_105 = vector.extract_strided_slice %dot_general3A_99 {offsets = [1, 0], sizes = [1, 1024], strides = [1, 1]} : vector<8x1024xf32> to vector<1x1024xf32>
    %squeeze3A_106 = vector.shape_cast %slice3A_105 : vector<1x1024xf32> to vector<1024xf32>
    %add3A_107 = arith.addf %mul3A_104, %squeeze3A_106 : vector<1024xf32>
    %min3A_108 = arith.constant 5.110000e+02 : f32
    %min3A_109 = vector.broadcast %min3A_108 : f32 to vector<1024xf32>
    %min3A_110 = arith.minimumf %add3A_107, %min3A_109 : vector<1024xf32>
    %convert_element_type3A_111 = arith.fptosi %min3A_110 : vector<1024xf32> to vector<1024xi32>
    %swap3A_112 = arith.constant 2048 : index
    %swap3A_113 = vector.load %arg4[%swap3A_112] : memref<8192xi32, #tpu.memory_space<vmem>>, vector<1024xi32>
    tpu.vector_store %arg4[%swap3A_112], %convert_element_type3A_111 {strides = array<i32>} : memref<8192xi32, #tpu.memory_space<vmem>>, vector<1024xi32>,
    %get3A_114 = arith.constant 3 : index
    %get3A_115 = arith.constant 0 : index
    %get3A_116 = arith.constant 0 : index
    %get3A_117 = vector.load %arg1[%get3A_114, %get3A_115, %get3A_116] : memref<8x64x1024xf32, #tpu.memory_space<vmem>>, vector<1x64x1024xf32>
    %get3A_118 = vector.shape_cast %get3A_117 : vector<1x64x1024xf32> to vector<64x1024xf32>
    %get3A_119 = arith.constant 0 : index
    %get3A_120 = arith.constant 0 : index
    %get3A_121 = vector.load %arg2[%get3A_119, %get3A_120] : memref<512x64xf32, #tpu.memory_space<vmem>>, vector<512x64xf32>
    %dot_general3A_122 = arith.constant dense<0.000000e+00> : vector<512x1024xf32>
    %dot_general3A_123 = tpu.matmul %get3A_121, %get3A_118, %dot_general3A_122 {dimension_numbers = #tpu.dot_dimension_numbers<[1], [0], [0], [1], [0, 0, 1, 1], [], []>, transpose_lhs_hint = false} : vector<512x64xf32>, vector<64x1024xf32>, vector<512x1024xf32> -> vector<512x1024xf32>
    %get3A_124 = arith.constant 0 : index
    %get3A_125 = arith.constant 0 : index
    %get3A_126 = vector.load %arg5[%get3A_124, %get3A_125] : memref<512x1xf32, #tpu.memory_space<vmem>>, vector<512x1xf32>
    %add3A_127 = vector.broadcast %get3A_126 : vector<512x1xf32> to vector<512x1024xf32>
    %add3A_128 = arith.addf %dot_general3A_123, %add3A_127 : vector<512x1024xf32>
    %reduce_min3A_129 = arith.constant dense<0x7F800000> : vector<1024xf32>
    %reduce_min3A_130 = vector.multi_reduction <minimumf>, %add3A_128, %reduce_min3A_129 [0] : vector<512x1024xf32> to vector<1024xf32>
    %broadcast_in_dim3A_131 = vector.shape_cast %reduce_min3A_130 : vector<1024xf32> to vector<1x1024xf32>
    %le3A_132 = vector.broadcast %broadcast_in_dim3A_131 : vector<1x1024xf32> to vector<512x1024xf32>
    %le3A_133 = arith.cmpf ole, %add3A_128, %le3A_132 : vector<512x1024xf32>
    %convert_element_type3A_134 = arith.extui %le3A_133 : vector<512x1024xi1> to vector<512x1024xi32>
    %convert_element_type3A_135 = arith.sitofp %convert_element_type3A_134 : vector<512x1024xi32> to vector<512x1024xf32>
    %get3A_136 = arith.constant 0 : index
    %get3A_137 = arith.constant 0 : index
    %get3A_138 = vector.load %arg3[%get3A_136, %get3A_137] : memref<8x512xf32, #tpu.memory_space<vmem>>, vector<8x512xf32>
    %dot_general3A_139 = arith.constant dense<0.000000e+00> : vector<8x1024xf32>
    %dot_general3A_140 = tpu.matmul %get3A_138, %convert_element_type3A_135, %dot_general3A_139 {dimension_numbers = #tpu.dot_dimension_numbers<[1], [0], [0], [1], [0, 0, 1, 1], [], []>, transpose_lhs_hint = false} : vector<8x512xf32>, vector<512x1024xf32>, vector<8x1024xf32> -> vector<8x1024xf32>
    %slice3A_141 = vector.extract_strided_slice %dot_general3A_140 {offsets = [0, 0], sizes = [1, 1024], strides = [1, 1]} : vector<8x1024xf32> to vector<1x1024xf32>
    %squeeze3A_142 = vector.shape_cast %slice3A_141 : vector<1x1024xf32> to vector<1024xf32>
    %mul3A_143 = arith.constant 1.280000e+02 : f32
    %mul3A_144 = vector.broadcast %mul3A_143 : f32 to vector<1024xf32>
    %mul3A_145 = arith.mulf %squeeze3A_142, %mul3A_144 : vector<1024xf32>
    %slice3A_146 = vector.extract_strided_slice %dot_general3A_140 {offsets = [1, 0], sizes = [1, 1024], strides = [1, 1]} : vector<8x1024xf32> to vector<1x1024xf32>
    %squeeze3A_147 = vector.shape_cast %slice3A_146 : vector<1x1024xf32> to vector<1024xf32>
    %add3A_148 = arith.addf %mul3A_145, %squeeze3A_147 : vector<1024xf32>
    %min3A_149 = arith.constant 5.110000e+02 : f32
    %min3A_150 = vector.broadcast %min3A_149 : f32 to vector<1024xf32>
    %min3A_151 = arith.minimumf %add3A_148, %min3A_150 : vector<1024xf32>
    %convert_element_type3A_152 = arith.fptosi %min3A_151 : vector<1024xf32> to vector<1024xi32>
    %swap3A_153 = arith.constant 3072 : index
    %swap3A_154 = vector.load %arg4[%swap3A_153] : memref<8192xi32, #tpu.memory_space<vmem>>, vector<1024xi32>
    tpu.vector_store %arg4[%swap3A_153], %convert_element_type3A_152 {strides = array<i32>} : memref<8192xi32, #tpu.memory_space<vmem>>, vector<1024xi32>,
    %get3A_155 = arith.constant 4 : index
    %get3A_156 = arith.constant 0 : index
    %get3A_157 = arith.constant 0 : index
    %get3A_158 = vector.load %arg1[%get3A_155, %get3A_156, %get3A_157] : memref<8x64x1024xf32, #tpu.memory_space<vmem>>, vector<1x64x1024xf32>
    %get3A_159 = vector.shape_cast %get3A_158 : vector<1x64x1024xf32> to vector<64x1024xf32>
    %get3A_160 = arith.constant 0 : index
    %get3A_161 = arith.constant 0 : index
    %get3A_162 = vector.load %arg2[%get3A_160, %get3A_161] : memref<512x64xf32, #tpu.memory_space<vmem>>, vector<512x64xf32>
    %dot_general3A_163 = arith.constant dense<0.000000e+00> : vector<512x1024xf32>
    %dot_general3A_164 = tpu.matmul %get3A_162, %get3A_159, %dot_general3A_163 {dimension_numbers = #tpu.dot_dimension_numbers<[1], [0], [0], [1], [0, 0, 1, 1], [], []>, transpose_lhs_hint = false} : vector<512x64xf32>, vector<64x1024xf32>, vector<512x1024xf32> -> vector<512x1024xf32>
    %get3A_165 = arith.constant 0 : index
    %get3A_166 = arith.constant 0 : index
    %get3A_167 = vector.load %arg5[%get3A_165, %get3A_166] : memref<512x1xf32, #tpu.memory_space<vmem>>, vector<512x1xf32>
    %add3A_168 = vector.broadcast %get3A_167 : vector<512x1xf32> to vector<512x1024xf32>
    %add3A_169 = arith.addf %dot_general3A_164, %add3A_168 : vector<512x1024xf32>
    %reduce_min3A_170 = arith.constant dense<0x7F800000> : vector<1024xf32>
    %reduce_min3A_171 = vector.multi_reduction <minimumf>, %add3A_169, %reduce_min3A_170 [0] : vector<512x1024xf32> to vector<1024xf32>
    %broadcast_in_dim3A_172 = vector.shape_cast %reduce_min3A_171 : vector<1024xf32> to vector<1x1024xf32>
    %le3A_173 = vector.broadcast %broadcast_in_dim3A_172 : vector<1x1024xf32> to vector<512x1024xf32>
    %le3A_174 = arith.cmpf ole, %add3A_169, %le3A_173 : vector<512x1024xf32>
    %convert_element_type3A_175 = arith.extui %le3A_174 : vector<512x1024xi1> to vector<512x1024xi32>
    %convert_element_type3A_176 = arith.sitofp %convert_element_type3A_175 : vector<512x1024xi32> to vector<512x1024xf32>
    %get3A_177 = arith.constant 0 : index
    %get3A_178 = arith.constant 0 : index
    %get3A_179 = vector.load %arg3[%get3A_177, %get3A_178] : memref<8x512xf32, #tpu.memory_space<vmem>>, vector<8x512xf32>
    %dot_general3A_180 = arith.constant dense<0.000000e+00> : vector<8x1024xf32>
    %dot_general3A_181 = tpu.matmul %get3A_179, %convert_element_type3A_176, %dot_general3A_180 {dimension_numbers = #tpu.dot_dimension_numbers<[1], [0], [0], [1], [0, 0, 1, 1], [], []>, transpose_lhs_hint = false} : vector<8x512xf32>, vector<512x1024xf32>, vector<8x1024xf32> -> vector<8x1024xf32>
    %slice3A_182 = vector.extract_strided_slice %dot_general3A_181 {offsets = [0, 0], sizes = [1, 1024], strides = [1, 1]} : vector<8x1024xf32> to vector<1x1024xf32>
    %squeeze3A_183 = vector.shape_cast %slice3A_182 : vector<1x1024xf32> to vector<1024xf32>
    %mul3A_184 = arith.constant 1.280000e+02 : f32
    %mul3A_185 = vector.broadcast %mul3A_184 : f32 to vector<1024xf32>
    %mul3A_186 = arith.mulf %squeeze3A_183, %mul3A_185 : vector<1024xf32>
    %slice3A_187 = vector.extract_strided_slice %dot_general3A_181 {offsets = [1, 0], sizes = [1, 1024], strides = [1, 1]} : vector<8x1024xf32> to vector<1x1024xf32>
    %squeeze3A_188 = vector.shape_cast %slice3A_187 : vector<1x1024xf32> to vector<1024xf32>
    %add3A_189 = arith.addf %mul3A_186, %squeeze3A_188 : vector<1024xf32>
    %min3A_190 = arith.constant 5.110000e+02 : f32
    %min3A_191 = vector.broadcast %min3A_190 : f32 to vector<1024xf32>
    %min3A_192 = arith.minimumf %add3A_189, %min3A_191 : vector<1024xf32>
    %convert_element_type3A_193 = arith.fptosi %min3A_192 : vector<1024xf32> to vector<1024xi32>
    %swap3A_194 = arith.constant 4096 : index
    %swap3A_195 = vector.load %arg4[%swap3A_194] : memref<8192xi32, #tpu.memory_space<vmem>>, vector<1024xi32>
    tpu.vector_store %arg4[%swap3A_194], %convert_element_type3A_193 {strides = array<i32>} : memref<8192xi32, #tpu.memory_space<vmem>>, vector<1024xi32>,
    %get3A_196 = arith.constant 5 : index
    %get3A_197 = arith.constant 0 : index
    %get3A_198 = arith.constant 0 : index
    %get3A_199 = vector.load %arg1[%get3A_196, %get3A_197, %get3A_198] : memref<8x64x1024xf32, #tpu.memory_space<vmem>>, vector<1x64x1024xf32>
    %get3A_200 = vector.shape_cast %get3A_199 : vector<1x64x1024xf32> to vector<64x1024xf32>
    %get3A_201 = arith.constant 0 : index
    %get3A_202 = arith.constant 0 : index
    %get3A_203 = vector.load %arg2[%get3A_201, %get3A_202] : memref<512x64xf32, #tpu.memory_space<vmem>>, vector<512x64xf32>
    %dot_general3A_204 = arith.constant dense<0.000000e+00> : vector<512x1024xf32>
    %dot_general3A_205 = tpu.matmul %get3A_203, %get3A_200, %dot_general3A_204 {dimension_numbers = #tpu.dot_dimension_numbers<[1], [0], [0], [1], [0, 0, 1, 1], [], []>, transpose_lhs_hint = false} : vector<512x64xf32>, vector<64x1024xf32>, vector<512x1024xf32> -> vector<512x1024xf32>
    %get3A_206 = arith.constant 0 : index
    %get3A_207 = arith.constant 0 : index
    %get3A_208 = vector.load %arg5[%get3A_206, %get3A_207] : memref<512x1xf32, #tpu.memory_space<vmem>>, vector<512x1xf32>
    %add3A_209 = vector.broadcast %get3A_208 : vector<512x1xf32> to vector<512x1024xf32>
    %add3A_210 = arith.addf %dot_general3A_205, %add3A_209 : vector<512x1024xf32>
    %reduce_min3A_211 = arith.constant dense<0x7F800000> : vector<1024xf32>
    %reduce_min3A_212 = vector.multi_reduction <minimumf>, %add3A_210, %reduce_min3A_211 [0] : vector<512x1024xf32> to vector<1024xf32>
    %broadcast_in_dim3A_213 = vector.shape_cast %reduce_min3A_212 : vector<1024xf32> to vector<1x1024xf32>
    %le3A_214 = vector.broadcast %broadcast_in_dim3A_213 : vector<1x1024xf32> to vector<512x1024xf32>
    %le3A_215 = arith.cmpf ole, %add3A_210, %le3A_214 : vector<512x1024xf32>
    %convert_element_type3A_216 = arith.extui %le3A_215 : vector<512x1024xi1> to vector<512x1024xi32>
    %convert_element_type3A_217 = arith.sitofp %convert_element_type3A_216 : vector<512x1024xi32> to vector<512x1024xf32>
    %get3A_218 = arith.constant 0 : index
    %get3A_219 = arith.constant 0 : index
    %get3A_220 = vector.load %arg3[%get3A_218, %get3A_219] : memref<8x512xf32, #tpu.memory_space<vmem>>, vector<8x512xf32>
    %dot_general3A_221 = arith.constant dense<0.000000e+00> : vector<8x1024xf32>
    %dot_general3A_222 = tpu.matmul %get3A_220, %convert_element_type3A_217, %dot_general3A_221 {dimension_numbers = #tpu.dot_dimension_numbers<[1], [0], [0], [1], [0, 0, 1, 1], [], []>, transpose_lhs_hint = false} : vector<8x512xf32>, vector<512x1024xf32>, vector<8x1024xf32> -> vector<8x1024xf32>
    %slice3A_223 = vector.extract_strided_slice %dot_general3A_222 {offsets = [0, 0], sizes = [1, 1024], strides = [1, 1]} : vector<8x1024xf32> to vector<1x1024xf32>
    %squeeze3A_224 = vector.shape_cast %slice3A_223 : vector<1x1024xf32> to vector<1024xf32>
    %mul3A_225 = arith.constant 1.280000e+02 : f32
    %mul3A_226 = vector.broadcast %mul3A_225 : f32 to vector<1024xf32>
    %mul3A_227 = arith.mulf %squeeze3A_224, %mul3A_226 : vector<1024xf32>
    %slice3A_228 = vector.extract_strided_slice %dot_general3A_222 {offsets = [1, 0], sizes = [1, 1024], strides = [1, 1]} : vector<8x1024xf32> to vector<1x1024xf32>
    %squeeze3A_229 = vector.shape_cast %slice3A_228 : vector<1x1024xf32> to vector<1024xf32>
    %add3A_230 = arith.addf %mul3A_227, %squeeze3A_229 : vector<1024xf32>
    %min3A_231 = arith.constant 5.110000e+02 : f32
    %min3A_232 = vector.broadcast %min3A_231 : f32 to vector<1024xf32>
    %min3A_233 = arith.minimumf %add3A_230, %min3A_232 : vector<1024xf32>
    %convert_element_type3A_234 = arith.fptosi %min3A_233 : vector<1024xf32> to vector<1024xi32>
    %swap3A_235 = arith.constant 5120 : index
    %swap3A_236 = vector.load %arg4[%swap3A_235] : memref<8192xi32, #tpu.memory_space<vmem>>, vector<1024xi32>
    tpu.vector_store %arg4[%swap3A_235], %convert_element_type3A_234 {strides = array<i32>} : memref<8192xi32, #tpu.memory_space<vmem>>, vector<1024xi32>,
    %get3A_237 = arith.constant 6 : index
    %get3A_238 = arith.constant 0 : index
    %get3A_239 = arith.constant 0 : index
    %get3A_240 = vector.load %arg1[%get3A_237, %get3A_238, %get3A_239] : memref<8x64x1024xf32, #tpu.memory_space<vmem>>, vector<1x64x1024xf32>
    %get3A_241 = vector.shape_cast %get3A_240 : vector<1x64x1024xf32> to vector<64x1024xf32>
    %get3A_242 = arith.constant 0 : index
    %get3A_243 = arith.constant 0 : index
    %get3A_244 = vector.load %arg2[%get3A_242, %get3A_243] : memref<512x64xf32, #tpu.memory_space<vmem>>, vector<512x64xf32>
    %dot_general3A_245 = arith.constant dense<0.000000e+00> : vector<512x1024xf32>
    %dot_general3A_246 = tpu.matmul %get3A_244, %get3A_241, %dot_general3A_245 {dimension_numbers = #tpu.dot_dimension_numbers<[1], [0], [0], [1], [0, 0, 1, 1], [], []>, transpose_lhs_hint = false} : vector<512x64xf32>, vector<64x1024xf32>, vector<512x1024xf32> -> vector<512x1024xf32>
    %get3A_247 = arith.constant 0 : index
    %get3A_248 = arith.constant 0 : index
    %get3A_249 = vector.load %arg5[%get3A_247, %get3A_248] : memref<512x1xf32, #tpu.memory_space<vmem>>, vector<512x1xf32>
    %add3A_250 = vector.broadcast %get3A_249 : vector<512x1xf32> to vector<512x1024xf32>
    %add3A_251 = arith.addf %dot_general3A_246, %add3A_250 : vector<512x1024xf32>
    %reduce_min3A_252 = arith.constant dense<0x7F800000> : vector<1024xf32>
    %reduce_min3A_253 = vector.multi_reduction <minimumf>, %add3A_251, %reduce_min3A_252 [0] : vector<512x1024xf32> to vector<1024xf32>
    %broadcast_in_dim3A_254 = vector.shape_cast %reduce_min3A_253 : vector<1024xf32> to vector<1x1024xf32>
    %le3A_255 = vector.broadcast %broadcast_in_dim3A_254 : vector<1x1024xf32> to vector<512x1024xf32>
    %le3A_256 = arith.cmpf ole, %add3A_251, %le3A_255 : vector<512x1024xf32>
    %convert_element_type3A_257 = arith.extui %le3A_256 : vector<512x1024xi1> to vector<512x1024xi32>
    %convert_element_type3A_258 = arith.sitofp %convert_element_type3A_257 : vector<512x1024xi32> to vector<512x1024xf32>
    %get3A_259 = arith.constant 0 : index
    %get3A_260 = arith.constant 0 : index
    %get3A_261 = vector.load %arg3[%get3A_259, %get3A_260] : memref<8x512xf32, #tpu.memory_space<vmem>>, vector<8x512xf32>
    %dot_general3A_262 = arith.constant dense<0.000000e+00> : vector<8x1024xf32>
    %dot_general3A_263 = tpu.matmul %get3A_261, %convert_element_type3A_258, %dot_general3A_262 {dimension_numbers = #tpu.dot_dimension_numbers<[1], [0], [0], [1], [0, 0, 1, 1], [], []>, transpose_lhs_hint = false} : vector<8x512xf32>, vector<512x1024xf32>, vector<8x1024xf32> -> vector<8x1024xf32>
    %slice3A_264 = vector.extract_strided_slice %dot_general3A_263 {offsets = [0, 0], sizes = [1, 1024], strides = [1, 1]} : vector<8x1024xf32> to vector<1x1024xf32>
    %squeeze3A_265 = vector.shape_cast %slice3A_264 : vector<1x1024xf32> to vector<1024xf32>
    %mul3A_266 = arith.constant 1.280000e+02 : f32
    %mul3A_267 = vector.broadcast %mul3A_266 : f32 to vector<1024xf32>
    %mul3A_268 = arith.mulf %squeeze3A_265, %mul3A_267 : vector<1024xf32>
    %slice3A_269 = vector.extract_strided_slice %dot_general3A_263 {offsets = [1, 0], sizes = [1, 1024], strides = [1, 1]} : vector<8x1024xf32> to vector<1x1024xf32>
    %squeeze3A_270 = vector.shape_cast %slice3A_269 : vector<1x1024xf32> to vector<1024xf32>
    %add3A_271 = arith.addf %mul3A_268, %squeeze3A_270 : vector<1024xf32>
    %min3A_272 = arith.constant 5.110000e+02 : f32
    %min3A_273 = vector.broadcast %min3A_272 : f32 to vector<1024xf32>
    %min3A_274 = arith.minimumf %add3A_271, %min3A_273 : vector<1024xf32>
    %convert_element_type3A_275 = arith.fptosi %min3A_274 : vector<1024xf32> to vector<1024xi32>
    %swap3A_276 = arith.constant 6144 : index
    %swap3A_277 = vector.load %arg4[%swap3A_276] : memref<8192xi32, #tpu.memory_space<vmem>>, vector<1024xi32>
    tpu.vector_store %arg4[%swap3A_276], %convert_element_type3A_275 {strides = array<i32>} : memref<8192xi32, #tpu.memory_space<vmem>>, vector<1024xi32>,
    %get3A_278 = arith.constant 7 : index
    %get3A_279 = arith.constant 0 : index
    %get3A_280 = arith.constant 0 : index
    %get3A_281 = vector.load %arg1[%get3A_278, %get3A_279, %get3A_280] : memref<8x64x1024xf32, #tpu.memory_space<vmem>>, vector<1x64x1024xf32>
    %get3A_282 = vector.shape_cast %get3A_281 : vector<1x64x1024xf32> to vector<64x1024xf32>
    %get3A_283 = arith.constant 0 : index
    %get3A_284 = arith.constant 0 : index
    %get3A_285 = vector.load %arg2[%get3A_283, %get3A_284] : memref<512x64xf32, #tpu.memory_space<vmem>>, vector<512x64xf32>
    %dot_general3A_286 = arith.constant dense<0.000000e+00> : vector<512x1024xf32>
    %dot_general3A_287 = tpu.matmul %get3A_285, %get3A_282, %dot_general3A_286 {dimension_numbers = #tpu.dot_dimension_numbers<[1], [0], [0], [1], [0, 0, 1, 1], [], []>, transpose_lhs_hint = false} : vector<512x64xf32>, vector<64x1024xf32>, vector<512x1024xf32> -> vector<512x1024xf32>
    %get3A_288 = arith.constant 0 : index
    %get3A_289 = arith.constant 0 : index
    %get3A_290 = vector.load %arg5[%get3A_288, %get3A_289] : memref<512x1xf32, #tpu.memory_space<vmem>>, vector<512x1xf32>
    %add3A_291 = vector.broadcast %get3A_290 : vector<512x1xf32> to vector<512x1024xf32>
    %add3A_292 = arith.addf %dot_general3A_287, %add3A_291 : vector<512x1024xf32>
    %reduce_min3A_293 = arith.constant dense<0x7F800000> : vector<1024xf32>
    %reduce_min3A_294 = vector.multi_reduction <minimumf>, %add3A_292, %reduce_min3A_293 [0] : vector<512x1024xf32> to vector<1024xf32>
    %broadcast_in_dim3A_295 = vector.shape_cast %reduce_min3A_294 : vector<1024xf32> to vector<1x1024xf32>
    %le3A_296 = vector.broadcast %broadcast_in_dim3A_295 : vector<1x1024xf32> to vector<512x1024xf32>
    %le3A_297 = arith.cmpf ole, %add3A_292, %le3A_296 : vector<512x1024xf32>
    %convert_element_type3A_298 = arith.extui %le3A_297 : vector<512x1024xi1> to vector<512x1024xi32>
    %convert_element_type3A_299 = arith.sitofp %convert_element_type3A_298 : vector<512x1024xi32> to vector<512x1024xf32>
    %get3A_300 = arith.constant 0 : index
    %get3A_301 = arith.constant 0 : index
    %get3A_302 = vector.load %arg3[%get3A_300, %get3A_301] : memref<8x512xf32, #tpu.memory_space<vmem>>, vector<8x512xf32>
    %dot_general3A_303 = arith.constant dense<0.000000e+00> : vector<8x1024xf32>
    %dot_general3A_304 = tpu.matmul %get3A_302, %convert_element_type3A_299, %dot_general3A_303 {dimension_numbers = #tpu.dot_dimension_numbers<[1], [0], [0], [1], [0, 0, 1, 1], [], []>, transpose_lhs_hint = false} : vector<8x512xf32>, vector<512x1024xf32>, vector<8x1024xf32> -> vector<8x1024xf32>
    %slice3A_305 = vector.extract_strided_slice %dot_general3A_304 {offsets = [0, 0], sizes = [1, 1024], strides = [1, 1]} : vector<8x1024xf32> to vector<1x1024xf32>
    %squeeze3A_306 = vector.shape_cast %slice3A_305 : vector<1x1024xf32> to vector<1024xf32>
    %mul3A_307 = arith.constant 1.280000e+02 : f32
    %mul3A_308 = vector.broadcast %mul3A_307 : f32 to vector<1024xf32>
    %mul3A_309 = arith.mulf %squeeze3A_306, %mul3A_308 : vector<1024xf32>
    %slice3A_310 = vector.extract_strided_slice %dot_general3A_304 {offsets = [1, 0], sizes = [1, 1024], strides = [1, 1]} : vector<8x1024xf32> to vector<1x1024xf32>
    %squeeze3A_311 = vector.shape_cast %slice3A_310 : vector<1x1024xf32> to vector<1024xf32>
    %add3A_312 = arith.addf %mul3A_309, %squeeze3A_311 : vector<1024xf32>
    %min3A_313 = arith.constant 5.110000e+02 : f32
    %min3A_314 = vector.broadcast %min3A_313 : f32 to vector<1024xf32>
    %min3A_315 = arith.minimumf %add3A_312, %min3A_314 : vector<1024xf32>
    %convert_element_type3A_316 = arith.fptosi %min3A_315 : vector<1024xf32> to vector<1024xi32>
    %swap3A_317 = arith.constant 7168 : index
    %swap3A_318 = vector.load %arg4[%swap3A_317] : memref<8192xi32, #tpu.memory_space<vmem>>, vector<1024xi32>
    tpu.vector_store %arg4[%swap3A_317], %convert_element_type3A_316 {strides = array<i32>} : memref<8192xi32, #tpu.memory_space<vmem>>, vector<1024xi32>,
    return
  }
  func.func @transform_0(%arg0: i32) -> (i32, i32, i32) {
    %c0_i32 = arith.constant 0 : i32
    %c0_i32_0 = arith.constant 0 : i32
    %c0_i32_1 = arith.constant 0 : i32
    return %arg0, %c0_i32, %c0_i32_0 : i32, i32, i32
  }
  func.func @transform_1(%arg0: i32) -> (i32, i32) {
    %c0_i32 = arith.constant 0 : i32
    %c0_i32_0 = arith.constant 0 : i32
    %c0_i32_1 = arith.constant 0 : i32
    return %c0_i32, %c0_i32_0 : i32, i32
  }
  func.func @transform_2(%arg0: i32) -> (i32, i32) {
    %c0_i32 = arith.constant 0 : i32
    %c0_i32_0 = arith.constant 0 : i32
    %c0_i32_1 = arith.constant 0 : i32
    return %c0_i32, %c0_i32_0 : i32, i32
  }
  func.func @transform_3(%arg0: i32) -> i32 {
    %c0_i32 = arith.constant 0 : i32
    return %arg0 : i32
  }
}

</mosaic_0001>

<sc_bundles>
// kernel: kernel.4.cloned.1.call-start
scs
__scs_entry_jumppad:
0x0: {  	(pc) =	sbr.rel $0x88, $3  }
0x1: {  	(tag) =	ssettag $0x0;
	lr =	simm.s32 $0x1  }
0x2: {  	[smem:$0x3F9F] =	sst lr;
	_ =	strace $0xD0000000  }
0x3: {  	_ = 	snop  }
0x4: {  	_ = 	snop  }
0x5: {  	_ = 	snop  }
0x6: {  	_ = 	snop  }
0x7: {  	_ = 	snop  }
__scs_overlays_trampoline_lowered:
0x8: {  	[smem:$0x3FAE] =	sst s0  }
0x9: {  	[smem:$0x3FAF] =	sst s1  }
0xa: {  	[smem:$0x3FB0] =	sst s2  }
0xb: {  	[smem:$0x3FB1] =	sst s3  }
0xc: {  	[smem:$0x3FB2] =	sst s4  }
0xd: {  	[smem:$0x3FB3] =	sst s5  }
0xe: {  	[smem:$0x3FB4] =	sst s6  }
0xf: {  	[smem:$0x3FB5] =	sst s7  }
0x10: {  	[smem:$0x3FB6] =	sst s8  }
0x11: {  	[smem:$0x3FB7] =	sst s9;
	s0 =	simm.s32 @!p0 $0x0  }
0x12: {  	s1 =	sld [smem:$0x3F9D];
	s0 =	simm.s32 @p0 $0x1  }
0x13: {  	[smem:$0x3FB8] =	sst s0;
	s0 =	simm.s32 @!p1 $0x0  }
0x14: {  	s2 =	sld [smem:$0x3F9C];
	s0 =	simm.s32 @p1 $0x1  }
0x15: {  	[smem:$0x3FB9] =	sst s0;
	s0 =	simm.s32 @!p2 $0x0  }
0x16: {  	s3 =	sld [smem:$0x3FDB];
	s0 =	simm.s32 @p2 $0x1  }
0x17: {  	s4 =	simm.s32 $0x1BF5;
	[smem:$0x3FBB] =	sst s0  }
0x18: {  	s0 =	sld [smem:$0x3F9E];
	_ =	swait.ge [sflag:s4], $0x0  }
0x19: {  	s7 =	sld [smem:$0x3F9F]  }
0x1a: {  	s8 =	sadd.s32 $0xFFFFE003, lr  }
0x1b: {  	s9 =	sadd.s32 $0xFFFFFEF7, lr;
	s5 =	simm.s32 $0xFFFFFFFF;
	p2 =	slt.u32 s8, $0xFFFFF086  }
0x1c: {  	p1 =	slt.u32 s9, $0xF7A;
	s5 =	simm.s32 @!p2 $0x0  }
0x1d: {  	s5 =	simm.s32 @p1 $0x1;
	p0 =	seq.s32 s7, s2  }
0x1e: {  	s7 =	smul.u32 @!p0 $0xF7A, s2;
	p2 =	seq.s32 @!p0 s5, $0x0  }
0x1f: {  	s9 =	smul.u32 $0xF7A, s1;
	s8 =	simm.s32 @!p0 $0x1BF5;
	p2 =	por !p2, p0  }
0x20: {  	[sflag:s8] =	ssyncset.s32 @!p0 $0xFFFFF086;
	s6 =	sadd.s32 @!p0 s3, s7;
	s7 =	simm.s32 @!p0 $0x108  }
0x21: {  	s3 =	sadd.s32 s3, s9;
	s6 =	sadd.s32 @!p0 $0x88, s6;
	s7 =	simm.s32 @p2 $0x1082  }
0x22: {  	[simem:s7], [sflag:s8] =	dma.local @!p0 [hbm:s6], $0xF7A  }
0x23: {  	s9 =	sor.u32 $0xD0000000, s2;
	s6 =	simm.s32 $0x108;
	_ =	swait.ge @!p0 [sflag:s8], $0x0  }
0x24: {  	s3 =	sadd.s32 $0x88, s3;
	s6 =	simm.s32 @!p1 $0x1082;
	[sflag:s4] =	ssyncset.s32 $0xFFFFF086  }
0x25: {  	[simem:s6], [sflag:s4] =	dma.local [hbm:s3], $0xF7A  }
0x26: {  	[smem:$0x3F9F] =	sst s1;
	(tag) =	ssettag s2;
	_ =	strace s9  }
0x27: {  	s1 =	sld [smem:$0x3FAF]  }
0x28: {  	s2 =	sld [smem:$0x3FB0]  }
0x29: {  	s4 =	sld [smem:$0x3FB2]  }
0x2a: {  	p0 =	seq.s32 s5, $0x0;
	s5 =	sld [smem:$0x3FB3]  }
0x2b: {  	s6 =	sld [smem:$0x3FB4]  }
0x2c: {  	s7 =	sld [smem:$0x3FB5]  }
0x2d: {  	s3 =	simm.s32 $0x108;
	s8 =	sld [smem:$0x3FB6]  }
0x2e: {  	s3 =	simm.s32 @!p0 $0x1082;
	s9 =	sld [smem:$0x3FB7]  }
0x2f: {  	lr =	sadd.s32 s0, s3;
	s0 =	sld [smem:$0x3FAE]  }
0x30: {  	s3 =	sld [smem:$0x3FB1]  }
0x31: {  	[smem:$0x3FBA] =	sst s10  }
0x32: {  	s10 =	sld [smem:$0x3FB8];
	_ =	sdelay $0x3  }
0x33: {  	p0 =	seq.s32 s10, $0x1;
	s10 =	sld [smem:$0x3FBA];
	_ =	sdelay $0x3  }
0x34: {  	[smem:$0x3FBA] =	sst s10  }
0x35: {  	s10 =	sld [smem:$0x3FB9];
	_ =	sdelay $0x3  }
0x36: {  	p1 =	seq.s32 s10, $0x1;
	s10 =	sld [smem:$0x3FBA];
	_ =	sdelay $0x3  }
0x37: {  	[smem:$0x3FBA] =	sst s10  }
0x38: {  	s10 =	sld [smem:$0x3FBB]  }
0x39: {  	_ = 	snop;
	(pc) =	sbr.ind lr, $3  }
0x3a: {  	_ = 	snop  }
0x3b: {  	_ = 	snop  }
0x3c: {  	p2 =	seq.s32 s10, $0x1;
	s10 =	sld [smem:$0x3FBA]  }
0x3d: {  	_ =	shalt  }
0x3e: {  	_ =	shalt  }
0x3f: {  	_ =	shalt  }
0x40: {  	_ =	shalt  }
0x41: {  	_ =	shalt  }
0x42: {  	_ =	shalt  }
0x43: {  	_ =	shalt  }
0x44: {  	_ =	shalt  }
0x45: {  	_ =	shalt  }
0x46: {  	_ =	shalt  }
0x47: {  	_ =	shalt  }
0x48: {  	_ =	shalt  }
0x49: {  	_ =	shalt  }
0x4a: {  	_ =	shalt  }
0x4b: {  	_ =	shalt  }
0x4c: {  	_ =	shalt  }
0x4d: {  	_ =	shalt  }
0x4e: {  	_ =	shalt  }
0x4f: {  	_ =	shalt  }
0x50: {  	_ =	shalt  }
0x51: {  	_ =	shalt  }
0x52: {  	_ =	shalt  }
0x53: {  	_ =	shalt  }
0x54: {  	_ =	shalt  }
0x55: {  	_ =	shalt  }
0x56: {  	_ =	shalt  }
0x57: {  	_ =	shalt  }
0x58: {  	_ =	shalt  }
0x59: {  	_ =	shalt  }
0x5a: {  	_ =	shalt  }
0x5b: {  	_ =	shalt  }
0x5c: {  	_ =	shalt  }
0x5d: {  	_ =	shalt  }
0x5e: {  	_ =	shalt  }
0x5f: {  	_ =	shalt  }
0x60: {  	_ =	shalt  }
0x61: {  	_ =	shalt  }
0x62: {  	_ =	shalt  }
0x63: {  	_ =	shalt  }
0x64: {  	_ =	shalt  }
0x65: {  	_ =	shalt  }
0x66: {  	_ =	shalt  }
0x67: {  	_ =	shalt  }
0x68: {  	_ =	shalt  }
0x69: {  	_ =	shalt  }
0x6a: {  	_ =	shalt  }
0x6b: {  	_ =	shalt  }
0x6c: {  	_ =	shalt  }
0x6d: {  	_ =	shalt  }
0x6e: {  	_ =	shalt  }
0x6f: {  	_ =	shalt  }
0x70: {  	_ =	shalt  }
0x71: {  	_ =	shalt  }
0x72: {  	_ =	shalt  }
0x73: {  	_ =	shalt  }
0x74: {  	_ =	shalt  }
0x75: {  	_ =	shalt  }
0x76: {  	_ =	shalt  }
0x77: {  	_ =	shalt  }
0x78: {  	_ =	shalt  }
0x79: {  	_ =	shalt  }
0x7a: {  	_ =	shalt  }
0x7b: {  	_ =	shalt  }
0x7c: {  	_ =	shalt  }
0x7d: {  	_ =	shalt  }
0x7e: {  	_ =	shalt  }
0x7f: {  	_ =	shalt  }
0x80: {  	_ =	shalt  }
0x81: {  	_ =	shalt  }
0x82: {  	_ =	shalt  }
0x83: {  	_ =	shalt  }
0x84: {  	_ =	shalt  }
0x85: {  	_ =	shalt  }
0x86: {  	_ =	shalt  }
0x87: {  	_ =	shalt  }
.Lfunc_end0:
.L_simem_size_0:
called_computation.1_lowered:
.L_overlay_start_0:
0x88: {  	s2 =	sld [smem:$0x3FD9]  }
0x89: {  	s3 =	sld [smem:$0x3FFE];
	_ =	sdelay $0x1  }
0x8a: {  	s1 =	srdreg.scid  }
0x8b: {  	s0 =	sand.u32 $0x1, s1  }
0x8c: {  	s17 =	sshll.u32 s0, $0xA;
	s2 =	sadd.s32 s3, s2  }
0x8d: {  	s2 =	sadd.s32 s2, s17  }
0x8e: {  	[smem:$0x3FC6] =	sst s2  }
0x8f: {  	_ = 	snop  }
0x90: {  	s2 =	sld [smem:$0x3FD0];
	(tm) =	ssettm $0x1  }
0x91: {  	s18 =	sld [smem:$0x3FFB];
	_ =	sdelay $0x3  }
0x92: {  	_ =	strace s18  }
0x93: {  	s3 =	sld [smem:$0x3FFC];
	_ =	sdelay $0x3  }
0x94: {  	_ =	strace s3  }
0x95: {  	s3 =	sld [smem:$0x3FFD];
	_ =	sdelay $0x3  }
0x96: {  	_ =	strace s3  }
0x97: {  	_ =	strace $0x8FFFFFFF  }
0x98: {  	s19 =	sld [smem:$0x3FDB];
	_ =	sdelay $0x1  }
0x99: {  	s4 =	simm.s32 $_scs_section_size  }
0x9a: {  	s5 =	simm.s32 $_size__tile_overlayer_lowered;
	s6 =	simm.s32 $_tile_overlayer_lowered  }
0x9b: {  	s22 =	simm.s32 $0x1BFF;
	s21 =	sshll.u32 s6, $0x1;
	s3 =	sadd.s32 s4, s19  }
0x9c: {  	s7 =	simm.s32 $0x0;
	s20 =	sshll.u32 s5, $0x1;
	s5 =	sadd.s32 s21, s3  }
0x9d: {  	[timem:s7], [sflag:s22] =	dma.local [hbm:s5], s20  }
0x9e: {  	_ =	swait.ge [sflag:s22], s20  }
0x9f: {  	s4 =	ssub.s32 $0x0, s20;
	[sflag:s22] =	ssyncset.done $0x0  }
0xa0: {  	[sflag:s22] =	ssyncadd.s32 s4;
	_ =	sdelay $0x1  }
0xa1: {  	s23 =	simm.s32 $0x1B8B  }
0xa2: {  	_ =	swait.ge [sflag:s23], $0x1  }
0xa3: {  	[sflag:s23] =	ssyncset.done $0x0  }
0xa4: {  	s25 =	simm.s32 $0x1B8E;
	s24 =	sld [smem:$0x3FFE];
	[sflag:s23] =	ssyncadd.s32 $0xFFFFFFFF  }
0xa5: {  	s26 =	simm.s32 $execute0_lowered;
	[smem:$0x3FD2] =	sst s25  }
0xa6: {  	s5 =	sshll.u32 s26, $0x1;
	_ =	strace $0x80000046;
	[dreg:$0x1] =	wrdreg $0xFFFFFFFF  }
0xa7: {  	s28 =	simm.s32 $_size_execute0_lowered;
	s3 =	sadd.s32 s3, s5;
	[dreg:$0x0] =	wrdreg $0x0  }
0xa8: {  	s5 =	sshll.u32 s28, $0x1;
	[dreg:$0x2] =	wrdreg s3  }
0xa9: {  	[dreg:$0x3] =	wrdreg s5  }
0xaa: {  	[dreg:$0x4] =	wrdreg $0xC0  }
0xab: {  	_ =	task [dreg:s7], $0x5FFFF  }
0xac: {  	[dreg:$0x1] =	wrdreg $0xFFFFFFFF  }
0xad: {  	[dreg:$0x0] =	wrdreg $0x60  }
0xae: {  	[dreg:$0x2] =	wrdreg s24  }
0xaf: {  	[dreg:$0x3] =	wrdreg s2  }
0xb0: {  	[dreg:$0x4] =	wrdreg $0x9  }
0xb1: {  	_ =	task.clear_ibuf [dreg:s7], $0x5FFFF;
	_ =	strace $0x90000046  }
0xb2: {  	s29 =	simm.s32 $0x9;
	_ =	strace $0x80000048  }
0xb3: {  	_ =	swait.ge [sflag:s29], $0x1  }
0xb4: {  	[sflag:s29] =	ssyncadd.s32 $0xFFFFFFFF  }
0xb5: {  	_ =	strace $0x90000048  }
0xb6: {  	_ =	sfence  }
0xb7: {  	s30 =	sld [smem:$0x0];
	_ =	sdelay $0x2  }
0xb8: {  	s31 =	sshll.u32 s1, $0xD;
	s1 =	sshrl.u32 s1, $0x2  }
0xb9: {  	s3 =	sand.u32 $0x4000, s31;
	s1 =	sadd.s32 s1, s30  }
0xba: {  	s0 =	sor.u32 s3, s0;
	s1 =	sshll.u32 s1, $0x11  }
0xbb: {  	s0 =	sor.u32 s1, s0  }
0xbc: {  	s0 =	sadd.s32 $0x8F2B, s0  }
0xbd: {  	[sflag:s0] =	ssyncadd.remote.s32 $0x1  }
0xbe: {  	_ =	sfence.sel $0xFFFF  }
0xbf: {  	[dreg:$0x0] =	wrdreg $0xFFFFFFFF;
	(pc) =	sbr.abs _section_cstart, $3  }
0xc0: {  	[dreg:$0x1] =	wrdreg $0xFFFFFFFF  }
0xc1: {  	_ =	task.clear_ibuf [dreg:s7], $0x2FFFF;
	_ =	strace $0x9FFFFFFF  }
0xc2: {  	(tm) =	ssettm $0x7FFFFFFF  }
0xc3: {  	_ =	shalt  }
tec
execute0_lowered:
.L_overlay_start_1:
0x0: {  	(tag) =	ssettag $0x1  }
0x1: {  	s3 =	rddreg [dreg:$0x0]  }
0x2: {  	s1 =	rddreg [dreg:$0x1]  }
0x3: {  	s0 =	rddreg [dreg:$0x2];
	s2 =	simm.s32 $0x0  }
0x4: {  	s4 =	srdreg.scid;
	s9 =	simm.s32 $0x8000;
	s10 =	simm.s32 $0x8400  }
0x5: {  	s11 =	simm.s32 $0x0;
	[smem:$0x7FF] =	sst s2;
	s6 =	sand.u32 $0x1, s4  }
0x6: {  	s4 =	sadd.s32 $0xC00, s3;
	s5 =	sadd.s32 $0x1C00, s3;
	s7 =	ssub.s32 $0x2, s6  }
0x7: {  	s3 =	stileid.u32;
	_ =	strace $0x80000047;
	s8 =	sshrl.u32 s7, $0x1  }
0x8: {  	s31 =	sshll.u32 s3, $0x4;
	s6 =	sshll.u32 s6, $0x3;
	s7 =	ssub.s32 s7, s8  }
0x9: {  	s6 =	sor.u32 s6, s31;
	s8 =	simm.s32 $0x1;
	s7 =	smax.u32 s7, $0x1  }
.LBB2_1:
0xa: {  	[tilespmem:s2], [sflag:$0x1] =	stream.linear.gather [hbm4b:s4+s2], $0x8000, $0x38;
	[tilespmem:$0x18400] =	vst v63  }
0xb: {  	_ =	swait.ge [sflag:s8], $0x8000  }
0xc: {  	[sflag:s8] =	ssyncset.done $0x0  }
0xd: {  	s12 =	simm.s32 $0x0;
	[sflag:s8] =	ssyncadd.s32 $0xFFFF8000  }
.LBB2_2:
0xe: {  	s13 =	sadd.s32 s6, s12  }
0xf: {  	s14 =	sshll.u32 s13, $0x7  }
0x10: {  	s15 =	simm.s32 $0x0;
	s14 =	sadd.s32 s5, s14  }
0x11: {  	[tilespmem:s9], [sflag:$0x1] =	stream.linear.gather [hbm4b:s14+s15], $0x400, $0x38;
	[tilespmem:$0x18400] =	vst v63  }
0x12: {  	_ =	swait.ge [sflag:s8], $0x400  }
0x13: {  	[sflag:s8] =	ssyncset.done $0x0  }
0x14: {  	s22 =	simm.s32 $0x0;
	[sflag:s8] =	ssyncadd.s32 $0xFFFFFC00  }
0x15: {  	v4 =	vld [tilespmem:s22+$0x8010]  }
0x16: {  	v3 =	vld [tilespmem:s22+$0x8000];
	_ =	sdelay $0x6  }
0x17: {  	v0 =	vld.idx.msk [tilespmem:v4+s2+$0x0], $0xffff  }
0x18: {  	v2 =	vadd.s32 $0x200, v4;
	v1 =	vld.idx.msk [tilespmem:v3+s2+$0x0], $0xffff  }
0x19: {  	v5 =	vadd.s32 $0x200, v3;
	_ =	sdelay $0x2  }
0x1a: {  	[tilespmem:s22+$0x8410] =	vst v0  }
0x1b: {  	[tilespmem:s22+$0x8400] =	vst v1;
	v0 =	vld.idx.msk [tilespmem:v2+s2+$0x0], $0xffff  }
0x1c: {  	v1 =	vld.idx.msk [tilespmem:v5+s2+$0x0], $0xffff;
	v2 =	vadd.s32 $0x400, v4  }
0x1d: {  	v5 =	vadd.s32 $0x400, v3;
	_ =	sdelay $0x2  }
0x1e: {  	s16 =	sand.u32 $0x3E0, s15;
	[tilespmem:s22+$0x8810] =	vst v0  }
0x1f: {  	[tilespmem:s16+$0x8800] =	vst v1;
	v0 =	vld.idx.msk [tilespmem:v2+s2+$0x0], $0xffff  }
0x20: {  	v1 =	vld.idx.msk [tilespmem:v5+s2+$0x0], $0xffff;
	v2 =	vadd.s32 $0x600, v4  }
0x21: {  	v5 =	vadd.s32 $0x600, v3;
	_ =	sdelay $0x2  }
0x22: {  	[tilespmem:s22+$0x8C10] =	vst v0  }
0x23: {  	[tilespmem:s16+$0x8C00] =	vst v1;
	v0 =	vld.idx.msk [tilespmem:v2+s2+$0x0], $0xffff  }
0x24: {  	v1 =	vld.idx.msk [tilespmem:v5+s2+$0x0], $0xffff;
	v2 =	vadd.s32 $0x800, v4  }
0x25: {  	v5 =	vadd.s32 $0x800, v3;
	_ =	sdelay $0x2  }
0x26: {  	[tilespmem:s22+$0x9010] =	vst v0  }
0x27: {  	[tilespmem:s16+$0x9000] =	vst v1;
	v0 =	vld.idx.msk [tilespmem:v2+s2+$0x0], $0xffff  }
0x28: {  	v1 =	vld.idx.msk [tilespmem:v5+s2+$0x0], $0xffff;
	v2 =	vadd.s32 $0xA00, v4  }
0x29: {  	v5 =	vadd.s32 $0xA00, v3;
	_ =	sdelay $0x2  }
0x2a: {  	[tilespmem:s22+$0x9410] =	vst v0  }
0x2b: {  	[tilespmem:s16+$0x9400] =	vst v1;
	v0 =	vld.idx.msk [tilespmem:v2+s2+$0x0], $0xffff  }
0x2c: {  	v1 =	vld.idx.msk [tilespmem:v5+s2+$0x0], $0xffff;
	v2 =	vadd.s32 $0xC00, v4  }
0x2d: {  	v5 =	vadd.s32 $0xC00, v3;
	_ =	sdelay $0x2  }
0x2e: {  	[tilespmem:s22+$0x9810] =	vst v0  }
0x2f: {  	[tilespmem:s16+$0x9800] =	vst v1;
	v0 =	vld.idx.msk [tilespmem:v2+s2+$0x0], $0xffff  }
0x30: {  	v1 =	vld.idx.msk [tilespmem:v5+s2+$0x0], $0xffff;
	v2 =	vadd.s32 $0xE00, v4  }
0x31: {  	v5 =	vadd.s32 $0xE00, v3;
	_ =	sdelay $0x2  }
0x32: {  	[tilespmem:s22+$0x9C10] =	vst v0  }
0x33: {  	[tilespmem:s16+$0x9C00] =	vst v1;
	v0 =	vld.idx.msk [tilespmem:v2+s2+$0x0], $0xffff  }
0x34: {  	v1 =	vld.idx.msk [tilespmem:v5+s2+$0x0], $0xffff;
	v2 =	vadd.s32 $0x1000, v4  }
0x35: {  	v5 =	vadd.s32 $0x1000, v3;
	_ =	sdelay $0x2  }
0x36: {  	[tilespmem:s22+$0xA010] =	vst v0  }
0x37: {  	[tilespmem:s16+$0xA000] =	vst v1;
	v0 =	vld.idx.msk [tilespmem:v2+s2+$0x0], $0xffff  }
0x38: {  	v1 =	vld.idx.msk [tilespmem:v5+s2+$0x0], $0xffff;
	v2 =	vadd.s32 $0x1200, v4  }
0x39: {  	v5 =	vadd.s32 $0x1200, v3;
	_ =	sdelay $0x2  }
0x3a: {  	[tilespmem:s22+$0xA410] =	vst v0  }
0x3b: {  	[tilespmem:s16+$0xA400] =	vst v1;
	v0 =	vld.idx.msk [tilespmem:v2+s2+$0x0], $0xffff  }
0x3c: {  	v1 =	vld.idx.msk [tilespmem:v5+s2+$0x0], $0xffff;
	v2 =	vadd.s32 $0x1400, v4  }
0x3d: {  	v5 =	vadd.s32 $0x1400, v3;
	_ =	sdelay $0x2  }
0x3e: {  	[tilespmem:s22+$0xA810] =	vst v0  }
0x3f: {  	[tilespmem:s16+$0xA800] =	vst v1;
	v0 =	vld.idx.msk [tilespmem:v2+s2+$0x0], $0xffff  }
0x40: {  	v1 =	vld.idx.msk [tilespmem:v5+s2+$0x0], $0xffff;
	v2 =	vadd.s32 $0x1600, v4  }
0x41: {  	v5 =	vadd.s32 $0x1600, v3;
	_ =	sdelay $0x2  }
0x42: {  	[tilespmem:s22+$0xAC10] =	vst v0  }
0x43: {  	[tilespmem:s16+$0xAC00] =	vst v1;
	v0 =	vld.idx.msk [tilespmem:v2+s2+$0x0], $0xffff  }
0x44: {  	v1 =	vld.idx.msk [tilespmem:v5+s2+$0x0], $0xffff;
	v2 =	vadd.s32 $0x1800, v4  }
0x45: {  	v5 =	vadd.s32 $0x1800, v3;
	_ =	sdelay $0x2  }
0x46: {  	[tilespmem:s22+$0xB010] =	vst v0  }
0x47: {  	[tilespmem:s16+$0xB000] =	vst v1;
	v0 =	vld.idx.msk [tilespmem:v2+s2+$0x0], $0xffff  }
0x48: {  	v1 =	vld.idx.msk [tilespmem:v5+s2+$0x0], $0xffff;
	v2 =	vadd.s32 $0x1A00, v4  }
0x49: {  	v5 =	vadd.s32 $0x1A00, v3;
	_ =	sdelay $0x2  }
0x4a: {  	[tilespmem:s22+$0xB410] =	vst v0  }
0x4b: {  	[tilespmem:s16+$0xB400] =	vst v1;
	v0 =	vld.idx.msk [tilespmem:v2+s2+$0x0], $0xffff  }
0x4c: {  	v1 =	vld.idx.msk [tilespmem:v5+s2+$0x0], $0xffff;
	v2 =	vadd.s32 $0x1C00, v4  }
0x4d: {  	v5 =	vadd.s32 $0x1C00, v3;
	_ =	sdelay $0x2  }
0x4e: {  	[tilespmem:s22+$0xB810] =	vst v0  }
0x4f: {  	[tilespmem:s16+$0xB800] =	vst v1;
	v0 =	vld.idx.msk [tilespmem:v2+s2+$0x0], $0xffff  }
0x50: {  	v1 =	vld.idx.msk [tilespmem:v5+s2+$0x0], $0xffff;
	v2 =	vadd.s32 $0x1E00, v4  }
0x51: {  	v5 =	vadd.s32 $0x1E00, v3;
	_ =	sdelay $0x2  }
0x52: {  	[tilespmem:s22+$0xBC10] =	vst v0  }
0x53: {  	[tilespmem:s16+$0xBC00] =	vst v1;
	v0 =	vld.idx.msk [tilespmem:v2+s2+$0x0], $0xffff  }
0x54: {  	v1 =	vld.idx.msk [tilespmem:v5+s2+$0x0], $0xffff;
	v2 =	vadd.s32 $0x2000, v4  }
0x55: {  	v5 =	vadd.s32 $0x2000, v3;
	_ =	sdelay $0x2  }
0x56: {  	[tilespmem:s22+$0xC010] =	vst v0  }
0x57: {  	[tilespmem:s16+$0xC000] =	vst v1;
	v0 =	vld.idx.msk [tilespmem:v2+s2+$0x0], $0xffff  }
0x58: {  	v1 =	vld.idx.msk [tilespmem:v5+s2+$0x0], $0xffff;
	v2 =	vadd.s32 $0x2200, v4  }
0x59: {  	v5 =	vadd.s32 $0x2200, v3  }
0x5a: {  	s14 =	simm.s32 $0x20  }
0x5b: {  	v9 =	vld [tilespmem:s14+$0x8000]  }
0x5c: {  	[tilespmem:s22+$0xC410] =	vst v0;
	v0 =	vld [tilespmem:s14+$0x8010]  }
0x5d: {  	[tilespmem:s16+$0xC400] =	vst v1;
	v1 =	vld.idx.msk [tilespmem:v2+s2+$0x0], $0xffff  }
0x5e: {  	v2 =	vld.idx.msk [tilespmem:v5+s2+$0x0], $0xffff;
	v5 =	vadd.s32 $0x2400, v4;
	_ =	sdelay $0x1  }
0x5f: {  	v6 =	vadd.s32 $0x2400, v3;
	_ =	sdelay $0x1  }
0x60: {  	[tilespmem:s22+$0xC810] =	vst v1  }
0x61: {  	v1 =	vld.idx.msk [tilespmem:v5+s2+$0x0], $0xffff  }
0x62: {  	v8 =	vld.idx.msk [tilespmem:v9+s2+$0x0], $0xffff;
	[tilespmem:s16+$0xC800] =	vst v2;
	v5 =	vadd.s32 $0x2600, v4  }
0x63: {  	v11 =	vadd.s32 $0x200, v9;
	v2 =	vld.idx.msk [tilespmem:v6+s2+$0x0], $0xffff  }
0x64: {  	v57 =	vadd.s32 $0x2600, v3;
	v7 =	vld.idx.msk [tilespmem:v0+s2+$0x0], $0xffff  }
0x65: {  	v10 =	vadd.s32 $0x200, v0  }
0x66: {  	[tilespmem:s22+$0xCC10] =	vst v1  }
0x67: {  	[tilespmem:s14+$0x8400] =	vst v8;
	v1 =	vld.idx.msk [tilespmem:v5+s2+$0x0], $0xffff  }
0x68: {  	v8 =	vld.idx.msk [tilespmem:v11+s2+$0x0], $0xffff;
	[tilespmem:s16+$0xCC00] =	vst v2;
	v5 =	vadd.s32 $0x2800, v4  }
0x69: {  	v11 =	vadd.s32 $0x400, v9;
	v2 =	vld.idx.msk [tilespmem:v57+s2+$0x0], $0xffff;
	[tilespmem:s14+$0x8410] =	vst v7  }
0x6a: {  	v58 =	vadd.s32 $0x2800, v3;
	v7 =	vld.idx.msk [tilespmem:v10+s2+$0x0], $0xffff  }
0x6b: {  	s31 =	simm.s32 $0x20;
	v10 =	vadd.s32 $0x400, v0  }
0x6c: {  	s15 =	sand.u32 $0x3E0, s31;
	[tilespmem:s22+$0xD010] =	vst v1  }
0x6d: {  	[tilespmem:s15+$0x8800] =	vst v8;
	v1 =	vld.idx.msk [tilespmem:v5+s2+$0x0], $0xffff  }
0x6e: {  	v8 =	vld.idx.msk [tilespmem:v11+s2+$0x0], $0xffff;
	[tilespmem:s16+$0xD000] =	vst v2;
	v5 =	vadd.s32 $0x2A00, v4  }
0x6f: {  	v11 =	vadd.s32 $0x600, v9;
	v2 =	vld.idx.msk [tilespmem:v58+s2+$0x0], $0xffff;
	[tilespmem:s14+$0x8810] =	vst v7  }
0x70: {  	v59 =	vadd.s32 $0x2A00, v3;
	v7 =	vld.idx.msk [tilespmem:v10+s2+$0x0], $0xffff  }
0x71: {  	v10 =	vadd.s32 $0x600, v0  }
0x72: {  	[tilespmem:s22+$0xD410] =	vst v1  }
0x73: {  	[tilespmem:s15+$0x8C00] =	vst v8;
	v1 =	vld.idx.msk [tilespmem:v5+s2+$0x0], $0xffff  }
0x74: {  	v8 =	vld.idx.msk [tilespmem:v11+s2+$0x0], $0xffff;
	[tilespmem:s16+$0xD400] =	vst v2;
	v5 =	vadd.s32 $0x2C00, v4  }
0x75: {  	v11 =	vadd.s32 $0x800, v9;
	v2 =	vld.idx.msk [tilespmem:v59+s2+$0x0], $0xffff;
	[tilespmem:s14+$0x8C10] =	vst v7  }
0x76: {  	v60 =	vadd.s32 $0x2C00, v3;
	v7 =	vld.idx.msk [tilespmem:v10+s2+$0x0], $0xffff  }
0x77: {  	v10 =	vadd.s32 $0x800, v0  }
0x78: {  	[tilespmem:s22+$0xD810] =	vst v1  }
0x79: {  	[tilespmem:s15+$0x9000] =	vst v8;
	v1 =	vld.idx.msk [tilespmem:v5+s2+$0x0], $0xffff  }
0x7a: {  	v8 =	vld.idx.msk [tilespmem:v11+s2+$0x0], $0xffff;
	[tilespmem:s16+$0xD800] =	vst v2;
	v5 =	vadd.s32 $0x2E00, v4  }
0x7b: {  	v11 =	vadd.s32 $0xA00, v9;
	v2 =	vld.idx.msk [tilespmem:v60+s2+$0x0], $0xffff;
	[tilespmem:s14+$0x9010] =	vst v7  }
0x7c: {  	v61 =	vadd.s32 $0x2E00, v3;
	v7 =	vld.idx.msk [tilespmem:v10+s2+$0x0], $0xffff  }
0x7d: {  	v10 =	vadd.s32 $0xA00, v0  }
0x7e: {  	[tilespmem:s22+$0xDC10] =	vst v1  }
0x7f: {  	[tilespmem:s15+$0x9400] =	vst v8;
	v1 =	vld.idx.msk [tilespmem:v5+s2+$0x0], $0xffff  }
0x80: {  	v8 =	vld.idx.msk [tilespmem:v11+s2+$0x0], $0xffff;
	[tilespmem:s16+$0xDC00] =	vst v2;
	v5 =	vadd.s32 $0x3000, v4  }
0x81: {  	v11 =	vadd.s32 $0xC00, v9;
	v2 =	vld.idx.msk [tilespmem:v61+s2+$0x0], $0xffff;
	[tilespmem:s14+$0x9410] =	vst v7  }
0x82: {  	v62 =	vadd.s32 $0x3000, v3;
	v7 =	vld.idx.msk [tilespmem:v10+s2+$0x0], $0xffff  }
0x83: {  	v10 =	vadd.s32 $0xC00, v0  }
0x84: {  	[tilespmem:s22+$0xE010] =	vst v1  }
0x85: {  	[tilespmem:s15+$0x9800] =	vst v8;
	v1 =	vld.idx.msk [tilespmem:v5+s2+$0x0], $0xffff  }
0x86: {  	v8 =	vld.idx.msk [tilespmem:v11+s2+$0x0], $0xffff;
	[tilespmem:s16+$0xE000] =	vst v2;
	v5 =	vadd.s32 $0x3200, v4  }
0x87: {  	v11 =	vadd.s32 $0xE00, v9;
	v2 =	vld.idx.msk [tilespmem:v62+s2+$0x0], $0xffff;
	[tilespmem:s14+$0x9810] =	vst v7  }
0x88: {  	v63 =	vadd.s32 $0x3200, v3;
	v7 =	vld.idx.msk [tilespmem:v10+s2+$0x0], $0xffff  }
0x89: {  	v10 =	vadd.s32 $0xE00, v0  }
0x8a: {  	[tilespmem:s22+$0xE410] =	vst v1  }
0x8b: {  	[tilespmem:s15+$0x9C00] =	vst v8;
	v1 =	vld.idx.msk [tilespmem:v5+s2+$0x0], $0xffff  }
0x8c: {  	v8 =	vld.idx.msk [tilespmem:v11+s2+$0x0], $0xffff;
	[tilespmem:s16+$0xE400] =	vst v2;
	v5 =	vadd.s32 $0x3400, v4  }
0x8d: {  	v11 =	vadd.s32 $0x1000, v9;
	v2 =	vld.idx.msk [tilespmem:v63+s2+$0x0], $0xffff;
	[tilespmem:s14+$0x9C10] =	vst v7  }
0x8e: {  	v32 =	vadd.s32 $0x3400, v3;
	v7 =	vld.idx.msk [tilespmem:v10+s2+$0x0], $0xffff  }
0x8f: {  	v10 =	vadd.s32 $0x1000, v0  }
0x90: {  	[tilespmem:s22+$0xE810] =	vst v1  }
0x91: {  	[tilespmem:s15+$0xA000] =	vst v8;
	v1 =	vld.idx.msk [tilespmem:v5+s2+$0x0], $0xffff  }
0x92: {  	v8 =	vld.idx.msk [tilespmem:v11+s2+$0x0], $0xffff;
	[tilespmem:s16+$0xE800] =	vst v2;
	v5 =	vadd.s32 $0x3600, v4  }
0x93: {  	v11 =	vadd.s32 $0x1200, v9;
	v2 =	vld.idx.msk [tilespmem:v32+s2+$0x0], $0xffff;
	[tilespmem:s14+$0xA010] =	vst v7  }
0x94: {  	v33 =	vadd.s32 $0x3600, v3;
	v7 =	vld.idx.msk [tilespmem:v10+s2+$0x0], $0xffff  }
0x95: {  	v10 =	vadd.s32 $0x1200, v0  }
0x96: {  	[tilespmem:s22+$0xEC10] =	vst v1  }
0x97: {  	[tilespmem:s15+$0xA400] =	vst v8;
	v1 =	vld.idx.msk [tilespmem:v5+s2+$0x0], $0xffff  }
0x98: {  	v8 =	vld.idx.msk [tilespmem:v11+s2+$0x0], $0xffff;
	[tilespmem:s16+$0xEC00] =	vst v2;
	v5 =	vadd.s32 $0x3800, v4  }
0x99: {  	v11 =	vadd.s32 $0x1400, v9;
	v2 =	vld.idx.msk [tilespmem:v33+s2+$0x0], $0xffff;
	[tilespmem:s14+$0xA410] =	vst v7  }
0x9a: {  	v34 =	vadd.s32 $0x3800, v3;
	v7 =	vld.idx.msk [tilespmem:v10+s2+$0x0], $0xffff  }
0x9b: {  	v10 =	vadd.s32 $0x1400, v0  }
0x9c: {  	[tilespmem:s22+$0xF010] =	vst v1  }
0x9d: {  	[tilespmem:s15+$0xA800] =	vst v8;
	v1 =	vld.idx.msk [tilespmem:v5+s2+$0x0], $0xffff  }
0x9e: {  	v8 =	vld.idx.msk [tilespmem:v11+s2+$0x0], $0xffff;
	[tilespmem:s16+$0xF000] =	vst v2;
	v5 =	vadd.s32 $0x3A00, v4  }
0x9f: {  	v11 =	vadd.s32 $0x1600, v9;
	v2 =	vld.idx.msk [tilespmem:v34+s2+$0x0], $0xffff;
	[tilespmem:s14+$0xA810] =	vst v7  }
0xa0: {  	v35 =	vadd.s32 $0x3A00, v3;
	v7 =	vld.idx.msk [tilespmem:v10+s2+$0x0], $0xffff  }
0xa1: {  	v10 =	vadd.s32 $0x1600, v0  }
0xa2: {  	[tilespmem:s22+$0xF410] =	vst v1  }
0xa3: {  	[tilespmem:s15+$0xAC00] =	vst v8;
	v1 =	vld.idx.msk [tilespmem:v5+s2+$0x0], $0xffff  }
0xa4: {  	v8 =	vld.idx.msk [tilespmem:v11+s2+$0x0], $0xffff;
	[tilespmem:s16+$0xF400] =	vst v2;
	v5 =	vadd.s32 $0x3C00, v4  }
0xa5: {  	v11 =	vadd.s32 $0x1800, v9;
	v2 =	vld.idx.msk [tilespmem:v35+s2+$0x0], $0xffff;
	[tilespmem:s14+$0xAC10] =	vst v7  }
0xa6: {  	v36 =	vadd.s32 $0x3C00, v3;
	v7 =	vld.idx.msk [tilespmem:v10+s2+$0x0], $0xffff  }
0xa7: {  	v10 =	vadd.s32 $0x1800, v0  }
0xa8: {  	[tilespmem:s22+$0xF810] =	vst v1  }
0xa9: {  	[tilespmem:s15+$0xB000] =	vst v8;
	v1 =	vld.idx.msk [tilespmem:v5+s2+$0x0], $0xffff  }
0xaa: {  	v8 =	vld.idx.msk [tilespmem:v11+s2+$0x0], $0xffff;
	[tilespmem:s16+$0xF800] =	vst v2;
	v5 =	vadd.s32 $0x3E00, v4  }
0xab: {  	v11 =	vadd.s32 $0x1A00, v9;
	v2 =	vld.idx.msk [tilespmem:v36+s2+$0x0], $0xffff;
	[tilespmem:s14+$0xB010] =	vst v7  }
0xac: {  	v37 =	vadd.s32 $0x3E00, v3;
	v7 =	vld.idx.msk [tilespmem:v10+s2+$0x0], $0xffff  }
0xad: {  	v10 =	vadd.s32 $0x1A00, v0  }
0xae: {  	[tilespmem:s22+$0xFC10] =	vst v1  }
0xaf: {  	[tilespmem:s15+$0xB400] =	vst v8;
	v1 =	vld.idx.msk [tilespmem:v5+s2+$0x0], $0xffff  }
0xb0: {  	v8 =	vld.idx.msk [tilespmem:v11+s2+$0x0], $0xffff;
	[tilespmem:s16+$0xFC00] =	vst v2;
	v5 =	vadd.s32 $0x4000, v4  }
0xb1: {  	v11 =	vadd.s32 $0x1C00, v9;
	v2 =	vld.idx.msk [tilespmem:v37+s2+$0x0], $0xffff;
	[tilespmem:s14+$0xB410] =	vst v7  }
0xb2: {  	v39 =	vadd.s32 $0x4000, v3;
	v38 =	vld.idx.msk [tilespmem:v10+s2+$0x0], $0xffff  }
0xb3: {  	v10 =	vadd.s32 $0x1C00, v0  }
0xb4: {  	[tilespmem:s22+$0x10010] =	vst v1  }
0xb5: {  	[tilespmem:s15+$0xB800] =	vst v8;
	v1 =	vld.idx.msk [tilespmem:v5+s2+$0x0], $0xffff  }
0xb6: {  	v8 =	vld.idx.msk [tilespmem:v11+s2+$0x0], $0xffff;
	[tilespmem:s16+$0x10000] =	vst v2;
	v2 =	vadd.s32 $0x4200, v4  }
0xb7: {  	v11 =	vadd.s32 $0x1E00, v9;
	[tilespmem:s14+$0xB810] =	vst v38;
	v5 =	vld.idx.msk [tilespmem:v39+s2+$0x0], $0xffff  }
0xb8: {  	v40 =	vadd.s32 $0x4200, v3;
	v41 =	vld.idx.msk [tilespmem:v10+s2+$0x0], $0xffff  }
0xb9: {  	v10 =	vadd.s32 $0x1E00, v0  }
0xba: {  	[tilespmem:s22+$0x10410] =	vst v1  }
0xbb: {  	[tilespmem:s15+$0xBC00] =	vst v8;
	v1 =	vld.idx.msk [tilespmem:v2+s2+$0x0], $0xffff  }
0xbc: {  	v8 =	vld.idx.msk [tilespmem:v11+s2+$0x0], $0xffff;
	[tilespmem:s16+$0x10400] =	vst v5;
	v2 =	vadd.s32 $0x4400, v4  }
0xbd: {  	v11 =	vadd.s32 $0x2000, v9;
	v5 =	vld.idx.msk [tilespmem:v40+s2+$0x0], $0xffff;
	[tilespmem:s14+$0xBC10] =	vst v41  }
0xbe: {  	v42 =	vadd.s32 $0x4400, v3;
	v7 =	vld.idx.msk [tilespmem:v10+s2+$0x0], $0xffff  }
0xbf: {  	v10 =	vadd.s32 $0x2000, v0  }
0xc0: {  	[tilespmem:s22+$0x10810] =	vst v1  }
0xc1: {  	[tilespmem:s15+$0xC000] =	vst v8;
	v1 =	vld.idx.msk [tilespmem:v2+s2+$0x0], $0xffff  }
0xc2: {  	v8 =	vld.idx.msk [tilespmem:v11+s2+$0x0], $0xffff;
	[tilespmem:s16+$0x10800] =	vst v5;
	v2 =	vadd.s32 $0x4600, v4  }
0xc3: {  	v5 =	vld.idx.msk [tilespmem:v42+s2+$0x0], $0xffff;
	[tilespmem:s14+$0xC010] =	vst v7  }
0xc4: {  	v11 =	vadd.s32 $0x2200, v9;
	v7 =	vld.idx.msk [tilespmem:v10+s2+$0x0], $0xffff  }
0xc5: {  	v10 =	vadd.s32 $0x2200, v0  }
0xc6: {  	[tilespmem:s22+$0x10C10] =	vst v1  }
0xc7: {  	v43 =	vadd.s32 $0x4600, v3;
	[tilespmem:s15+$0xC400] =	vst v8;
	v2 =	vld.idx.msk [tilespmem:v2+s2+$0x0], $0xffff  }
0xc8: {  	[tilespmem:s16+$0x10C00] =	vst v5;
	v5 =	vadd.s32 $0x4800, v4  }
0xc9: {  	v8 =	vld.idx.msk [tilespmem:v11+s2+$0x0], $0xffff;
	[tilespmem:s14+$0xC410] =	vst v7  }
0xca: {  	s17 =	simm.s32 $0x40;
	v7 =	vld.idx.msk [tilespmem:v10+s2+$0x0], $0xffff  }
0xcb: {  	v1 =	vld [tilespmem:s17+$0x8010];
	v10 =	vadd.s32 $0x2400, v0  }
0xcc: {  	v6 =	vld.idx.msk [tilespmem:v43+s2+$0x0], $0xffff;
	[tilespmem:s22+$0x11010] =	vst v2;
	v2 =	vadd.s32 $0x2400, v9  }
0xcd: {  	v11 =	vld.idx.msk [tilespmem:v5+s2+$0x0], $0xffff  }
0xce: {  	v12 =	vadd.s32 $0x4800, v3;
	v5 =	vld [tilespmem:s17+$0x8000]  }
0xcf: {  	v13 =	vadd.s32 $0x4A00, v4;
	[tilespmem:s14+$0xC810] =	vst v7  }
0xd0: {  	[tilespmem:s15+$0xC800] =	vst v8;
	v7 =	vld.idx.msk [tilespmem:v10+s2+$0x0], $0xffff  }
0xd1: {  	v2 =	vld.idx.msk [tilespmem:v2+s2+$0x0], $0xffff  }
0xd2: {  	v44 =	vadd.s32 $0x2600, v0;
	[tilespmem:s16+$0x11000] =	vst v6  }
0xd3: {  	v8 =	vadd.s32 $0x2600, v9;
	v10 =	vld.idx.msk [tilespmem:v12+s2+$0x0], $0xffff;
	[tilespmem:s22+$0x11410] =	vst v11  }
0xd4: {  	v11 =	vadd.s32 $0x4A00, v3;
	v12 =	vld.idx.msk [tilespmem:v13+s2+$0x0], $0xffff  }
0xd5: {  	v14 =	vadd.s32 $0x4C00, v4;
	v13 =	vld.idx.msk [tilespmem:v1+s2+$0x0], $0xffff;
	[tilespmem:s14+$0xCC10] =	vst v7  }
0xd6: {  	v16 =	vadd.s32 $0x200, v1;
	v15 =	vld.idx.msk [tilespmem:v5+s2+$0x0], $0xffff;
	[tilespmem:s15+$0xCC00] =	vst v2  }
0xd7: {  	v45 =	vadd.s32 $0x200, v5;
	v2 =	vld.idx.msk [tilespmem:v44+s2+$0x0], $0xffff  }
0xd8: {  	[tilespmem:s16+$0x11400] =	vst v10;
	v46 =	vld.idx.msk [tilespmem:v8+s2+$0x0], $0xffff;
	v8 =	vadd.s32 $0x2800, v0  }
0xd9: {  	v10 =	vadd.s32 $0x2800, v9;
	v11 =	vld.idx.msk [tilespmem:v11+s2+$0x0], $0xffff;
	[tilespmem:s22+$0x11810] =	vst v12  }
0xda: {  	v12 =	vadd.s32 $0x4C00, v3;
	[tilespmem:s17+$0x8410] =	vst v13;
	v13 =	vld.idx.msk [tilespmem:v14+s2+$0x0], $0xffff  }
0xdb: {  	v14 =	vld.idx.msk [tilespmem:v16+s2+$0x0], $0xffff;
	[tilespmem:s17+$0x8400] =	vst v15;
	v15 =	vadd.s32 $0x4E00, v4  }
0xdc: {  	v16 =	vadd.s32 $0x400, v1;
	v7 =	vld.idx.msk [tilespmem:v45+s2+$0x0], $0xffff;
	[tilespmem:s14+$0xD010] =	vst v2  }
0xdd: {  	v2 =	vadd.s32 $0x400, v5;
	[tilespmem:s15+$0xD000] =	vst v46;
	v47 =	vld.idx.msk [tilespmem:v8+s2+$0x0], $0xffff  }
0xde: {  	[tilespmem:s16+$0x11800] =	vst v11;
	v8 =	vld.idx.msk [tilespmem:v10+s2+$0x0], $0xffff;
	v10 =	vadd.s32 $0x2A00, v0  }
0xdf: {  	s18 =	simm.s32 $0x40;
	v11 =	vadd.s32 $0x2A00, v9;
	v12 =	vld.idx.msk [tilespmem:v12+s2+$0x0], $0xffff;
	[tilespmem:s22+$0x11C10] =	vst v13  }
0xe0: {  	s18 =	sand.u32 $0x3E0, s18;
	v13 =	vadd.s32 $0x4E00, v3;
	[tilespmem:s17+$0x8810] =	vst v14;
	v14 =	vld.idx.msk [tilespmem:v15+s2+$0x0], $0xffff  }
0xe1: {  	v48 =	vld.idx.msk [tilespmem:v16+s2+$0x0], $0xffff;
	v15 =	vadd.s32 $0x5000, v4;
	[tilespmem:s18+$0x8800] =	vst v7  }
0xe2: {  	v16 =	vadd.s32 $0x600, v1;
	v2 =	vld.idx.msk [tilespmem:v2+s2+$0x0], $0xffff;
	[tilespmem:s14+$0xD410] =	vst v47  }
0xe3: {  	v49 =	vadd.s32 $0x600, v5;
	[tilespmem:s15+$0xD400] =	vst v8;
	v8 =	vld.idx.msk [tilespmem:v10+s2+$0x0], $0xffff  }
0xe4: {  	[tilespmem:s16+$0x11C00] =	vst v12;
	v10 =	vld.idx.msk [tilespmem:v11+s2+$0x0], $0xffff;
	v11 =	vadd.s32 $0x2C00, v0  }
0xe5: {  	v12 =	vadd.s32 $0x2C00, v9;
	v13 =	vld.idx.msk [tilespmem:v13+s2+$0x0], $0xffff;
	[tilespmem:s22+$0x12010] =	vst v14  }
0xe6: {  	v14 =	vadd.s32 $0x5000, v3;
	[tilespmem:s17+$0x8C10] =	vst v48;
	v50 =	vld.idx.msk [tilespmem:v15+s2+$0x0], $0xffff  }
0xe7: {  	v15 =	vadd.s32 $0x5200, v4;
	[tilespmem:s18+$0x8C00] =	vst v2;
	v2 =	vld.idx.msk [tilespmem:v16+s2+$0x0], $0xffff  }
0xe8: {  	v16 =	vadd.s32 $0x800, v1;
	v6 =	vld.idx.msk [tilespmem:v49+s2+$0x0], $0xffff;
	[tilespmem:s14+$0xD810] =	vst v8  }
0xe9: {  	v8 =	vadd.s32 $0x800, v5;
	[tilespmem:s15+$0xD800] =	vst v10;
	v10 =	vld.idx.msk [tilespmem:v11+s2+$0x0], $0xffff  }
0xea: {  	[tilespmem:s16+$0x12000] =	vst v13;
	v11 =	vld.idx.msk [tilespmem:v12+s2+$0x0], $0xffff;
	v12 =	vadd.s32 $0x2E00, v0  }
0xeb: {  	v13 =	vadd.s32 $0x2E00, v9;
	v14 =	vld.idx.msk [tilespmem:v14+s2+$0x0], $0xffff;
	[tilespmem:s22+$0x12410] =	vst v50  }
0xec: {  	v51 =	vadd.s32 $0x5200, v3;
	[tilespmem:s17+$0x9010] =	vst v2;
	v2 =	vld.idx.msk [tilespmem:v15+s2+$0x0], $0xffff  }
0xed: {  	v15 =	vadd.s32 $0x5400, v4;
	[tilespmem:s18+$0x9000] =	vst v6;
	v52 =	vld.idx.msk [tilespmem:v16+s2+$0x0], $0xffff  }
0xee: {  	v16 =	vadd.s32 $0xA00, v1;
	v8 =	vld.idx.msk [tilespmem:v8+s2+$0x0], $0xffff;
	[tilespmem:s14+$0xDC10] =	vst v10  }
0xef: {  	v10 =	vadd.s32 $0xA00, v5;
	[tilespmem:s15+$0xDC00] =	vst v11;
	v11 =	vld.idx.msk [tilespmem:v12+s2+$0x0], $0xffff  }
0xf0: {  	[tilespmem:s16+$0x12400] =	vst v14;
	v12 =	vld.idx.msk [tilespmem:v13+s2+$0x0], $0xffff;
	v13 =	vadd.s32 $0x3000, v0  }
0xf1: {  	v14 =	vadd.s32 $0x3000, v9;
	v7 =	vld.idx.msk [tilespmem:v51+s2+$0x0], $0xffff;
	[tilespmem:s22+$0x12810] =	vst v2  }
0xf2: {  	v2 =	vadd.s32 $0x5400, v3;
	[tilespmem:s17+$0x9410] =	vst v52;
	v53 =	vld.idx.msk [tilespmem:v15+s2+$0x0], $0xffff  }
0xf3: {  	v15 =	vadd.s32 $0x5600, v4;
	[tilespmem:s18+$0x9400] =	vst v8;
	v8 =	vld.idx.msk [tilespmem:v16+s2+$0x0], $0xffff  }
0xf4: {  	v16 =	vadd.s32 $0xC00, v1;
	v10 =	vld.idx.msk [tilespmem:v10+s2+$0x0], $0xffff;
	[tilespmem:s14+$0xE010] =	vst v11  }
0xf5: {  	v11 =	vadd.s32 $0xC00, v5;
	[tilespmem:s15+$0xE000] =	vst v12;
	v12 =	vld.idx.msk [tilespmem:v13+s2+$0x0], $0xffff  }
0xf6: {  	v54 =	vadd.s32 $0x3200, v0;
	[tilespmem:s16+$0x12800] =	vst v7;
	v13 =	vld.idx.msk [tilespmem:v14+s2+$0x0], $0xffff  }
0xf7: {  	v14 =	vadd.s32 $0x3200, v9;
	v2 =	vld.idx.msk [tilespmem:v2+s2+$0x0], $0xffff;
	[tilespmem:s22+$0x12C10] =	vst v53  }
0xf8: {  	v55 =	vadd.s32 $0x5600, v3;
	[tilespmem:s17+$0x9810] =	vst v8;
	v8 =	vld.idx.msk [tilespmem:v15+s2+$0x0], $0xffff  }
0xf9: {  	v15 =	vadd.s32 $0x5800, v4;
	[tilespmem:s18+$0x9800] =	vst v10;
	v10 =	vld.idx.msk [tilespmem:v16+s2+$0x0], $0xffff  }
0xfa: {  	v16 =	vadd.s32 $0xE00, v1;
	v11 =	vld.idx.msk [tilespmem:v11+s2+$0x0], $0xffff;
	[tilespmem:s14+$0xE410] =	vst v12  }
0xfb: {  	v12 =	vadd.s32 $0xE00, v5;
	[tilespmem:s15+$0xE400] =	vst v13;
	v7 =	vld.idx.msk [tilespmem:v54+s2+$0x0], $0xffff  }
0xfc: {  	[tilespmem:s16+$0x12C00] =	vst v2;
	v2 =	vadd.s32 $0x3400, v0;
	v13 =	vld.idx.msk [tilespmem:v14+s2+$0x0], $0xffff  }
0xfd: {  	v14 =	vadd.s32 $0x3400, v9;
	v6 =	vld.idx.msk [tilespmem:v55+s2+$0x0], $0xffff;
	[tilespmem:s22+$0x13010] =	vst v8  }
0xfe: {  	v8 =	vadd.s32 $0x5800, v3;
	[tilespmem:s17+$0x9C10] =	vst v10;
	v10 =	vld.idx.msk [tilespmem:v15+s2+$0x0], $0xffff  }
0xff: {  	v15 =	vadd.s32 $0x5A00, v4;
	[tilespmem:s18+$0x9C00] =	vst v11;
	v11 =	vld.idx.msk [tilespmem:v16+s2+$0x0], $0xffff  }
0x100: {  	v16 =	vadd.s32 $0x1000, v1;
	v12 =	vld.idx.msk [tilespmem:v12+s2+$0x0], $0xffff;
	[tilespmem:s14+$0xE810] =	vst v7  }
0x101: {  	v56 =	vadd.s32 $0x1000, v5;
	[tilespmem:s15+$0xE800] =	vst v13;
	v2 =	vld.idx.msk [tilespmem:v2+s2+$0x0], $0xffff  }
0x102: {  	v57 =	vadd.s32 $0x3600, v0;
	[tilespmem:s16+$0x13000] =	vst v6;
	v13 =	vld.idx.msk [tilespmem:v14+s2+$0x0], $0xffff  }
0x103: {  	v14 =	vadd.s32 $0x3600, v9;
	v8 =	vld.idx.msk [tilespmem:v8+s2+$0x0], $0xffff;
	[tilespmem:s22+$0x13410] =	vst v10  }
0x104: {  	v10 =	vadd.s32 $0x5A00, v3;
	[tilespmem:s17+$0xA010] =	vst v11;
	v11 =	vld.idx.msk [tilespmem:v15+s2+$0x0], $0xffff  }
0x105: {  	v15 =	vadd.s32 $0x5C00, v4;
	[tilespmem:s18+$0xA000] =	vst v12;
	v12 =	vld.idx.msk [tilespmem:v16+s2+$0x0], $0xffff  }
0x106: {  	v16 =	vadd.s32 $0x1200, v1;
	v7 =	vld.idx.msk [tilespmem:v56+s2+$0x0], $0xffff;
	[tilespmem:s14+$0xEC10] =	vst v2  }
0x107: {  	v2 =	vadd.s32 $0x1200, v5;
	[tilespmem:s15+$0xEC00] =	vst v13;
	v6 =	vld.idx.msk [tilespmem:v57+s2+$0x0], $0xffff  }
0x108: {  	[tilespmem:s16+$0x13400] =	vst v8;
	v8 =	vadd.s32 $0x3800, v0;
	v13 =	vld.idx.msk [tilespmem:v14+s2+$0x0], $0xffff  }
0x109: {  	v14 =	vadd.s32 $0x3800, v9;
	v10 =	vld.idx.msk [tilespmem:v10+s2+$0x0], $0xffff;
	[tilespmem:s22+$0x13810] =	vst v11  }
0x10a: {  	v11 =	vadd.s32 $0x5C00, v3;
	[tilespmem:s17+$0xA410] =	vst v12;
	v12 =	vld.idx.msk [tilespmem:v15+s2+$0x0], $0xffff  }
0x10b: {  	v15 =	vadd.s32 $0x5E00, v4;
	[tilespmem:s18+$0xA400] =	vst v7;
	v58 =	vld.idx.msk [tilespmem:v16+s2+$0x0], $0xffff  }
0x10c: {  	v16 =	vadd.s32 $0x1400, v1;
	v2 =	vld.idx.msk [tilespmem:v2+s2+$0x0], $0xffff;
	[tilespmem:s14+$0xF010] =	vst v6  }
0x10d: {  	v59 =	vadd.s32 $0x1400, v5;
	[tilespmem:s15+$0xF000] =	vst v13;
	v8 =	vld.idx.msk [tilespmem:v8+s2+$0x0], $0xffff  }
0x10e: {  	[tilespmem:s16+$0x13800] =	vst v10;
	v10 =	vadd.s32 $0x3A00, v0;
	v13 =	vld.idx.msk [tilespmem:v14+s2+$0x0], $0xffff  }
0x10f: {  	v14 =	vadd.s32 $0x3A00, v9;
	v11 =	vld.idx.msk [tilespmem:v11+s2+$0x0], $0xffff;
	[tilespmem:s22+$0x13C10] =	vst v12  }
0x110: {  	v12 =	vadd.s32 $0x5E00, v3;
	[tilespmem:s17+$0xA810] =	vst v58;
	v60 =	vld.idx.msk [tilespmem:v15+s2+$0x0], $0xffff  }
0x111: {  	v15 =	vadd.s32 $0x6000, v4;
	[tilespmem:s18+$0xA800] =	vst v2;
	v2 =	vld.idx.msk [tilespmem:v16+s2+$0x0], $0xffff  }
0x112: {  	v16 =	vadd.s32 $0x1600, v1;
	v6 =	vld.idx.msk [tilespmem:v59+s2+$0x0], $0xffff;
	[tilespmem:s14+$0xF410] =	vst v8  }
0x113: {  	v8 =	vadd.s32 $0x1600, v5;
	[tilespmem:s15+$0xF400] =	vst v13;
	v10 =	vld.idx.msk [tilespmem:v10+s2+$0x0], $0xffff  }
0x114: {  	[tilespmem:s16+$0x13C00] =	vst v11;
	v11 =	vadd.s32 $0x3C00, v0;
	v13 =	vld.idx.msk [tilespmem:v14+s2+$0x0], $0xffff  }
0x115: {  	v14 =	vadd.s32 $0x3C00, v9;
	v12 =	vld.idx.msk [tilespmem:v12+s2+$0x0], $0xffff;
	[tilespmem:s22+$0x14010] =	vst v60  }
0x116: {  	v61 =	vadd.s32 $0x6000, v3;
	[tilespmem:s17+$0xAC10] =	vst v2;
	v2 =	vld.idx.msk [tilespmem:v15+s2+$0x0], $0xffff  }
0x117: {  	v15 =	vadd.s32 $0x6200, v4;
	[tilespmem:s18+$0xAC00] =	vst v6;
	v62 =	vld.idx.msk [tilespmem:v16+s2+$0x0], $0xffff  }
0x118: {  	v16 =	vadd.s32 $0x1800, v1;
	v8 =	vld.idx.msk [tilespmem:v8+s2+$0x0], $0xffff;
	[tilespmem:s14+$0xF810] =	vst v10  }
0x119: {  	v10 =	vadd.s32 $0x1800, v5;
	[tilespmem:s15+$0xF800] =	vst v13;
	v11 =	vld.idx.msk [tilespmem:v11+s2+$0x0], $0xffff  }
0x11a: {  	[tilespmem:s16+$0x14000] =	vst v12;
	v12 =	vadd.s32 $0x3E00, v0;
	v13 =	vld.idx.msk [tilespmem:v14+s2+$0x0], $0xffff  }
0x11b: {  	v14 =	vadd.s32 $0x3E00, v9;
	v7 =	vld.idx.msk [tilespmem:v61+s2+$0x0], $0xffff;
	[tilespmem:s22+$0x14410] =	vst v2  }
0x11c: {  	v2 =	vadd.s32 $0x6200, v3;
	[tilespmem:s17+$0xB010] =	vst v62;
	v63 =	vld.idx.msk [tilespmem:v15+s2+$0x0], $0xffff  }
0x11d: {  	v15 =	vadd.s32 $0x6400, v4;
	[tilespmem:s18+$0xB000] =	vst v8;
	v8 =	vld.idx.msk [tilespmem:v16+s2+$0x0], $0xffff  }
0x11e: {  	v16 =	vadd.s32 $0x1A00, v1;
	v10 =	vld.idx.msk [tilespmem:v10+s2+$0x0], $0xffff;
	[tilespmem:s14+$0xFC10] =	vst v11  }
0x11f: {  	v11 =	vadd.s32 $0x1A00, v5;
	[tilespmem:s15+$0xFC00] =	vst v13;
	v12 =	vld.idx.msk [tilespmem:v12+s2+$0x0], $0xffff  }
0x120: {  	v32 =	vadd.s32 $0x4000, v0;
	[tilespmem:s16+$0x14400] =	vst v7;
	v13 =	vld.idx.msk [tilespmem:v14+s2+$0x0], $0xffff  }
0x121: {  	v14 =	vadd.s32 $0x4000, v9;
	v2 =	vld.idx.msk [tilespmem:v2+s2+$0x0], $0xffff;
	[tilespmem:s22+$0x14810] =	vst v63  }
0x122: {  	v33 =	vadd.s32 $0x6400, v3;
	[tilespmem:s17+$0xB410] =	vst v8;
	v8 =	vld.idx.msk [tilespmem:v15+s2+$0x0], $0xffff  }
0x123: {  	v15 =	vadd.s32 $0x6600, v4;
	[tilespmem:s18+$0xB400] =	vst v10;
	v10 =	vld.idx.msk [tilespmem:v16+s2+$0x0], $0xffff  }
0x124: {  	v16 =	vadd.s32 $0x1C00, v1;
	v11 =	vld.idx.msk [tilespmem:v11+s2+$0x0], $0xffff;
	[tilespmem:s14+$0x10010] =	vst v12  }
0x125: {  	v12 =	vadd.s32 $0x1C00, v5;
	[tilespmem:s15+$0x10000] =	vst v13;
	v7 =	vld.idx.msk [tilespmem:v32+s2+$0x0], $0xffff  }
0x126: {  	[tilespmem:s16+$0x14800] =	vst v2;
	v2 =	vadd.s32 $0x4200, v0;
	v13 =	vld.idx.msk [tilespmem:v14+s2+$0x0], $0xffff  }
0x127: {  	v14 =	vadd.s32 $0x4200, v9;
	v6 =	vld.idx.msk [tilespmem:v33+s2+$0x0], $0xffff;
	[tilespmem:s22+$0x14C10] =	vst v8  }
0x128: {  	v8 =	vadd.s32 $0x6600, v3;
	[tilespmem:s17+$0xB810] =	vst v10;
	v10 =	vld.idx.msk [tilespmem:v15+s2+$0x0], $0xffff  }
0x129: {  	v15 =	vadd.s32 $0x6800, v4;
	[tilespmem:s18+$0xB800] =	vst v11;
	v11 =	vld.idx.msk [tilespmem:v16+s2+$0x0], $0xffff  }
0x12a: {  	v16 =	vadd.s32 $0x1E00, v1;
	v12 =	vld.idx.msk [tilespmem:v12+s2+$0x0], $0xffff;
	[tilespmem:s14+$0x10410] =	vst v7  }
0x12b: {  	v34 =	vadd.s32 $0x1E00, v5;
	[tilespmem:s15+$0x10400] =	vst v13;
	v2 =	vld.idx.msk [tilespmem:v2+s2+$0x0], $0xffff  }
0x12c: {  	v35 =	vadd.s32 $0x4400, v0;
	[tilespmem:s16+$0x14C00] =	vst v6;
	v13 =	vld.idx.msk [tilespmem:v14+s2+$0x0], $0xffff  }
0x12d: {  	v14 =	vadd.s32 $0x4400, v9;
	v8 =	vld.idx.msk [tilespmem:v8+s2+$0x0], $0xffff;
	[tilespmem:s22+$0x15010] =	vst v10  }
0x12e: {  	v10 =	vadd.s32 $0x6800, v3;
	[tilespmem:s17+$0xBC10] =	vst v11;
	v11 =	vld.idx.msk [tilespmem:v15+s2+$0x0], $0xffff  }
0x12f: {  	v15 =	vadd.s32 $0x6A00, v4;
	[tilespmem:s18+$0xBC00] =	vst v12;
	v12 =	vld.idx.msk [tilespmem:v16+s2+$0x0], $0xffff  }
0x130: {  	v16 =	vadd.s32 $0x2000, v1;
	v7 =	vld.idx.msk [tilespmem:v34+s2+$0x0], $0xffff;
	[tilespmem:s14+$0x10810] =	vst v2  }
0x131: {  	[tilespmem:s15+$0x10800] =	vst v13;
	v6 =	vld.idx.msk [tilespmem:v35+s2+$0x0], $0xffff  }
0x132: {  	v2 =	vadd.s32 $0x2000, v5;
	[tilespmem:s16+$0x15000] =	vst v8;
	v13 =	vld.idx.msk [tilespmem:v14+s2+$0x0], $0xffff  }
0x133: {  	v8 =	vadd.s32 $0x4600, v0;
	v10 =	vld.idx.msk [tilespmem:v10+s2+$0x0], $0xffff;
	[tilespmem:s22+$0x15410] =	vst v11  }
0x134: {  	v14 =	vadd.s32 $0x4600, v9;
	[tilespmem:s17+$0xC010] =	vst v12;
	v12 =	vld.idx.msk [tilespmem:v15+s2+$0x0], $0xffff  }
0x135: {  	s19 =	simm.s32 $0x60;
	v15 =	vadd.s32 $0x6C00, v4;
	[tilespmem:s18+$0xC000] =	vst v7;
	v36 =	vld.idx.msk [tilespmem:v16+s2+$0x0], $0xffff  }
0x136: {  	v29 =	vld [tilespmem:s19+$0x8000];
	v16 =	vadd.s32 $0x2200, v1;
	[tilespmem:s14+$0x10C10] =	vst v6  }
0x137: {  	v2 =	vld.idx.msk [tilespmem:v2+s2+$0x0], $0xffff;
	[tilespmem:s15+$0x10C00] =	vst v13  }
0x138: {  	v37 =	vadd.s32 $0x2200, v5;
	[tilespmem:s16+$0x15400] =	vst v10;
	v8 =	vld.idx.msk [tilespmem:v8+s2+$0x0], $0xffff  }
0x139: {  	v11 =	vadd.s32 $0x6A00, v3;
	v13 =	vld.idx.msk [tilespmem:v14+s2+$0x0], $0xffff;
	[tilespmem:s22+$0x15810] =	vst v12  }
0x13a: {  	v10 =	vadd.s32 $0x4800, v0;
	[tilespmem:s17+$0xC410] =	vst v36;
	v38 =	vld.idx.msk [tilespmem:v15+s2+$0x0], $0xffff  }
0x13b: {  	v12 =	vadd.s32 $0x4800, v9;
	v14 =	vld.idx.msk [tilespmem:v16+s2+$0x0], $0xffff  }
0x13c: {  	v15 =	vadd.s32 $0x6E00, v4;
	[tilespmem:s18+$0xC400] =	vst v2;
	v2 =	vld [tilespmem:s19+$0x8010]  }
0x13d: {  	v16 =	vadd.s32 $0x2400, v1;
	v6 =	vld.idx.msk [tilespmem:v37+s2+$0x0], $0xffff  }
0x13e: {  	v11 =	vld.idx.msk [tilespmem:v11+s2+$0x0], $0xffff;
	[tilespmem:s14+$0x11010] =	vst v8;
	v8 =	vadd.s32 $0x2400, v5  }
0x13f: {  	v17 =	vadd.s32 $0x6C00, v3;
	[tilespmem:s15+$0x11000] =	vst v13;
	v10 =	vld.idx.msk [tilespmem:v10+s2+$0x0], $0xffff  }
0x140: {  	v12 =	vld.idx.msk [tilespmem:v12+s2+$0x0], $0xffff;
	[tilespmem:s22+$0x15C10] =	vst v38  }
0x141: {  	[tilespmem:s17+$0xC810] =	vst v14;
	v7 =	vld.idx.msk [tilespmem:v15+s2+$0x0], $0xffff  }
0x142: {  	v13 =	vadd.s32 $0x4A00, v0;
	[tilespmem:s18+$0xC800] =	vst v6;
	v39 =	vld.idx.msk [tilespmem:v16+s2+$0x0], $0xffff  }
0x143: {  	[tilespmem:s16+$0x15800] =	vst v11;
	v11 =	vadd.s32 $0x7000, v4;
	v8 =	vld.idx.msk [tilespmem:v8+s2+$0x0], $0xffff  }
0x144: {  	v16 =	vadd.s32 $0x4A00, v9;
	[tilespmem:s14+$0x11410] =	vst v10;
	v10 =	vld.idx.msk [tilespmem:v17+s2+$0x0], $0xffff  }
0x145: {  	v14 =	vadd.s32 $0x2600, v1;
	v17 =	vld.idx.msk [tilespmem:v2+s2+$0x0], $0xffff;
	[tilespmem:s15+$0x11400] =	vst v12  }
0x146: {  	v15 =	vadd.s32 $0x2600, v5;
	v12 =	vld.idx.msk [tilespmem:v29+s2+$0x0], $0xffff;
	[tilespmem:s22+$0x16010] =	vst v7  }
0x147: {  	v40 =	vadd.s32 $0x200, v2;
	v13 =	vld.idx.msk [tilespmem:v13+s2+$0x0], $0xffff;
	[tilespmem:s17+$0xCC10] =	vst v39  }
0x148: {  	v18 =	vadd.s32 $0x4C00, v0;
	v41 =	vld.idx.msk [tilespmem:v11+s2+$0x0], $0xffff;
	[tilespmem:s18+$0xCC00] =	vst v8  }
0x149: {  	v11 =	vadd.s32 $0x200, v29;
	v16 =	vld.idx.msk [tilespmem:v16+s2+$0x0], $0xffff;
	[tilespmem:s16+$0x15C00] =	vst v10  }
0x14a: {  	v8 =	vld.idx.msk [tilespmem:v14+s2+$0x0], $0xffff;
	v10 =	vadd.s32 $0x7200, v4;
	[tilespmem:s19+$0x8410] =	vst v17  }
0x14b: {  	v14 =	vld.idx.msk [tilespmem:v15+s2+$0x0], $0xffff;
	v15 =	vadd.s32 $0x2800, v1;
	[tilespmem:s19+$0x8400] =	vst v12  }
0x14c: {  	[tilespmem:s14+$0x11810] =	vst v13;
	v13 =	vadd.s32 $0x2800, v5;
	v7 =	vld.idx.msk [tilespmem:v40+s2+$0x0], $0xffff  }
0x14d: {  	v17 =	vld.idx.msk [tilespmem:v18+s2+$0x0], $0xffff;
	v18 =	vadd.s32 $0x4C00, v9;
	[tilespmem:s22+$0x16410] =	vst v41  }
0x14e: {  	v42 =	vadd.s32 $0x400, v2;
	v11 =	vld.idx.msk [tilespmem:v11+s2+$0x0], $0xffff;
	[tilespmem:s15+$0x11800] =	vst v16  }
0x14f: {  	v12 =	vadd.s32 $0x4E00, v0;
	[tilespmem:s17+$0xD010] =	vst v8;
	v8 =	vld.idx.msk [tilespmem:v10+s2+$0x0], $0xffff  }
0x150: {  	v10 =	vadd.s32 $0x400, v29;
	[tilespmem:s18+$0xD000] =	vst v14;
	v14 =	vld.idx.msk [tilespmem:v15+s2+$0x0], $0xffff  }
0x151: {  	s21 =	simm.s32 $0x60;
	v15 =	vadd.s32 $0x7400, v4;
	v13 =	vld.idx.msk [tilespmem:v13+s2+$0x0], $0xffff;
	[tilespmem:s19+$0x8810] =	vst v7  }
0x152: {  	s20 =	sand.u32 $0x3E0, s21;
	v16 =	vadd.s32 $0x2A00, v1;
	v18 =	vld.idx.msk [tilespmem:v18+s2+$0x0], $0xffff;
	[tilespmem:s14+$0x11C10] =	vst v17  }
0x153: {  	v17 =	vadd.s32 $0x2A00, v5;
	v6 =	vld.idx.msk [tilespmem:v42+s2+$0x0], $0xffff;
	[tilespmem:s20+$0x8800] =	vst v11  }
0x154: {  	v43 =	vld.idx.msk [tilespmem:v12+s2+$0x0], $0xffff;
	v12 =	vadd.s32 $0x4E00, v9;
	[tilespmem:s22+$0x16810] =	vst v8  }
0x155: {  	v11 =	vadd.s32 $0x5000, v0;
	v10 =	vld.idx.msk [tilespmem:v10+s2+$0x0], $0xffff;
	[tilespmem:s17+$0xD410] =	vst v14  }
0x156: {  	v8 =	vadd.s32 $0x600, v2;
	v14 =	vld.idx.msk [tilespmem:v15+s2+$0x0], $0xffff;
	[tilespmem:s18+$0xD400] =	vst v13  }
0x157: {  	v15 =	vadd.s32 $0x600, v29;
	v13 =	vld.idx.msk [tilespmem:v16+s2+$0x0], $0xffff;
	[tilespmem:s15+$0x11C00] =	vst v18  }
0x158: {  	v16 =	vld.idx.msk [tilespmem:v17+s2+$0x0], $0xffff;
	v17 =	vadd.s32 $0x7600, v4;
	[tilespmem:s19+$0x8C10] =	vst v6  }
0x159: {  	v18 =	vadd.s32 $0x2C00, v1;
	v12 =	vld.idx.msk [tilespmem:v12+s2+$0x0], $0xffff;
	[tilespmem:s14+$0x12010] =	vst v43  }
0x15a: {  	v44 =	vadd.s32 $0x2C00, v5;
	v45 =	vld.idx.msk [tilespmem:v11+s2+$0x0], $0xffff;
	[tilespmem:s20+$0x8C00] =	vst v10  }
0x15b: {  	v11 =	vadd.s32 $0x5000, v9;
	v8 =	vld.idx.msk [tilespmem:v8+s2+$0x0], $0xffff;
	[tilespmem:s22+$0x16C10] =	vst v14  }
0x15c: {  	v10 =	vld.idx.msk [tilespmem:v15+s2+$0x0], $0xffff;
	v15 =	vadd.s32 $0x5200, v0;
	[tilespmem:s17+$0xD810] =	vst v13  }
0x15d: {  	v14 =	vadd.s32 $0x800, v2;
	v13 =	vld.idx.msk [tilespmem:v17+s2+$0x0], $0xffff;
	[tilespmem:s18+$0xD800] =	vst v16  }
0x15e: {  	v17 =	vadd.s32 $0x800, v29;
	v16 =	vld.idx.msk [tilespmem:v18+s2+$0x0], $0xffff;
	[tilespmem:s15+$0x12000] =	vst v12  }
0x15f: {  	v7 =	vld.idx.msk [tilespmem:v44+s2+$0x0], $0xffff;
	v12 =	vadd.s32 $0x7800, v4;
	[tilespmem:s14+$0x12410] =	vst v45  }
0x160: {  	v18 =	vadd.s32 $0x2E00, v1;
	v11 =	vld.idx.msk [tilespmem:v11+s2+$0x0], $0xffff;
	[tilespmem:s19+$0x9010] =	vst v8  }
0x161: {  	v46 =	vadd.s32 $0x2E00, v5;
	v8 =	vld.idx.msk [tilespmem:v15+s2+$0x0], $0xffff;
	[tilespmem:s20+$0x9000] =	vst v10  }
0x162: {  	v15 =	vadd.s32 $0x5200, v9;
	v10 =	vld.idx.msk [tilespmem:v14+s2+$0x0], $0xffff;
	[tilespmem:s22+$0x17010] =	vst v13  }
0x163: {  	v14 =	vld.idx.msk [tilespmem:v17+s2+$0x0], $0xffff;
	v17 =	vadd.s32 $0x5400, v0;
	[tilespmem:s17+$0xDC10] =	vst v16  }
0x164: {  	v13 =	vadd.s32 $0xA00, v2;
	v12 =	vld.idx.msk [tilespmem:v12+s2+$0x0], $0xffff;
	[tilespmem:s18+$0xDC00] =	vst v7  }
0x165: {  	v16 =	vadd.s32 $0xA00, v29;
	v47 =	vld.idx.msk [tilespmem:v18+s2+$0x0], $0xffff;
	[tilespmem:s15+$0x12400] =	vst v11  }
0x166: {  	v6 =	vld.idx.msk [tilespmem:v46+s2+$0x0], $0xffff;
	v11 =	vadd.s32 $0x7A00, v4;
	[tilespmem:s14+$0x12810] =	vst v8  }
0x167: {  	v18 =	vadd.s32 $0x3000, v1;
	v15 =	vld.idx.msk [tilespmem:v15+s2+$0x0], $0xffff;
	[tilespmem:s19+$0x9410] =	vst v10  }
0x168: {  	v8 =	vadd.s32 $0x3000, v5;
	v10 =	vld.idx.msk [tilespmem:v17+s2+$0x0], $0xffff;
	[tilespmem:s20+$0x9400] =	vst v14  }
0x169: {  	v17 =	vadd.s32 $0x5400, v9;
	v13 =	vld.idx.msk [tilespmem:v13+s2+$0x0], $0xffff;
	[tilespmem:s22+$0x17410] =	vst v12  }
0x16a: {  	v14 =	vld.idx.msk [tilespmem:v16+s2+$0x0], $0xffff;
	v16 =	vadd.s32 $0x5600, v0;
	[tilespmem:s17+$0xE010] =	vst v47  }
0x16b: {  	v12 =	vadd.s32 $0xC00, v2;
	v48 =	vld.idx.msk [tilespmem:v11+s2+$0x0], $0xffff;
	[tilespmem:s18+$0xE000] =	vst v6  }
0x16c: {  	v11 =	vadd.s32 $0xC00, v29;
	v49 =	vld.idx.msk [tilespmem:v18+s2+$0x0], $0xffff;
	[tilespmem:s15+$0x12800] =	vst v15  }
0x16d: {  	v8 =	vld.idx.msk [tilespmem:v8+s2+$0x0], $0xffff;
	v15 =	vadd.s32 $0x7C00, v4;
	[tilespmem:s14+$0x12C10] =	vst v10  }
0x16e: {  	v18 =	vadd.s32 $0x3200, v1;
	v17 =	vld.idx.msk [tilespmem:v17+s2+$0x0], $0xffff;
	[tilespmem:s19+$0x9810] =	vst v13  }
0x16f: {  	v10 =	vadd.s32 $0x3200, v5;
	v13 =	vld.idx.msk [tilespmem:v16+s2+$0x0], $0xffff;
	[tilespmem:s20+$0x9800] =	vst v14  }
0x170: {  	v16 =	vadd.s32 $0x5600, v9;
	v12 =	vld.idx.msk [tilespmem:v12+s2+$0x0], $0xffff;
	[tilespmem:s22+$0x17810] =	vst v48  }
0x171: {  	v14 =	vadd.s32 $0x5800, v0;
	v11 =	vld.idx.msk [tilespmem:v11+s2+$0x0], $0xffff;
	[tilespmem:s17+$0xE410] =	vst v49  }
0x172: {  	v50 =	vadd.s32 $0xE00, v2;
	v51 =	vld.idx.msk [tilespmem:v15+s2+$0x0], $0xffff;
	[tilespmem:s18+$0xE400] =	vst v8  }
0x173: {  	v15 =	vadd.s32 $0xE00, v29;
	v8 =	vld.idx.msk [tilespmem:v18+s2+$0x0], $0xffff;
	[tilespmem:s15+$0x12C00] =	vst v17  }
0x174: {  	v4 =	vadd.s32 $0x7E00, v4;
	v10 =	vld.idx.msk [tilespmem:v10+s2+$0x0], $0xffff;
	[tilespmem:s14+$0x13010] =	vst v13  }
0x175: {  	v17 =	vadd.s32 $0x3400, v1;
	v16 =	vld.idx.msk [tilespmem:v16+s2+$0x0], $0xffff;
	[tilespmem:s19+$0x9C10] =	vst v12  }
0x176: {  	v13 =	vadd.s32 $0x3400, v5;
	v12 =	vld.idx.msk [tilespmem:v14+s2+$0x0], $0xffff;
	[tilespmem:s20+$0x9C00] =	vst v11  }
0x177: {  	v14 =	vadd.s32 $0x5800, v9;
	v7 =	vld.idx.msk [tilespmem:v50+s2+$0x0], $0xffff;
	[tilespmem:s22+$0x17C10] =	vst v51  }
0x178: {  	v52 =	vadd.s32 $0x1000, v2;
	v11 =	vld.idx.msk [tilespmem:v15+s2+$0x0], $0xffff;
	[tilespmem:s17+$0xE810] =	vst v8  }
0x179: {  	v15 =	vadd.s32 $0x5A00, v0;
	v4 =	vld.idx.msk [tilespmem:v4+s2+$0x0], $0xffff;
	[tilespmem:s18+$0xE800] =	vst v10  }
0x17a: {  	v8 =	vadd.s32 $0x1000, v29;
	v10 =	vld.idx.msk [tilespmem:v17+s2+$0x0], $0xffff;
	[tilespmem:s15+$0x13000] =	vst v16  }
0x17b: {  	v17 =	vadd.s32 $0x6E00, v3;
	v13 =	vld.idx.msk [tilespmem:v13+s2+$0x0], $0xffff;
	[tilespmem:s14+$0x13410] =	vst v12  }
0x17c: {  	v16 =	vadd.s32 $0x3600, v1;
	v14 =	vld.idx.msk [tilespmem:v14+s2+$0x0], $0xffff;
	[tilespmem:s19+$0xA010] =	vst v7  }
0x17d: {  	v12 =	vadd.s32 $0x3600, v5;
	v6 =	vld.idx.msk [tilespmem:v52+s2+$0x0], $0xffff;
	[tilespmem:s20+$0xA000] =	vst v11  }
0x17e: {  	v53 =	vld.idx.msk [tilespmem:v15+s2+$0x0], $0xffff;
	v15 =	vadd.s32 $0x5A00, v9;
	[tilespmem:s22+$0x18010] =	vst v4  }
0x17f: {  	v11 =	vadd.s32 $0x5C00, v0;
	v8 =	vld.idx.msk [tilespmem:v8+s2+$0x0], $0xffff;
	[tilespmem:s17+$0xEC10] =	vst v10  }
0x180: {  	v4 =	vadd.s32 $0x1200, v2;
	v10 =	vld.idx.msk [tilespmem:v17+s2+$0x0], $0xffff;
	[tilespmem:s18+$0xEC00] =	vst v13  }
0x181: {  	v17 =	vadd.s32 $0x1200, v29;
	v13 =	vld.idx.msk [tilespmem:v16+s2+$0x0], $0xffff;
	[tilespmem:s15+$0x13400] =	vst v14  }
0x182: {  	v16 =	vadd.s32 $0x7000, v3;
	v12 =	vld.idx.msk [tilespmem:v12+s2+$0x0], $0xffff;
	[tilespmem:s19+$0xA410] =	vst v6  }
0x183: {  	v14 =	vadd.s32 $0x3800, v1;
	v15 =	vld.idx.msk [tilespmem:v15+s2+$0x0], $0xffff;
	[tilespmem:s14+$0x13810] =	vst v53  }
0x184: {  	v54 =	vadd.s32 $0x3800, v5;
	v55 =	vld.idx.msk [tilespmem:v11+s2+$0x0], $0xffff;
	[tilespmem:s20+$0xA400] =	vst v8  }
0x185: {  	v11 =	vadd.s32 $0x5C00, v9;
	v4 =	vld.idx.msk [tilespmem:v4+s2+$0x0], $0xffff;
	[tilespmem:s16+$0x16000] =	vst v10  }
0x186: {  	v8 =	vld.idx.msk [tilespmem:v17+s2+$0x0], $0xffff;
	v17 =	vadd.s32 $0x5E00, v0;
	[tilespmem:s17+$0xF010] =	vst v13  }
0x187: {  	v10 =	vadd.s32 $0x1400, v2;
	v13 =	vld.idx.msk [tilespmem:v16+s2+$0x0], $0xffff;
	[tilespmem:s18+$0xF000] =	vst v12  }
0x188: {  	v16 =	vadd.s32 $0x1400, v29;
	v12 =	vld.idx.msk [tilespmem:v14+s2+$0x0], $0xffff;
	[tilespmem:s15+$0x13800] =	vst v15  }
0x189: {  	v14 =	vadd.s32 $0x7200, v3;
	v7 =	vld.idx.msk [tilespmem:v54+s2+$0x0], $0xffff;
	[tilespmem:s14+$0x13C10] =	vst v55  }
0x18a: {  	v15 =	vadd.s32 $0x3A00, v1;
	v11 =	vld.idx.msk [tilespmem:v11+s2+$0x0], $0xffff;
	[tilespmem:s19+$0xA810] =	vst v4  }
0x18b: {  	v56 =	vadd.s32 $0x3A00, v5;
	v4 =	vld.idx.msk [tilespmem:v17+s2+$0x0], $0xffff;
	[tilespmem:s20+$0xA800] =	vst v8  }
0x18c: {  	v17 =	vadd.s32 $0x5E00, v9;
	v8 =	vld.idx.msk [tilespmem:v10+s2+$0x0], $0xffff;
	[tilespmem:s16+$0x16400] =	vst v13  }
0x18d: {  	v10 =	vld.idx.msk [tilespmem:v16+s2+$0x0], $0xffff;
	v16 =	vadd.s32 $0x6000, v0;
	[tilespmem:s17+$0xF410] =	vst v12  }
0x18e: {  	v13 =	vadd.s32 $0x1600, v2;
	v12 =	vld.idx.msk [tilespmem:v14+s2+$0x0], $0xffff;
	[tilespmem:s18+$0xF400] =	vst v7  }
0x18f: {  	v14 =	vadd.s32 $0x1600, v29;
	v57 =	vld.idx.msk [tilespmem:v15+s2+$0x0], $0xffff;
	[tilespmem:s15+$0x13C00] =	vst v11  }
0x190: {  	v15 =	vadd.s32 $0x7400, v3;
	v6 =	vld.idx.msk [tilespmem:v56+s2+$0x0], $0xffff;
	[tilespmem:s14+$0x14010] =	vst v4  }
0x191: {  	v11 =	vadd.s32 $0x3C00, v1;
	v17 =	vld.idx.msk [tilespmem:v17+s2+$0x0], $0xffff;
	[tilespmem:s19+$0xAC10] =	vst v8  }
0x192: {  	v18 =	vadd.s32 $0x3C00, v5;
	v8 =	vld.idx.msk [tilespmem:v16+s2+$0x0], $0xffff;
	[tilespmem:s20+$0xAC00] =	vst v10  }
0x193: {  	v16 =	vadd.s32 $0x6000, v9;
	v10 =	vld.idx.msk [tilespmem:v13+s2+$0x0], $0xffff;
	[tilespmem:s16+$0x16800] =	vst v12  }
0x194: {  	v13 =	vld.idx.msk [tilespmem:v14+s2+$0x0], $0xffff;
	v14 =	vadd.s32 $0x6200, v0;
	[tilespmem:s17+$0xF810] =	vst v57  }
0x195: {  	v19 =	vadd.s32 $0x1800, v2;
	v58 =	vld.idx.msk [tilespmem:v15+s2+$0x0], $0xffff;
	[tilespmem:s18+$0xF800] =	vst v6  }
0x196: {  	v21 =	vadd.s32 $0x1800, v29;
	v11 =	vld.idx.msk [tilespmem:v11+s2+$0x0], $0xffff;
	[tilespmem:s15+$0x14000] =	vst v17  }
0x197: {  	v12 =	vadd.s32 $0x7600, v3;
	v18 =	vld.idx.msk [tilespmem:v18+s2+$0x0], $0xffff;
	[tilespmem:s14+$0x14410] =	vst v8  }
0x198: {  	v23 =	vadd.s32 $0x3E00, v1;
	v16 =	vld.idx.msk [tilespmem:v16+s2+$0x0], $0xffff;
	[tilespmem:s19+$0xB010] =	vst v10  }
0x199: {  	v8 =	vadd.s32 $0x3E00, v5;
	v10 =	vld.idx.msk [tilespmem:v14+s2+$0x0], $0xffff;
	[tilespmem:s20+$0xB000] =	vst v13  }
0x19a: {  	v22 =	vadd.s32 $0x6200, v9;
	v13 =	vld.idx.msk [tilespmem:v19+s2+$0x0], $0xffff;
	[tilespmem:s16+$0x16C00] =	vst v58  }
0x19b: {  	v14 =	vld.idx.msk [tilespmem:v21+s2+$0x0], $0xffff;
	[tilespmem:s17+$0xFC10] =	vst v11  }
0x19c: {  	v11 =	vld.idx.msk [tilespmem:v12+s2+$0x0], $0xffff;
	[tilespmem:s18+$0xFC00] =	vst v18  }
0x19d: {  	v18 =	vld.idx.msk [tilespmem:v23+s2+$0x0], $0xffff;
	[tilespmem:s15+$0x14400] =	vst v16  }
0x19e: {  	v19 =	vadd.s32 $0x6400, v0;
	v8 =	vld.idx.msk [tilespmem:v8+s2+$0x0], $0xffff;
	[tilespmem:s14+$0x14810] =	vst v10;
	v10 =	vadd.s32 $0x4800, v5  }
0x19f: {  	v22 =	vld.idx.msk [tilespmem:v22+s2+$0x0], $0xffff;
	[tilespmem:$0x1FD70] =	vst v10;
	v10 =	vadd.s32 $0x4A00, v5  }
0x1a0: {  	[tilespmem:$0x1FD80] =	vst v10;
	v10 =	vadd.s32 $0x4C00, v5  }
0x1a1: {  	v20 =	vadd.s32 $0x7A00, v3;
	v24 =	vadd.s32 $0x6600, v9;
	[tilespmem:$0x1FD90] =	vst v10  }
0x1a2: {  	v28 =	vadd.s32 $0x6A00, v9;
	v59 =	vadd.s32 $0x1A00, v2;
	[tilespmem:s19+$0xB410] =	vst v13;
	v13 =	vadd.s32 $0x4E00, v5  }
0x1a3: {  	v63 =	vadd.s32 $0x7800, v9;
	v37 =	vadd.s32 $0x7E00, v9;
	v10 =	vld.idx.msk [tilespmem:v19+s2+$0x0], $0xffff;
	[tilespmem:$0x1FDA0] =	vst v13;
	v13 =	vadd.s32 $0x5000, v5  }
0x1a4: {  	v40 =	vadd.s32 $0x7C00, v9;
	v41 =	vadd.s32 $0x7A00, v9;
	[tilespmem:$0x1FDB0] =	vst v13;
	v13 =	vadd.s32 $0x5200, v5  }
0x1a5: {  	v43 =	vadd.s32 $0x7600, v9;
	v44 =	vadd.s32 $0x7400, v9;
	v12 =	vadd.s32 $0x1A00, v29;
	[tilespmem:$0x1FDC0] =	vst v13  }
0x1a6: {  	v47 =	vadd.s32 $0x7200, v9;
	v49 =	vadd.s32 $0x6C00, v9;
	v13 =	vadd.s32 $0x5400, v5;
	[tilespmem:s20+$0xB400] =	vst v14  }
0x1a7: {  	v48 =	vadd.s32 $0x7000, v9;
	v52 =	vadd.s32 $0x6E00, v9;
	v7 =	vld.idx.msk [tilespmem:v59+s2+$0x0], $0xffff;
	[tilespmem:$0x1FDD0] =	vst v13;
	v13 =	vadd.s32 $0x5600, v5  }
0x1a8: {  	v4 =	vadd.s32 $0x7E00, v3;
	v15 =	vadd.s32 $0x7800, v3;
	v6 =	vadd.s32 $0x7C00, v3;
	[tilespmem:$0x1FDE0] =	vst v13  }
0x1a9: {  	v3 =	vadd.s32 $0x6800, v9;
	v23 =	vadd.s32 $0x4000, v1;
	[tilespmem:s16+$0x17000] =	vst v11;
	v11 =	vadd.s32 $0x5800, v5  }
0x1aa: {  	v17 =	vadd.s32 $0x6400, v9;
	v9 =	vadd.s32 $0x4000, v5;
	v12 =	vld.idx.msk [tilespmem:v12+s2+$0x0], $0xffff;
	[tilespmem:$0x1FDF0] =	vst v11;
	v11 =	vadd.s32 $0x5A00, v5  }
0x1ab: {  	[tilespmem:$0x1FE00] =	vst v11  }
0x1ac: {  	v13 =	vadd.s32 $0x6600, v0;
	[tilespmem:s17+$0x10010] =	vst v18  }
0x1ad: {  	v11 =	vadd.s32 $0x1C00, v2;
	v14 =	vld.idx.msk [tilespmem:v15+s2+$0x0], $0xffff;
	[tilespmem:s18+$0x10000] =	vst v8  }
0x1ae: {  	v15 =	vadd.s32 $0x1C00, v29;
	[tilespmem:s15+$0x14800] =	vst v22;
	v8 =	vld.idx.msk [tilespmem:v23+s2+$0x0], $0xffff  }
0x1af: {  	v18 =	vadd.s32 $0x4200, v1;
	[tilespmem:s14+$0x14C10] =	vst v10;
	v9 =	vld.idx.msk [tilespmem:v9+s2+$0x0], $0xffff  }
0x1b0: {  	[tilespmem:s19+$0xB810] =	vst v7;
	v17 =	vld.idx.msk [tilespmem:v17+s2+$0x0], $0xffff  }
0x1b1: {  	v60 =	vld.idx.msk [tilespmem:v13+s2+$0x0], $0xffff;
	[tilespmem:s20+$0xB800] =	vst v12  }
0x1b2: {  	v21 =	vadd.s32 $0x4200, v5;
	v10 =	vld.idx.msk [tilespmem:v11+s2+$0x0], $0xffff;
	[tilespmem:s16+$0x17400] =	vst v14  }
0x1b3: {  	v11 =	vld.idx.msk [tilespmem:v15+s2+$0x0], $0xffff;
	[tilespmem:s17+$0x10410] =	vst v8  }
0x1b4: {  	v30 =	vadd.s32 $0x4600, v5;
	[tilespmem:s18+$0x10400] =	vst v9;
	v9 =	vld.idx.msk [tilespmem:v18+s2+$0x0], $0xffff;
	v18 =	vadd.s32 $0x2600, v29  }
0x1b5: {  	v25 =	vadd.s32 $0x5C00, v5;
	v61 =	vadd.s32 $0x5E00, v5;
	v45 =	vadd.s32 $0x7A00, v5;
	v8 =	vld.idx.msk [tilespmem:v20+s2+$0x0], $0xffff;
	[tilespmem:$0x1FE10] =	vst v18  }
0x1b6: {  	v46 =	vadd.s32 $0x7800, v5;
	v50 =	vadd.s32 $0x7600, v5;
	[tilespmem:s15+$0x14C00] =	vst v17;
	v17 =	vadd.s32 $0x2800, v29  }
0x1b7: {  	v51 =	vadd.s32 $0x7400, v5;
	v12 =	vadd.s32 $0x6800, v0;
	v31 =	vld.idx.msk [tilespmem:v21+s2+$0x0], $0xffff;
	[tilespmem:$0x1FE20] =	vst v17;
	v17 =	vadd.s32 $0x2A00, v29  }
0x1b8: {  	v53 =	vadd.s32 $0x7200, v5;
	v54 =	vadd.s32 $0x6800, v5;
	v55 =	vadd.s32 $0x7000, v5;
	[tilespmem:$0x1FE30] =	vst v17  }
0x1b9: {  	v56 =	vadd.s32 $0x6600, v5;
	v57 =	vadd.s32 $0x6E00, v5;
	v58 =	vadd.s32 $0x6400, v5;
	[tilespmem:s14+$0x15010] =	vst v60  }
0x1ba: {  	v16 =	vadd.s32 $0x4400, v5;
	v13 =	vadd.s32 $0x1E00, v2;
	[tilespmem:s19+$0xBC10] =	vst v10;
	v10 =	vadd.s32 $0x2C00, v29  }
0x1bb: {  	v19 =	vadd.s32 $0x6C00, v5;
	v59 =	vadd.s32 $0x6200, v5;
	v24 =	vld.idx.msk [tilespmem:v24+s2+$0x0], $0xffff;
	[tilespmem:$0x1FE40] =	vst v10;
	v10 =	vadd.s32 $0x2E00, v29  }
0x1bc: {  	v22 =	vadd.s32 $0x6A00, v5;
	v23 =	vadd.s32 $0x6000, v5;
	v32 =	vld.idx.msk [tilespmem:v12+s2+$0x0], $0xffff;
	[tilespmem:$0x1FE50] =	vst v10;
	v10 =	vadd.s32 $0x3000, v29  }
0x1bd: {  	v15 =	vadd.s32 $0x7C00, v5;
	v14 =	vadd.s32 $0x7E00, v5;
	v5 =	vadd.s32 $0x1E00, v29;
	[tilespmem:$0x1FE60] =	vst v10  }
0x1be: {  	v10 =	vadd.s32 $0x3200, v29;
	[tilespmem:s20+$0xBC00] =	vst v11  }
0x1bf: {  	v33 =	vld.idx.msk [tilespmem:v13+s2+$0x0], $0xffff;
	[tilespmem:$0x1FE70] =	vst v10;
	v10 =	vadd.s32 $0x3400, v29  }
0x1c0: {  	[tilespmem:$0x1FE80] =	vst v10;
	v10 =	vadd.s32 $0x3600, v29  }
0x1c1: {  	[tilespmem:$0x1FE90] =	vst v10  }
0x1c2: {  	[tilespmem:s16+$0x17800] =	vst v8;
	v34 =	vld.idx.msk [tilespmem:v5+s2+$0x0], $0xffff;
	v5 =	vadd.s32 $0x3800, v29  }
0x1c3: {  	[tilespmem:$0x1FEA0] =	vst v5;
	v5 =	vadd.s32 $0x3A00, v29  }
0x1c4: {  	v62 =	vadd.s32 $0x4400, v1;
	[tilespmem:$0x1FEB0] =	vst v5  }
0x1c5: {  	v5 =	vadd.s32 $0x3C00, v29;
	[tilespmem:s17+$0x10810] =	vst v9  }
0x1c6: {  	v36 =	vld.idx.msk [tilespmem:v6+s2+$0x0], $0xffff;
	[tilespmem:$0x1FEC0] =	vst v5;
	v5 =	vadd.s32 $0x3E00, v29  }
0x1c7: {  	[tilespmem:$0x1FED0] =	vst v5  }
0x1c8: {  	v38 =	vadd.s32 $0x4000, v29;
	[tilespmem:s18+$0x10800] =	vst v31  }
0x1c9: {  	v39 =	vadd.s32 $0x4200, v29;
	v31 =	vld.idx.msk [tilespmem:v62+s2+$0x0], $0xffff;
	[tilespmem:$0x1FEE0] =	vst v38  }
0x1ca: {  	v60 =	vadd.s32 $0x4400, v29;
	[tilespmem:$0x1FEF0] =	vst v39  }
0x1cb: {  	[tilespmem:$0x1FF00] =	vst v60  }
0x1cc: {  	v35 =	vadd.s32 $0x6A00, v0;
	v62 =	vadd.s32 $0x4A00, v29;
	[tilespmem:s15+$0x15000] =	vst v24  }
0x1cd: {  	v38 =	vld.idx.msk [tilespmem:v16+s2+$0x0], $0xffff;
	[tilespmem:$0x1FF10] =	vst v62  }
0x1ce: {  	[tilespmem:s14+$0x15410] =	vst v32;
	v32 =	vadd.s32 $0x4E00, v29  }
0x1cf: {  	v5 =	vadd.s32 $0x2000, v2;
	v3 =	vld.idx.msk [tilespmem:v3+s2+$0x0], $0xffff;
	[tilespmem:$0x1FF20] =	vst v32  }
0x1d0: {  	v39 =	vadd.s32 $0x5000, v29;
	[tilespmem:s19+$0xC010] =	vst v33  }
0x1d1: {  	v60 =	vadd.s32 $0x5200, v29;
	v35 =	vld.idx.msk [tilespmem:v35+s2+$0x0], $0xffff;
	[tilespmem:$0x1FF30] =	vst v39  }
0x1d2: {  	v62 =	vadd.s32 $0x5400, v29;
	[tilespmem:$0x1FF40] =	vst v60  }
0x1d3: {  	[tilespmem:$0x1FF50] =	vst v62  }
0x1d4: {  	v27 =	vadd.s32 $0x2000, v29;
	[tilespmem:s20+$0xC000] =	vst v34;
	v34 =	vld.idx.msk [tilespmem:v5+s2+$0x0], $0xffff;
	v5 =	vadd.s32 $0x5600, v29  }
0x1d5: {  	[tilespmem:$0x1FF60] =	vst v5;
	v5 =	vadd.s32 $0x5800, v29  }
0x1d6: {  	[tilespmem:$0x1FF70] =	vst v5;
	v5 =	vadd.s32 $0x5A00, v29  }
0x1d7: {  	[tilespmem:$0x1FF80] =	vst v5  }
0x1d8: {  	v5 =	vadd.s32 $0x5C00, v29;
	[tilespmem:s16+$0x17C00] =	vst v36  }
0x1d9: {  	v36 =	vld.idx.msk [tilespmem:v27+s2+$0x0], $0xffff;
	[tilespmem:$0x1FF90] =	vst v5;
	v5 =	vadd.s32 $0x5E00, v29  }
0x1da: {  	v32 =	vadd.s32 $0x4600, v1;
	[tilespmem:$0x1FFA0] =	vst v5  }
0x1db: {  	[tilespmem:s17+$0x10C10] =	vst v31;
	v27 =	vld.idx.msk [tilespmem:v4+s2+$0x0], $0xffff;
	v4 =	vadd.s32 $0x6000, v29  }
0x1dc: {  	[tilespmem:$0x1FFB0] =	vst v4;
	v4 =	vadd.s32 $0x6200, v29  }
0x1dd: {  	[tilespmem:$0x1FFC0] =	vst v4  }
0x1de: {  	v4 =	vadd.s32 $0x6400, v29;
	[tilespmem:s18+$0x10C00] =	vst v38  }
0x1df: {  	v26 =	vadd.s32 $0x2200, v29;
	v5 =	vadd.s32 $0x6C00, v0;
	v32 =	vld.idx.msk [tilespmem:v32+s2+$0x0], $0xffff;
	[tilespmem:$0x1FFD0] =	vst v4;
	v4 =	vadd.s32 $0x6600, v29  }
0x1e0: {  	v42 =	vadd.s32 $0x2400, v29;
	v20 =	vadd.s32 $0x7600, v29;
	v39 =	vadd.s32 $0x2200, v2;
	[tilespmem:$0x1FFE0] =	vst v4  }
0x1e1: {  	v18 =	vadd.s32 $0x7800, v29;
	v21 =	vadd.s32 $0x7400, v29;
	[tilespmem:s15+$0x15400] =	vst v3;
	v3 =	vadd.s32 $0x6E00, v29  }
0x1e2: {  	v17 =	vadd.s32 $0x7A00, v29;
	v12 =	vadd.s32 $0x4600, v29;
	v11 =	vadd.s32 $0x4C00, v29;
	v33 =	vld.idx.msk [tilespmem:v30+s2+$0x0], $0xffff;
	[tilespmem:$0x1FFF0] =	vst v3  }
0x1e3: {  	v13 =	vadd.s32 $0x7E00, v29;
	v10 =	vadd.s32 $0x6C00, v29;
	v9 =	vadd.s32 $0x6A00, v29;
	[tilespmem:s14+$0x15810] =	vst v35;
	v31 =	vld.idx.msk [tilespmem:v28+s2+$0x0], $0xffff  }
0x1e4: {  	v24 =	vadd.s32 $0x4800, v29;
	v16 =	vadd.s32 $0x7C00, v29;
	v62 =	vadd.s32 $0x7000, v29;
	[tilespmem:s19+$0xC410] =	vst v34;
	v30 =	vld.idx.msk [tilespmem:v5+s2+$0x0], $0xffff  }
0x1e5: {  	s23 =	simm.s32 $0x200;
	s22 =	simm.s32 $0x6;
	v60 =	vadd.s32 $0x7200, v29;
	v38 =	vadd.s32 $0x6800, v29;
	v3 =	vadd.s32 $0x4800, v1;
	[tilespmem:s20+$0xC400] =	vst v36;
	v28 =	vld.idx.msk [tilespmem:v39+s2+$0x0], $0xffff  }
.LBB2_3:
0x1e6: {  	[tilespmem:$0x1FAC0] =	vst v47  }
0x1e7: {  	[tilespmem:$0x1FAB0] =	vst v25  }
0x1e8: {  	[tilespmem:$0x1FB20] =	vst v50  }
0x1e9: {  	[tilespmem:$0x1FAA0] =	vst v48  }
0x1ea: {  	[tilespmem:$0x1FB30] =	vst v20  }
0x1eb: {  	[tilespmem:$0x1FC50] =	vst v15  }
0x1ec: {  	[tilespmem:$0x1FB80] =	vst v63  }
0x1ed: {  	[tilespmem:$0x1FAF0] =	vst v21  }
0x1ee: {  	[tilespmem:$0x1FC10] =	vst v56  }
0x1ef: {  	[tilespmem:$0x1FB10] =	vst v43  }
0x1f0: {  	[tilespmem:$0x1FB90] =	vst v46  }
0x1f1: {  	[tilespmem:$0x1FCD0] =	vst v14  }
0x1f2: {  	[tilespmem:$0x1FBF0] =	vst v17  }
0x1f3: {  	[tilespmem:$0x1FCE0] =	vst v13  }
0x1f4: {  	[tilespmem:$0x1FB60] =	vst v59  }
0x1f5: {  	[tilespmem:$0x1FD20] =	vst v12  }
0x1f6: {  	[tilespmem:$0x1FC80] =	vst v54  }
0x1f7: {  	[tilespmem:$0x1FBE0] =	vst v45  }
0x1f8: {  	[tilespmem:$0x1FCC0] =	vst v37  }
0x1f9: {  	[tilespmem:$0x1FBA0] =	vst v18  }
0x1fa: {  	[tilespmem:$0x1FD50] =	vst v9  }
0x1fb: {  	[tilespmem:$0x1FC60] =	vst v16  }
0x1fc: {  	[tilespmem:$0x1FBD0] =	vst v41  }
0x1fd: {  	[tilespmem:$0x1FC40] =	vst v40  }
0x1fe: {  	[tilespmem:$0x1FD40] =	vst v22;
	v4 =	vld [tilespmem:$0x1FD70]  }
0x1ff: {  	[tilespmem:$0x1FC90] =	vst v38  }
0x200: {  	s24 =	sshra.s32 s23, $0x2;
	v26 =	vld.idx.msk [tilespmem:v26+s2+$0x0], $0xffff;
	[tilespmem:s16+$0x18000] =	vst v27  }
0x201: {  	s16 =	smov.u32 s15;
	s15 =	smov.u32 s18;
	v48 =	vld [tilespmem:s24+$0x8010];
	[tilespmem:s17+$0x11010] =	vst v32  }
0x202: {  	v29 =	vadd.s32 $0x6E00, v0;
	[tilespmem:s15+$0x11000] =	vst v33;
	v3 =	vld.idx.msk [tilespmem:v3+s2+$0x0], $0xffff  }
0x203: {  	v27 =	vadd.s32 $0x2400, v2;
	v35 =	vld [tilespmem:s24+$0x8000];
	[tilespmem:s16+$0x15800] =	vst v31  }
0x204: {  	[tilespmem:s14+$0x15C10] =	vst v30  }
0x205: {  	v5 =	vmov v19;
	[tilespmem:s19+$0xC810] =	vst v28  }
0x206: {  	s18 =	smov.u32 s20;
	[tilespmem:$0x1FB40] =	vst v5;
	v31 =	vld.idx.msk [tilespmem:v4+s2+$0x0], $0xffff  }
0x207: {  	v4 =	vmov v24;
	v24 =	vld.idx.msk [tilespmem:v29+s2+$0x0], $0xffff;
	[tilespmem:s18+$0xC800] =	vst v26  }
0x208: {  	v5 =	vadd.s32 $0x1600, v35;
	v26 =	vld.idx.msk [tilespmem:v27+s2+$0x0], $0xffff;
	[tilespmem:s17+$0x11410] =	vst v3  }
0x209: {  	[tilespmem:$0x1FAD0] =	vst v5;
	v5 =	vadd.s32 $0x1800, v35  }
0x20a: {  	[tilespmem:$0x1FB00] =	vst v5;
	v5 =	vadd.s32 $0x1A00, v35  }
0x20b: {  	[tilespmem:$0x1FB70] =	vst v5;
	v5 =	vadd.s32 $0x1C00, v35  }
0x20c: {  	[tilespmem:$0x1FBC0] =	vst v5;
	v5 =	vadd.s32 $0x1E00, v35  }
0x20d: {  	v54 =	vadd.s32 $0x4A00, v1;
	[tilespmem:$0x1FC30] =	vst v5;
	v5 =	vadd.s32 $0x2000, v35  }
0x20e: {  	[tilespmem:$0x1FCB0] =	vst v5;
	v5 =	vld [tilespmem:$0x1FE10]  }
0x20f: {  	v29 =	vadd.s32 $0x7000, v0;
	[tilespmem:$0x1FD70] =	vst v4;
	v25 =	vld.idx.msk [tilespmem:v42+s2+$0x0], $0xffff;
	v4 =	vmov v10  }
0x210: {  	v34 =	vadd.s32 $0x2600, v2;
	v3 =	vld.idx.msk [tilespmem:v49+s2+$0x0], $0xffff;
	[tilespmem:$0x1FAE0] =	vst v4  }
0x211: {  	v56 =	vld.idx.msk [tilespmem:v48+s2+$0x0], $0xffff;
	[tilespmem:s15+$0x11400] =	vst v31  }
0x212: {  	v4 =	vld.idx.msk [tilespmem:v54+s2+$0x0], $0xffff;
	[tilespmem:s14+$0x16010] =	vst v24  }
0x213: {  	v6 =	vadd.s32 $0x3E00, v35;
	v36 =	vld.idx.msk [tilespmem:v35+s2+$0x0], $0xffff;
	[tilespmem:s19+$0xCC10] =	vst v26  }
0x214: {  	[tilespmem:$0x1FB50] =	vst v6;
	v29 =	vld.idx.msk [tilespmem:v29+s2+$0x0], $0xffff  }
0x215: {  	v63 =	vadd.s32 $0x4C00, v1;
	[tilespmem:s18+$0xCC00] =	vst v25;
	v34 =	vld.idx.msk [tilespmem:v34+s2+$0x0], $0xffff  }
0x216: {  	v24 =	vadd.s32 $0x200, v48;
	v39 =	vld.idx.msk [tilespmem:v5+s2+$0x0], $0xffff;
	[tilespmem:s16+$0x15C00] =	vst v3;
	v3 =	vadd.s32 $0x2600, v35  }
0x217: {  	[tilespmem:$0x1FE10] =	vst v3;
	v3 =	vld [tilespmem:$0x1FD80]  }
0x218: {  	v40 =	vadd.s32 $0x7200, v0;
	[tilespmem:s17+$0x11810] =	vst v4  }
0x219: {  	v13 =	vadd.s32 $0x6600, v35;
	v4 =	vld [tilespmem:$0x1FF10];
	[tilespmem:s24+$0x8410] =	vst v56  }
0x21a: {  	[tilespmem:$0x1FC20] =	vst v13;
	v16 =	vld.idx.msk [tilespmem:v63+s2+$0x0], $0xffff  }
0x21b: {  	v32 =	vld.idx.msk [tilespmem:v24+s2+$0x0], $0xffff;
	[tilespmem:s14+$0x16410] =	vst v29  }
0x21c: {  	v30 =	vadd.s32 $0x200, v35;
	v54 =	vadd.s32 $0x4400, v35;
	[tilespmem:s19+$0xD010] =	vst v34  }
0x21d: {  	v45 =	vadd.s32 $0x2800, v2;
	[tilespmem:$0x1FC70] =	vst v54;
	v34 =	vld.idx.msk [tilespmem:v40+s2+$0x0], $0xffff;
	v40 =	vadd.s32 $0x4000, v35  }
0x21e: {  	v56 =	vld [tilespmem:$0x1FE20];
	[tilespmem:$0x1FBB0] =	vst v40  }
0x21f: {  	v46 =	vld.idx.msk [tilespmem:v3+s2+$0x0], $0xffff;
	v3 =	vmov v4;
	[tilespmem:s24+$0x8400] =	vst v36  }
0x220: {  	v37 =	vld [tilespmem:$0x1FD90];
	[tilespmem:$0x1FD80] =	vst v3  }
0x221: {  	v36 =	vld.idx.msk [tilespmem:v30+s2+$0x0], $0xffff;
	[tilespmem:s18+$0xD000] =	vst v39  }
0x222: {  	v4 =	vadd.s32 $0x2800, v35;
	v39 =	vld.idx.msk [tilespmem:v45+s2+$0x0], $0xffff;
	v45 =	vadd.s32 $0x4200, v35;
	[tilespmem:s17+$0x11C10] =	vst v16  }
0x223: {  	v29 =	vadd.s32 $0x400, v48;
	v63 =	vmov v4;
	v4 =	vadd.s32 $0x4600, v35;
	[tilespmem:$0x1FC00] =	vst v45  }
0x224: {  	v49 =	vadd.s32 $0x2A00, v35;
	[tilespmem:$0x1FD30] =	vst v4  }
0x225: {  	v16 =	vmov v49;
	[tilespmem:s24+$0x8810] =	vst v32  }
0x226: {  	v13 =	vld [tilespmem:$0x1FE30];
	v30 =	vmov v51;
	v51 =	vadd.s32 $0x4E00, v1;
	[tilespmem:$0x1FE30] =	vst v16;
	v16 =	vadd.s32 $0x6800, v35  }
0x227: {  	v33 =	vadd.s32 $0x400, v35;
	v40 =	vld.idx.msk [tilespmem:v56+s2+$0x0], $0xffff;
	[tilespmem:$0x1FCA0] =	vst v16;
	v16 =	vadd.s32 $0x6A00, v35  }
0x228: {  	s21 =	sadd.s32 $0x20, s21;
	v45 =	vadd.s32 $0x7400, v0;
	v9 =	vld.idx.msk [tilespmem:v29+s2+$0x0], $0xffff;
	[tilespmem:$0x1FD60] =	vst v16  }
0x229: {  	s20 =	sand.u32 $0x3E0, s21;
	v4 =	vadd.s32 $0x2A00, v2;
	v16 =	vld [tilespmem:$0x1FDA0];
	[tilespmem:s15+$0x11800] =	vst v46  }
0x22a: {  	v54 =	vld.idx.msk [tilespmem:v37+s2+$0x0], $0xffff;
	[tilespmem:s20+$0x8800] =	vst v36  }
0x22b: {  	v6 =	vld.idx.msk [tilespmem:v51+s2+$0x0], $0xffff;
	[tilespmem:s14+$0x16810] =	vst v34  }
0x22c: {  	v10 =	vld.idx.msk [tilespmem:v33+s2+$0x0], $0xffff;
	[tilespmem:s19+$0xD410] =	vst v39  }
0x22d: {  	[tilespmem:$0x1FE20] =	vst v63;
	v46 =	vmov v11;
	v11 =	vadd.s32 $0x5000, v1;
	v39 =	vld.idx.msk [tilespmem:v45+s2+$0x0], $0xffff  }
0x22e: {  	v12 =	vadd.s32 $0x600, v48;
	[tilespmem:s18+$0xD400] =	vst v40;
	v4 =	vld.idx.msk [tilespmem:v4+s2+$0x0], $0xffff  }
0x22f: {  	v14 =	vadd.s32 $0x7600, v0;
	v13 =	vld.idx.msk [tilespmem:v13+s2+$0x0], $0xffff;
	[tilespmem:s15+$0x11C00] =	vst v54  }
0x230: {  	v15 =	vadd.s32 $0x2C00, v2;
	v28 =	vadd.s32 $0x800, v35;
	v59 =	vadd.s32 $0xA00, v35;
	[tilespmem:s17+$0x12010] =	vst v6  }
0x231: {  	v21 =	vmovc v55;
	v18 =	vmovc v52;
	v55 =	vadd.s32 $0xC00, v35;
	v52 =	vadd.s32 $0xE00, v35;
	v47 =	vadd.s32 $0x1000, v35;
	v16 =	vld.idx.msk [tilespmem:v16+s2+$0x0], $0xffff;
	[tilespmem:s24+$0x8C10] =	vst v9  }
0x232: {  	v38 =	vmovc v23;
	v23 =	vmovc v60;
	v43 =	vadd.s32 $0x1200, v35;
	v41 =	vadd.s32 $0x1400, v35;
	v60 =	vadd.s32 $0x3200, v35;
	[tilespmem:s20+$0x8C00] =	vst v10;
	v9 =	vld.idx.msk [tilespmem:v11+s2+$0x0], $0xffff  }
0x233: {  	v22 =	vmovc v57;
	v20 =	vmovc v53;
	v57 =	vadd.s32 $0x3400, v35;
	v53 =	vadd.s32 $0x3600, v35;
	v50 =	vadd.s32 $0x3800, v35;
	v10 =	vld.idx.msk [tilespmem:v12+s2+$0x0], $0xffff;
	[tilespmem:s14+$0x16C10] =	vst v39  }
0x234: {  	v19 =	vmovc v44;
	v44 =	vadd.s32 $0x3A00, v35;
	v27 =	vadd.s32 $0x600, v35;
	v56 =	vadd.s32 $0x4A00, v35;
	v6 =	vld [tilespmem:$0x1FF20];
	[tilespmem:s19+$0xD810] =	vst v4  }
0x235: {  	v7 =	vadd.s32 $0x5200, v35;
	v8 =	vadd.s32 $0x5400, v35;
	v63 =	vadd.s32 $0x4C00, v35;
	[tilespmem:$0x1FF10] =	vst v56;
	v4 =	vld.idx.msk [tilespmem:v14+s2+$0x0], $0xffff  }
0x236: {  	v17 =	vmovc v61;
	v61 =	vadd.s32 $0x5800, v35;
	v42 =	vadd.s32 $0x2400, v35;
	v31 =	vadd.s32 $0x3C00, v35;
	[tilespmem:$0x1FD10] =	vst v63;
	v14 =	vld [tilespmem:$0x1FE40]  }
0x237: {  	v26 =	vadd.s32 $0x2200, v35;
	v25 =	vmovc v62;
	v62 =	vadd.s32 $0x3000, v35;
	[tilespmem:$0x1FD90] =	vst v46;
	v34 =	vadd.s32 $0x6C00, v35  }
0x238: {  	v24 =	vadd.s32 $0x4800, v35;
	v5 =	vadd.s32 $0x2C00, v35;
	v3 =	vadd.s32 $0x2E00, v35;
	[tilespmem:$0x1FD00] =	vst v34  }
0x239: {  	v49 =	vadd.s32 $0x7600, v35;
	v32 =	vadd.s32 $0x5C00, v35;
	v56 =	vadd.s32 $0x4E00, v35;
	v11 =	vld.idx.msk [tilespmem:v27+s2+$0x0], $0xffff;
	[tilespmem:s18+$0xD800] =	vst v13;
	v33 =	vmovc v6  }
0x23a: {  	v63 =	vadd.s32 $0x5600, v35;
	v29 =	vadd.s32 $0x6200, v35;
	v37 =	vadd.s32 $0x5000, v35;
	[tilespmem:$0x1FDA0] =	vst v33  }
0x23b: {  	v36 =	vmovc v58;
	v58 =	vadd.s32 $0x5A00, v35;
	v51 =	vadd.s32 $0x5E00, v35;
	v46 =	vadd.s32 $0x6000, v35;
	v13 =	vld.idx.msk [tilespmem:v15+s2+$0x0], $0xffff;
	[tilespmem:s17+$0x12410] =	vst v9  }
0x23c: {  	v40 =	vadd.s32 $0x6400, v35;
	v34 =	vadd.s32 $0x6E00, v35;
	v12 =	vadd.s32 $0x5200, v1;
	v33 =	vmovc v56;
	[tilespmem:s24+$0x9010] =	vst v10  }
0x23d: {  	v45 =	vadd.s32 $0x7800, v35;
	v54 =	vadd.s32 $0x7400, v35;
	v6 =	vadd.s32 $0x800, v48;
	[tilespmem:$0x1FF20] =	vst v33  }
0x23e: {  	v27 =	vadd.s32 $0x7A00, v35;
	v39 =	vadd.s32 $0x7C00, v35;
	v15 =	vadd.s32 $0x7800, v0;
	v14 =	vld.idx.msk [tilespmem:v14+s2+$0x0], $0xffff;
	[tilespmem:s15+$0x12000] =	vst v16;
	v16 =	vmovc v5  }
0x23f: {  	v56 =	vadd.s32 $0x7200, v35;
	v33 =	vadd.s32 $0x7000, v35;
	v35 =	vadd.s32 $0x7E00, v35;
	[tilespmem:$0x1FE40] =	vst v16;
	v16 =	vld [tilespmem:$0x1FDB0]  }
0x240: {  	v9 =	vmov v37;
	[tilespmem:$0x1FCF0] =	vst v35;
	v35 =	vld [tilespmem:$0x1FF30]  }
0x241: {  	[tilespmem:$0x1FF30] =	vst v9;
	v9 =	vld.idx.msk [tilespmem:v12+s2+$0x0], $0xffff;
	v5 =	vadd.s32 $0x2E00, v2  }
0x242: {  	v6 =	vld.idx.msk [tilespmem:v6+s2+$0x0], $0xffff;
	[tilespmem:s14+$0x17010] =	vst v4  }
0x243: {  	[tilespmem:s19+$0xDC10] =	vst v13;
	v13 =	vld [tilespmem:$0x1FE50]  }
0x244: {  	v4 =	vadd.s32 $0xA00, v48;
	v12 =	vld.idx.msk [tilespmem:v15+s2+$0x0], $0xffff;
	v15 =	vmov v3  }
0x245: {  	[tilespmem:$0x1FE50] =	vst v15;
	v15 =	vld [tilespmem:$0x1FDC0]  }
0x246: {  	v5 =	vld.idx.msk [tilespmem:v5+s2+$0x0], $0xffff;
	[tilespmem:s17+$0x12810] =	vst v9  }
0x247: {  	[tilespmem:s24+$0x9410] =	vst v6;
	v16 =	vld.idx.msk [tilespmem:v16+s2+$0x0], $0xffff  }
0x248: {  	[tilespmem:s20+$0x9000] =	vst v11;
	v11 =	vadd.s32 $0x5400, v1  }
0x249: {  	v4 =	vld.idx.msk [tilespmem:v4+s2+$0x0], $0xffff  }
0x24a: {  	v10 =	vld.idx.msk [tilespmem:v28+s2+$0x0], $0xffff;
	[tilespmem:s18+$0xDC00] =	vst v14  }
0x24b: {  	v13 =	vld.idx.msk [tilespmem:v13+s2+$0x0], $0xffff  }
0x24c: {  	v9 =	vmov v7;
	v14 =	vadd.s32 $0x7A00, v0;
	[tilespmem:s15+$0x12400] =	vst v16;
	v16 =	vld [tilespmem:$0x1FF40]  }
0x24d: {  	v3 =	vadd.s32 $0x3000, v2;
	[tilespmem:$0x1FF40] =	vst v9;
	v6 =	vld.idx.msk [tilespmem:v11+s2+$0x0], $0xffff  }
0x24e: {  	[tilespmem:s14+$0x17410] =	vst v12;
	v11 =	vld [tilespmem:$0x1FE60]  }
0x24f: {  	v15 =	vld.idx.msk [tilespmem:v15+s2+$0x0], $0xffff;
	[tilespmem:s20+$0x9400] =	vst v10  }
0x250: {  	v9 =	vadd.s32 $0x5600, v1;
	[tilespmem:s19+$0xE010] =	vst v5;
	v37 =	vld.idx.msk [tilespmem:v59+s2+$0x0], $0xffff  }
0x251: {  	v10 =	vadd.s32 $0xC00, v48;
	v5 =	vld.idx.msk [tilespmem:v14+s2+$0x0], $0xffff;
	[tilespmem:s18+$0xE000] =	vst v13;
	v13 =	vmov v62  }
0x252: {  	v3 =	vld.idx.msk [tilespmem:v3+s2+$0x0], $0xffff;
	[tilespmem:$0x1FE60] =	vst v13  }
0x253: {  	v14 =	vld [tilespmem:$0x1FDD0];
	[tilespmem:s17+$0x12C10] =	vst v6  }
0x254: {  	v13 =	vadd.s32 $0x3200, v2;
	[tilespmem:s24+$0x9810] =	vst v4  }
0x255: {  	v4 =	vld.idx.msk [tilespmem:v9+s2+$0x0], $0xffff  }
0x256: {  	v62 =	vld.idx.msk [tilespmem:v10+s2+$0x0], $0xffff  }
0x257: {  	v12 =	vadd.s32 $0x7C00, v0;
	[tilespmem:s14+$0x17810] =	vst v5;
	v10 =	vld [tilespmem:$0x1FE70]  }
0x258: {  	v35 =	vmov v35;
	v11 =	vld.idx.msk [tilespmem:v11+s2+$0x0], $0xffff;
	[tilespmem:s19+$0xE410] =	vst v3  }
0x259: {  	[tilespmem:$0x1FDB0] =	vst v35;
	v5 =	vadd.s32 $0xE00, v48;
	v9 =	vld.idx.msk [tilespmem:v13+s2+$0x0], $0xffff  }
0x25a: {  	[tilespmem:s15+$0x12800] =	vst v15;
	v13 =	vld [tilespmem:$0x1FDE0]  }
0x25b: {  	v14 =	vld.idx.msk [tilespmem:v14+s2+$0x0], $0xffff;
	[tilespmem:s20+$0x9800] =	vst v37  }
0x25c: {  	v59 =	vmov v8;
	v8 =	vadd.s32 $0x5800, v1;
	v3 =	vld.idx.msk [tilespmem:v12+s2+$0x0], $0xffff;
	[tilespmem:s17+$0x13010] =	vst v4  }
0x25d: {  	v7 =	vld.idx.msk [tilespmem:v55+s2+$0x0], $0xffff;
	[tilespmem:s24+$0x9C10] =	vst v62  }
0x25e: {  	v12 =	vmov v60;
	[tilespmem:s18+$0xE400] =	vst v11;
	v5 =	vld.idx.msk [tilespmem:v5+s2+$0x0], $0xffff  }
0x25f: {  	[tilespmem:$0x1FE70] =	vst v12;
	v10 =	vld.idx.msk [tilespmem:v10+s2+$0x0], $0xffff  }
0x260: {  	v4 =	vmovc v63;
	v11 =	vadd.s32 $0x7E00, v0;
	v0 =	vmov v1;
	v1 =	vmov v2;
	[tilespmem:s15+$0x12C00] =	vst v14;
	v14 =	vld [tilespmem:$0x1FF60]  }
0x261: {  	v12 =	vadd.s32 $0x3400, v1;
	[tilespmem:$0x1FF60] =	vst v4;
	v4 =	vld.idx.msk [tilespmem:v8+s2+$0x0], $0xffff  }
0x262: {  	v13 =	vld.idx.msk [tilespmem:v13+s2+$0x0], $0xffff;
	[tilespmem:s20+$0x9C00] =	vst v7  }
0x263: {  	[tilespmem:s14+$0x17C10] =	vst v3;
	v35 =	vld.idx.msk [tilespmem:v52+s2+$0x0], $0xffff  }
0x264: {  	[tilespmem:s18+$0xE800] =	vst v10;
	v10 =	vld [tilespmem:$0x1FE80]  }
0x265: {  	v2 =	vmov v48;
	[tilespmem:s19+$0xE810] =	vst v9  }
0x266: {  	v3 =	vadd.s32 $0x1000, v2;
	v9 =	vld.idx.msk [tilespmem:v12+s2+$0x0], $0xffff  }
0x267: {  	v12 =	vld [tilespmem:$0x1FDF0];
	_ =	sdelay $0x1  }
0x268: {  	v37 =	vadd.s32 $0x5A00, v0;
	v8 =	vld.idx.msk [tilespmem:v11+s2+$0x0], $0xffff;
	[tilespmem:s17+$0x13410] =	vst v4  }
0x269: {  	[tilespmem:s24+$0xA010] =	vst v5  }
0x26a: {  	v3 =	vld.idx.msk [tilespmem:v3+s2+$0x0], $0xffff  }
0x26b: {  	v10 =	vld.idx.msk [tilespmem:v10+s2+$0x0], $0xffff  }
0x26c: {  	v4 =	vmov v61;
	[tilespmem:s15+$0x13000] =	vst v13;
	v13 =	vld [tilespmem:$0x1FF70]  }
0x26d: {  	[tilespmem:$0x1FF70] =	vst v4;
	v4 =	vld.idx.msk [tilespmem:v37+s2+$0x0], $0xffff  }
0x26e: {  	v12 =	vld.idx.msk [tilespmem:v12+s2+$0x0], $0xffff;
	[tilespmem:s20+$0xA000] =	vst v35  }
0x26f: {  	v5 =	vld.idx.msk [tilespmem:v47+s2+$0x0], $0xffff  }
0x270: {  	[tilespmem:s14+$0x18010] =	vst v8;
	v8 =	vld.idx.msk [tilespmem:v18+s2+$0x0], $0xffff  }
0x271: {  	[tilespmem:s18+$0xEC00] =	vst v10;
	v10 =	vld [tilespmem:$0x1FE90];
	_ =	sdelay $0x7  }
0x272: {  	v10 =	vld.idx.msk [tilespmem:v10+s2+$0x0], $0xffff  }
0x273: {  	[tilespmem:s15+$0x13400] =	vst v12;
	v12 =	vld [tilespmem:$0x1FE00];
	_ =	sdelay $0x7  }
0x274: {  	v12 =	vld.idx.msk [tilespmem:v12+s2+$0x0], $0xffff;
	[tilespmem:s20+$0xA400] =	vst v5  }
0x275: {  	v5 =	vld.idx.msk [tilespmem:v43+s2+$0x0], $0xffff  }
0x276: {  	[tilespmem:s16+$0x16000] =	vst v8;
	v8 =	vld [tilespmem:$0x1FAA0];
	_ =	sdelay $0x7  }
0x277: {  	v8 =	vld.idx.msk [tilespmem:v8+s2+$0x0], $0xffff  }
0x278: {  	[tilespmem:s18+$0xF000] =	vst v10;
	v10 =	vld [tilespmem:$0x1FEA0];
	_ =	sdelay $0x7  }
0x279: {  	v10 =	vld.idx.msk [tilespmem:v10+s2+$0x0], $0xffff  }
0x27a: {  	[tilespmem:s15+$0x13800] =	vst v12;
	v12 =	vld [tilespmem:$0x1FAB0];
	_ =	sdelay $0x7  }
0x27b: {  	v12 =	vld.idx.msk [tilespmem:v12+s2+$0x0], $0xffff;
	[tilespmem:s20+$0xA800] =	vst v5  }
0x27c: {  	v5 =	vld.idx.msk [tilespmem:v41+s2+$0x0], $0xffff  }
0x27d: {  	[tilespmem:s16+$0x16400] =	vst v8;
	v8 =	vld [tilespmem:$0x1FAC0];
	_ =	sdelay $0x5  }
0x27e: {  	s14 =	smov.u32 s17;
	s17 =	smov.u32 s19  }
0x27f: {  	[tilespmem:s17+$0xEC10] =	vst v9;
	v9 =	vld [tilespmem:$0x1FFF0]  }
0x280: {  	v8 =	vld.idx.msk [tilespmem:v8+s2+$0x0], $0xffff  }
0x281: {  	v11 =	vmov v57;
	[tilespmem:s18+$0xF400] =	vst v10;
	v10 =	vld [tilespmem:$0x1FEB0]  }
0x282: {  	[tilespmem:$0x1FE80] =	vst v11;
	v11 =	vadd.s32 $0x3600, v1;
	_ =	sdelay $0x2  }
0x283: {  	v57 =	vmov v9;
	v9 =	vmov v34  }
0x284: {  	[tilespmem:$0x1FFF0] =	vst v9  }
0x285: {  	v47 =	vadd.s32 $0x5C00, v0;
	v9 =	vld.idx.msk [tilespmem:v11+s2+$0x0], $0xffff;
	v11 =	vmov v53;
	[tilespmem:s14+$0x13810] =	vst v4  }
0x286: {  	[tilespmem:$0x1FE90] =	vst v11  }
0x287: {  	s19 =	smov.u32 s24;
	v10 =	vld.idx.msk [tilespmem:v10+s2+$0x0], $0xffff;
	[tilespmem:s15+$0x13C00] =	vst v12  }
0x288: {  	v48 =	vadd.s32 $0x1200, v2;
	[tilespmem:s19+$0xA410] =	vst v3;
	v12 =	vld.idx.msk [tilespmem:v17+s2+$0x0], $0xffff  }
0x289: {  	v11 =	vadd.s32 $0x3800, v1;
	[tilespmem:s20+$0xAC00] =	vst v5;
	v5 =	vld [tilespmem:$0x1FAD0]  }
0x28a: {  	v13 =	vmov v13;
	v3 =	vld.idx.msk [tilespmem:v47+s2+$0x0], $0xffff  }
0x28b: {  	[tilespmem:$0x1FDF0] =	vst v13;
	v4 =	vmov v58  }
0x28c: {  	v13 =	vld [tilespmem:$0x1FF80];
	[tilespmem:$0x1FF80] =	vst v4  }
0x28d: {  	v4 =	vld.idx.msk [tilespmem:v48+s2+$0x0], $0xffff;
	[tilespmem:s17+$0xF010] =	vst v9  }
0x28e: {  	v9 =	vld.idx.msk [tilespmem:v11+s2+$0x0], $0xffff  }
0x28f: {  	[tilespmem:s14+$0x13C10] =	vst v3;
	v3 =	vld [tilespmem:$0x1FF90]  }
0x290: {  	v15 =	vld [tilespmem:$0x1FF50];
	[tilespmem:$0x1FF50] =	vst v59;
	v58 =	vadd.s32 $0x5E00, v0  }
0x291: {  	v5 =	vld.idx.msk [tilespmem:v5+s2+$0x0], $0xffff;
	[tilespmem:s16+$0x16800] =	vst v8  }
0x292: {  	[tilespmem:s19+$0xA810] =	vst v4;
	v8 =	vld.idx.msk [tilespmem:v19+s2+$0x0], $0xffff  }
0x293: {  	v59 =	vadd.s32 $0x1400, v2;
	v11 =	vmov v50;
	[tilespmem:s18+$0xF800] =	vst v10;
	v10 =	vld [tilespmem:$0x1FEC0]  }
0x294: {  	v55 =	vmovc v25;
	v25 =	vmov v3;
	v3 =	vmov v32;
	[tilespmem:$0x1FEA0] =	vst v11;
	v11 =	vadd.s32 $0x3A00, v1  }
0x295: {  	[tilespmem:$0x1FF90] =	vst v3;
	v3 =	vld.idx.msk [tilespmem:v58+s2+$0x0], $0xffff;
	_ =	sdelay $0x2  }
0x296: {  	v4 =	vld.idx.msk [tilespmem:v59+s2+$0x0], $0xffff;
	[tilespmem:s17+$0xF410] =	vst v9  }
0x297: {  	v9 =	vld.idx.msk [tilespmem:v11+s2+$0x0], $0xffff  }
0x298: {  	[tilespmem:s14+$0x14010] =	vst v3;
	v3 =	vld [tilespmem:$0x1FFA0]  }
0x299: {  	v10 =	vld.idx.msk [tilespmem:v10+s2+$0x0], $0xffff;
	[tilespmem:s15+$0x14000] =	vst v12  }
0x29a: {  	v12 =	vld.idx.msk [tilespmem:v38+s2+$0x0], $0xffff  }
0x29b: {  	v62 =	vmov v33;
	v33 =	vadd.s32 $0x1600, v2;
	[tilespmem:s20+$0xB000] =	vst v5;
	v5 =	vld [tilespmem:$0x1FB00]  }
0x29c: {  	v32 =	vadd.s32 $0x6000, v0;
	_ =	sdelay $0x2  }
0x29d: {  	[tilespmem:s19+$0xAC10] =	vst v4;
	v61 =	vmov v3;
	v3 =	vmov v51  }
0x29e: {  	v4 =	vld.idx.msk [tilespmem:v33+s2+$0x0], $0xffff;
	[tilespmem:$0x1FFA0] =	vst v3  }
0x29f: {  	v11 =	vmov v44;
	v3 =	vld.idx.msk [tilespmem:v32+s2+$0x0], $0xffff;
	[tilespmem:s17+$0xF810] =	vst v9  }
0x2a0: {  	v9 =	vld [tilespmem:$0x1FAF0];
	[tilespmem:$0x1FEB0] =	vst v11;
	v11 =	vadd.s32 $0x3C00, v1  }
0x2a1: {  	v5 =	vld.idx.msk [tilespmem:v5+s2+$0x0], $0xffff  }
0x2a2: {  	[tilespmem:s16+$0x16C00] =	vst v8;
	v8 =	vld [tilespmem:$0x1FB10];
	_ =	sdelay $0x1  }
0x2a3: {  	v35 =	vadd.s32 $0x1800, v2  }
0x2a4: {  	v51 =	vmov v9;
	v9 =	vld.idx.msk [tilespmem:v11+s2+$0x0], $0xffff  }
0x2a5: {  	[tilespmem:s14+$0x14410] =	vst v3;
	v3 =	vld [tilespmem:$0x1FFB0]  }
0x2a6: {  	v34 =	vadd.s32 $0x6200, v0  }
0x2a7: {  	[tilespmem:s19+$0xB010] =	vst v4  }
0x2a8: {  	v4 =	vld.idx.msk [tilespmem:v35+s2+$0x0], $0xffff  }
0x2a9: {  	v8 =	vld.idx.msk [tilespmem:v8+s2+$0x0], $0xffff  }
0x2aa: {  	v53 =	vmov v23;
	v23 =	vmov v3;
	v3 =	vmov v46;
	[tilespmem:s18+$0xFC00] =	vst v10;
	v10 =	vld [tilespmem:$0x1FED0]  }
0x2ab: {  	[tilespmem:$0x1FFB0] =	vst v3;
	v3 =	vld.idx.msk [tilespmem:v34+s2+$0x0], $0xffff  }
0x2ac: {  	[tilespmem:s17+$0xFC10] =	vst v9;
	v9 =	vld [tilespmem:$0x1FB20];
	_ =	sdelay $0x4  }
0x2ad: {  	v11 =	vmov v31;
	v43 =	vmov v9;
	v9 =	vld [tilespmem:$0x1FB30]  }
0x2ae: {  	[tilespmem:$0x1FEC0] =	vst v11;
	v11 =	vadd.s32 $0x3E00, v1;
	v10 =	vld.idx.msk [tilespmem:v10+s2+$0x0], $0xffff  }
0x2af: {  	[tilespmem:s15+$0x14400] =	vst v12;
	v12 =	vld [tilespmem:$0x1FB50];
	_ =	sdelay $0x3  }
0x2b0: {  	v50 =	vmov v9;
	v9 =	vld.idx.msk [tilespmem:v11+s2+$0x0], $0xffff  }
0x2b1: {  	v11 =	vmov v12;
	v12 =	vld [tilespmem:$0x1FB60];
	_ =	sdelay $0x7  }
0x2b2: {  	v12 =	vld.idx.msk [tilespmem:v12+s2+$0x0], $0xffff  }
0x2b3: {  	[tilespmem:s20+$0xB400] =	vst v5;
	v5 =	vld [tilespmem:$0x1FB70];
	_ =	sdelay $0x7  }
0x2b4: {  	v5 =	vld.idx.msk [tilespmem:v5+s2+$0x0], $0xffff  }
0x2b5: {  	[tilespmem:s16+$0x17000] =	vst v8;
	v8 =	vld [tilespmem:$0x1FB80]  }
0x2b6: {  	[tilespmem:s14+$0x14810] =	vst v3;
	v3 =	vld [tilespmem:$0x1FFC0]  }
0x2b7: {  	v37 =	vadd.s32 $0x6400, v0;
	_ =	sdelay $0x2  }
0x2b8: {  	v38 =	vadd.s32 $0x1A00, v2  }
0x2b9: {  	[tilespmem:s19+$0xB410] =	vst v4;
	v59 =	vmov v3;
	v3 =	vmov v29  }
0x2ba: {  	[tilespmem:$0x1FFC0] =	vst v3;
	v3 =	vld.idx.msk [tilespmem:v37+s2+$0x0], $0xffff  }
0x2bb: {  	v8 =	vld.idx.msk [tilespmem:v8+s2+$0x0], $0xffff  }
0x2bc: {  	[tilespmem:s18+$0x10000] =	vst v10;
	v10 =	vld [tilespmem:$0x1FEE0]  }
0x2bd: {  	v4 =	vld.idx.msk [tilespmem:v38+s2+$0x0], $0xffff  }
0x2be: {  	[tilespmem:s17+$0x10010] =	vst v9;
	v9 =	vld [tilespmem:$0x1FB90];
	_ =	sdelay $0x4  }
0x2bf: {  	v63 =	vmov v9;
	v9 =	vld [tilespmem:$0x1FBA0]  }
0x2c0: {  	[tilespmem:$0x1FED0] =	vst v11;
	v11 =	vadd.s32 $0x4000, v1;
	v10 =	vld.idx.msk [tilespmem:v10+s2+$0x0], $0xffff  }
0x2c1: {  	[tilespmem:s15+$0x14800] =	vst v12;
	v12 =	vld [tilespmem:$0x1FBB0];
	_ =	sdelay $0x3  }
0x2c2: {  	v46 =	vmov v9;
	v9 =	vld.idx.msk [tilespmem:v11+s2+$0x0], $0xffff  }
0x2c3: {  	v11 =	vmov v12;
	v12 =	vld.idx.msk [tilespmem:v36+s2+$0x0], $0xffff  }
0x2c4: {  	[tilespmem:s20+$0xB800] =	vst v5;
	v5 =	vld [tilespmem:$0x1FBC0];
	_ =	sdelay $0x7  }
0x2c5: {  	v5 =	vld.idx.msk [tilespmem:v5+s2+$0x0], $0xffff  }
0x2c6: {  	[tilespmem:s16+$0x17400] =	vst v8;
	v8 =	vld [tilespmem:$0x1FBD0];
	_ =	sdelay $0x1  }
0x2c7: {  	v48 =	vmov v21;
	v21 =	vmov v54;
	v54 =	vadd.s32 $0x1C00, v2;
	_ =	sdelay $0x1  }
0x2c8: {  	[tilespmem:s14+$0x14C10] =	vst v3;
	v3 =	vld [tilespmem:$0x1FFD0]  }
0x2c9: {  	v41 =	vadd.s32 $0x6600, v0  }
0x2ca: {  	[tilespmem:s19+$0xB810] =	vst v4  }
0x2cb: {  	v4 =	vld.idx.msk [tilespmem:v54+s2+$0x0], $0xffff  }
0x2cc: {  	v8 =	vld.idx.msk [tilespmem:v8+s2+$0x0], $0xffff  }
0x2cd: {  	v58 =	vmov v3;
	v3 =	vmov v40;
	[tilespmem:s18+$0x10400] =	vst v10;
	v10 =	vld [tilespmem:$0x1FEF0]  }
0x2ce: {  	[tilespmem:$0x1FFD0] =	vst v3;
	v3 =	vld.idx.msk [tilespmem:v41+s2+$0x0], $0xffff  }
0x2cf: {  	[tilespmem:s17+$0x10410] =	vst v9;
	v9 =	vld [tilespmem:$0x1FBE0];
	_ =	sdelay $0x4  }
0x2d0: {  	v41 =	vmov v9;
	v9 =	vld [tilespmem:$0x1FBF0]  }
0x2d1: {  	[tilespmem:$0x1FEE0] =	vst v11;
	v11 =	vadd.s32 $0x4200, v1;
	v10 =	vld.idx.msk [tilespmem:v10+s2+$0x0], $0xffff  }
0x2d2: {  	[tilespmem:s15+$0x14C00] =	vst v12;
	v12 =	vld [tilespmem:$0x1FC00];
	_ =	sdelay $0x3  }
0x2d3: {  	v18 =	vmov v45;
	v45 =	vmov v9;
	v9 =	vld.idx.msk [tilespmem:v11+s2+$0x0], $0xffff  }
0x2d4: {  	v11 =	vmov v12;
	v12 =	vld [tilespmem:$0x1FC10];
	_ =	sdelay $0x7  }
0x2d5: {  	v12 =	vld.idx.msk [tilespmem:v12+s2+$0x0], $0xffff  }
0x2d6: {  	[tilespmem:s20+$0xBC00] =	vst v5;
	v5 =	vld [tilespmem:$0x1FC30];
	_ =	sdelay $0x1  }
0x2d7: {  	v13 =	vmov v13;
	v33 =	vadd.s32 $0x1E00, v2  }
0x2d8: {  	[tilespmem:$0x1FE00] =	vst v13;
	v13 =	vld [tilespmem:$0x1FC20]  }
0x2d9: {  	[tilespmem:s14+$0x15010] =	vst v3;
	v3 =	vld [tilespmem:$0x1FFE0]  }
0x2da: {  	v32 =	vadd.s32 $0x6800, v0  }
0x2db: {  	[tilespmem:s19+$0xBC10] =	vst v4  }
0x2dc: {  	v4 =	vld.idx.msk [tilespmem:v33+s2+$0x0], $0xffff  }
0x2dd: {  	v5 =	vld.idx.msk [tilespmem:v5+s2+$0x0], $0xffff  }
0x2de: {  	v60 =	vmov v56;
	v56 =	vmov v3;
	v3 =	vmov v13;
	[tilespmem:s16+$0x17800] =	vst v8;
	v8 =	vld [tilespmem:$0x1FC40]  }
0x2df: {  	[tilespmem:$0x1FFE0] =	vst v3;
	v3 =	vld.idx.msk [tilespmem:v32+s2+$0x0], $0xffff  }
0x2e0: {  	[tilespmem:s17+$0x10810] =	vst v9;
	v9 =	vld [tilespmem:$0x1FC50];
	_ =	sdelay $0x4  }
0x2e1: {  	v40 =	vmov v9;
	v9 =	vld [tilespmem:$0x1FC60]  }
0x2e2: {  	[tilespmem:$0x1FEF0] =	vst v11;
	v11 =	vadd.s32 $0x4400, v1;
	v8 =	vld.idx.msk [tilespmem:v8+s2+$0x0], $0xffff  }
0x2e3: {  	[tilespmem:s18+$0x10800] =	vst v10;
	v10 =	vld [tilespmem:$0x1FF00]  }
0x2e4: {  	v15 =	vmov v15;
	_ =	sdelay $0x2  }
0x2e5: {  	[tilespmem:$0x1FDD0] =	vst v15;
	v15 =	vmov v9;
	v9 =	vld.idx.msk [tilespmem:v11+s2+$0x0], $0xffff  }
0x2e6: {  	[tilespmem:s14+$0x15410] =	vst v3;
	v3 =	vld [tilespmem:$0x1FC90];
	_ =	sdelay $0x2  }
0x2e7: {  	v10 =	vld.idx.msk [tilespmem:v10+s2+$0x0], $0xffff  }
0x2e8: {  	[tilespmem:s15+$0x15000] =	vst v12;
	v12 =	vld [tilespmem:$0x1FC70]  }
0x2e9: {  	v54 =	vmov v3;
	v3 =	vld [tilespmem:$0x1FCA0];
	_ =	sdelay $0x3  }
0x2ea: {  	v11 =	vmov v12;
	v12 =	vld [tilespmem:$0x1FC80]  }
0x2eb: {  	v38 =	vmov v3;
	v3 =	vld [tilespmem:$0x1FCB0];
	_ =	sdelay $0x6  }
0x2ec: {  	v12 =	vld.idx.msk [tilespmem:v12+s2+$0x0], $0xffff;
	[tilespmem:s20+$0xC000] =	vst v5  }
0x2ed: {  	v6 =	vld.idx.msk [tilespmem:v3+s2+$0x0], $0xffff  }
0x2ee: {  	v3 =	vld [tilespmem:$0x1FCC0];
	_ =	sdelay $0x6  }
0x2ef: {  	[tilespmem:s16+$0x17C00] =	vst v8  }
0x2f0: {  	v17 =	vmov v27;
	v27 =	vld.idx.msk [tilespmem:v3+s2+$0x0], $0xffff  }
0x2f1: {  	v3 =	vld [tilespmem:$0x1FCD0];
	_ =	sdelay $0x4  }
0x2f2: {  	v37 =	vmov v3;
	v3 =	vld [tilespmem:$0x1FCE0];
	_ =	sdelay $0x1  }
0x2f3: {  	v14 =	vmov v14;
	v34 =	vadd.s32 $0x6A00, v0;
	_ =	sdelay $0x1  }
0x2f4: {  	[tilespmem:$0x1FDE0] =	vst v14;
	v35 =	vadd.s32 $0x2000, v2  }
0x2f5: {  	[tilespmem:s19+$0xC010] =	vst v4;
	v14 =	vmov v3;
	v3 =	vld [tilespmem:$0x1FCF0]  }
0x2f6: {  	[tilespmem:$0x1FF00] =	vst v11;
	v11 =	vadd.s32 $0x4600, v1  }
0x2f7: {  	v4 =	vld.idx.msk [tilespmem:v34+s2+$0x0], $0xffff;
	_ =	sdelay $0x1  }
0x2f8: {  	v5 =	vld.idx.msk [tilespmem:v35+s2+$0x0], $0xffff  }
0x2f9: {  	[tilespmem:s17+$0x10C10] =	vst v9;
	v13 =	vmov v3;
	v3 =	vld [tilespmem:$0x1FD20]  }
0x2fa: {  	v32 =	vld.idx.msk [tilespmem:v11+s2+$0x0], $0xffff  }
0x2fb: {  	[tilespmem:s14+$0x15810] =	vst v4;
	v4 =	vld [tilespmem:$0x1FD50];
	_ =	sdelay $0x1  }
0x2fc: {  	v47 =	vmov v20;
	v20 =	vmov v49;
	v49 =	vld [tilespmem:$0x1FB40]  }
0x2fd: {  	v19 =	vld [tilespmem:$0x1FAE0]  }
0x2fe: {  	v7 =	vadd.s32 $0x6C00, v0;
	v9 =	vld [tilespmem:$0x1FD40]  }
0x2ff: {  	v52 =	vmov v22;
	v8 =	vadd.s32 $0x2200, v2;
	v22 =	vmov v4;
	v4 =	vld [tilespmem:$0x1FD60];
	[tilespmem:s18+$0x10C00] =	vst v10  }
0x300: {  	s22 =	sadd.s32 $0x2, s22;
	v33 =	vld.idx.msk [tilespmem:v3+s2+$0x0], $0xffff  }
0x301: {  	p0 =	slt.u32 s22, $0x3E;
	v3 =	vld [tilespmem:$0x1FD30]  }
.Ltmp0:
0x302: {  	v11 =	vld [tilespmem:$0x1FD10];
	[tilespmem:s19+$0xC410] =	vst v5;
	(pc) =	sbr.rel @p0 .LBB2_3-.Ltmp0, $4  }
0x303: {  	v16 =	vmov v16;
	v44 =	vmov v30;
	v30 =	vld.idx.msk [tilespmem:v7+s2+$0x0], $0xffff  }
0x304: {  	[tilespmem:$0x1FDC0] =	vst v16;
	v28 =	vld.idx.msk [tilespmem:v8+s2+$0x0], $0xffff  }
0x305: {  	v10 =	vld [tilespmem:$0x1FD00];
	[tilespmem:s15+$0x15400] =	vst v12  }
0x306: {  	s23 =	sadd.s32 $0x80, s23;
	v16 =	vmovc v39;
	v31 =	vld.idx.msk [tilespmem:v9+s2+$0x0], $0xffff;
	v9 =	vmov v4;
	[tilespmem:s20+$0xC400] =	vst v6;
	v12 =	vmov v3;
	v3 =	vadd.s32 $0x4800, v1  }
0x307: {  	_ =	sdelay $0x3  }
0x308: {  	v4 =	vld.idx.msk [tilespmem:v26+s2+$0x0], $0xffff;
	v5 =	vadd.s32 $0x2400, v2;
	_ =	sdelay $0x3  }
0x309: {  	[tilespmem:s19+$0xC810] =	vst v28  }
0x30a: {  	[tilespmem:s20+$0xC800] =	vst v4;
	v36 =	vld.idx.msk [tilespmem:v5+s2+$0x0], $0xffff  }
0x30b: {  	v39 =	vld.idx.msk [tilespmem:v42+s2+$0x0], $0xffff;
	_ =	sdelay $0x3  }
0x30c: {  	[tilespmem:s19+$0xCC10] =	vst v36  }
0x30d: {  	[tilespmem:s20+$0xCC00] =	vst v39  }
0x30e: {  	v5 =	vld [tilespmem:$0x1FE10];
	_ =	sdelay $0x1  }
0x30f: {  	v6 =	vadd.s32 $0x2600, v2;
	_ =	sdelay $0x4  }
0x310: {  	v4 =	vld.idx.msk [tilespmem:v6+s2+$0x0], $0xffff  }
0x311: {  	v5 =	vld.idx.msk [tilespmem:v5+s2+$0x0], $0xffff;
	_ =	sdelay $0x3  }
0x312: {  	[tilespmem:s19+$0xD010] =	vst v4  }
0x313: {  	[tilespmem:s20+$0xD000] =	vst v5  }
0x314: {  	v5 =	vld [tilespmem:$0x1FE20];
	_ =	sdelay $0x1  }
0x315: {  	v42 =	vadd.s32 $0x2800, v2;
	_ =	sdelay $0x4  }
0x316: {  	v4 =	vld.idx.msk [tilespmem:v42+s2+$0x0], $0xffff  }
0x317: {  	v5 =	vld.idx.msk [tilespmem:v5+s2+$0x0], $0xffff;
	_ =	sdelay $0x3  }
0x318: {  	[tilespmem:s19+$0xD410] =	vst v4  }
0x319: {  	[tilespmem:s20+$0xD400] =	vst v5  }
0x31a: {  	v5 =	vld [tilespmem:$0x1FE30];
	_ =	sdelay $0x1  }
0x31b: {  	v26 =	vadd.s32 $0x2A00, v2;
	_ =	sdelay $0x4  }
0x31c: {  	v4 =	vld.idx.msk [tilespmem:v26+s2+$0x0], $0xffff  }
0x31d: {  	v5 =	vld.idx.msk [tilespmem:v5+s2+$0x0], $0xffff;
	_ =	sdelay $0x3  }
0x31e: {  	[tilespmem:s19+$0xD810] =	vst v4  }
0x31f: {  	[tilespmem:s20+$0xD800] =	vst v5  }
0x320: {  	v5 =	vld [tilespmem:$0x1FE40];
	_ =	sdelay $0x1  }
0x321: {  	v28 =	vadd.s32 $0x2C00, v2;
	_ =	sdelay $0x4  }
0x322: {  	v4 =	vld.idx.msk [tilespmem:v28+s2+$0x0], $0xffff  }
0x323: {  	v5 =	vld.idx.msk [tilespmem:v5+s2+$0x0], $0xffff;
	_ =	sdelay $0x3  }
0x324: {  	[tilespmem:s19+$0xDC10] =	vst v4  }
0x325: {  	[tilespmem:s20+$0xDC00] =	vst v5  }
0x326: {  	v5 =	vld [tilespmem:$0x1FE50];
	_ =	sdelay $0x1  }
0x327: {  	v29 =	vadd.s32 $0x2E00, v2;
	_ =	sdelay $0x4  }
0x328: {  	v4 =	vld.idx.msk [tilespmem:v29+s2+$0x0], $0xffff  }
0x329: {  	v5 =	vld.idx.msk [tilespmem:v5+s2+$0x0], $0xffff;
	_ =	sdelay $0x3  }
0x32a: {  	[tilespmem:s19+$0xE010] =	vst v4  }
0x32b: {  	[tilespmem:s20+$0xE000] =	vst v5  }
0x32c: {  	v5 =	vld [tilespmem:$0x1FE60];
	_ =	sdelay $0x1  }
0x32d: {  	v34 =	vadd.s32 $0x3000, v2;
	_ =	sdelay $0x4  }
0x32e: {  	v4 =	vld.idx.msk [tilespmem:v34+s2+$0x0], $0xffff  }
0x32f: {  	v5 =	vld.idx.msk [tilespmem:v5+s2+$0x0], $0xffff;
	_ =	sdelay $0x3  }
0x330: {  	[tilespmem:s19+$0xE410] =	vst v4  }
0x331: {  	[tilespmem:s20+$0xE400] =	vst v5  }
0x332: {  	v5 =	vld [tilespmem:$0x1FE70];
	_ =	sdelay $0x1  }
0x333: {  	v35 =	vadd.s32 $0x3200, v2;
	_ =	sdelay $0x4  }
0x334: {  	v4 =	vld.idx.msk [tilespmem:v35+s2+$0x0], $0xffff  }
0x335: {  	v5 =	vld.idx.msk [tilespmem:v5+s2+$0x0], $0xffff;
	_ =	sdelay $0x3  }
0x336: {  	[tilespmem:s19+$0xE810] =	vst v4  }
0x337: {  	[tilespmem:s20+$0xE800] =	vst v5  }
0x338: {  	v5 =	vld [tilespmem:$0x1FE80];
	_ =	sdelay $0x1  }
0x339: {  	v36 =	vadd.s32 $0x3400, v2;
	_ =	sdelay $0x4  }
0x33a: {  	v4 =	vld.idx.msk [tilespmem:v36+s2+$0x0], $0xffff  }
0x33b: {  	v5 =	vld.idx.msk [tilespmem:v5+s2+$0x0], $0xffff;
	_ =	sdelay $0x3  }
0x33c: {  	[tilespmem:s19+$0xEC10] =	vst v4  }
0x33d: {  	[tilespmem:s20+$0xEC00] =	vst v5  }
0x33e: {  	v5 =	vld [tilespmem:$0x1FE90];
	_ =	sdelay $0x1  }
0x33f: {  	v39 =	vadd.s32 $0x3600, v2;
	_ =	sdelay $0x4  }
0x340: {  	v4 =	vld.idx.msk [tilespmem:v39+s2+$0x0], $0xffff  }
0x341: {  	v5 =	vld.idx.msk [tilespmem:v5+s2+$0x0], $0xffff;
	_ =	sdelay $0x3  }
0x342: {  	[tilespmem:s19+$0xF010] =	vst v4  }
0x343: {  	[tilespmem:s20+$0xF000] =	vst v5  }
0x344: {  	v5 =	vld [tilespmem:$0x1FEA0];
	_ =	sdelay $0x1  }
0x345: {  	v42 =	vadd.s32 $0x3800, v2;
	_ =	sdelay $0x4  }
0x346: {  	v4 =	vld.idx.msk [tilespmem:v42+s2+$0x0], $0xffff  }
0x347: {  	v5 =	vld.idx.msk [tilespmem:v5+s2+$0x0], $0xffff;
	_ =	sdelay $0x3  }
0x348: {  	[tilespmem:s19+$0xF410] =	vst v4  }
0x349: {  	[tilespmem:s20+$0xF400] =	vst v5  }
0x34a: {  	v5 =	vld [tilespmem:$0x1FEB0];
	_ =	sdelay $0x1  }
0x34b: {  	v26 =	vadd.s32 $0x3A00, v2;
	_ =	sdelay $0x4  }
0x34c: {  	v4 =	vld.idx.msk [tilespmem:v26+s2+$0x0], $0xffff  }
0x34d: {  	v5 =	vld.idx.msk [tilespmem:v5+s2+$0x0], $0xffff;
	_ =	sdelay $0x3  }
0x34e: {  	[tilespmem:s19+$0xF810] =	vst v4  }
0x34f: {  	[tilespmem:s20+$0xF800] =	vst v5  }
0x350: {  	v5 =	vld [tilespmem:$0x1FEC0];
	_ =	sdelay $0x1  }
0x351: {  	v28 =	vadd.s32 $0x3C00, v2;
	_ =	sdelay $0x4  }
0x352: {  	v4 =	vld.idx.msk [tilespmem:v28+s2+$0x0], $0xffff  }
0x353: {  	v5 =	vld.idx.msk [tilespmem:v5+s2+$0x0], $0xffff;
	_ =	sdelay $0x3  }
0x354: {  	[tilespmem:s19+$0xFC10] =	vst v4  }
0x355: {  	[tilespmem:s20+$0xFC00] =	vst v5  }
0x356: {  	v5 =	vld [tilespmem:$0x1FED0];
	_ =	sdelay $0x1  }
0x357: {  	v29 =	vadd.s32 $0x3E00, v2;
	_ =	sdelay $0x4  }
0x358: {  	v4 =	vld.idx.msk [tilespmem:v29+s2+$0x0], $0xffff  }
0x359: {  	v5 =	vld.idx.msk [tilespmem:v5+s2+$0x0], $0xffff;
	_ =	sdelay $0x3  }
0x35a: {  	[tilespmem:s19+$0x10010] =	vst v4  }
0x35b: {  	[tilespmem:s20+$0x10000] =	vst v5  }
0x35c: {  	v5 =	vld [tilespmem:$0x1FEE0];
	_ =	sdelay $0x1  }
0x35d: {  	v34 =	vadd.s32 $0x4000, v2;
	_ =	sdelay $0x4  }
0x35e: {  	v4 =	vld.idx.msk [tilespmem:v34+s2+$0x0], $0xffff  }
0x35f: {  	v5 =	vld.idx.msk [tilespmem:v5+s2+$0x0], $0xffff;
	_ =	sdelay $0x3  }
0x360: {  	[tilespmem:s19+$0x10410] =	vst v4  }
0x361: {  	[tilespmem:s20+$0x10400] =	vst v5  }
0x362: {  	v5 =	vld [tilespmem:$0x1FEF0];
	_ =	sdelay $0x1  }
0x363: {  	v35 =	vadd.s32 $0x4200, v2;
	_ =	sdelay $0x4  }
0x364: {  	v4 =	vld.idx.msk [tilespmem:v35+s2+$0x0], $0xffff  }
0x365: {  	v5 =	vld.idx.msk [tilespmem:v5+s2+$0x0], $0xffff;
	_ =	sdelay $0x1  }
0x366: {  	v36 =	vadd.s32 $0x4400, v2;
	_ =	sdelay $0x1  }
0x367: {  	[tilespmem:s19+$0x10810] =	vst v4  }
0x368: {  	[tilespmem:s20+$0x10800] =	vst v5  }
0x369: {  	v5 =	vld [tilespmem:$0x1FF00]  }
0x36a: {  	v4 =	vld.idx.msk [tilespmem:v36+s2+$0x0], $0xffff  }
0x36b: {  	v39 =	vadd.s32 $0x4600, v2;
	_ =	sdelay $0x3  }
0x36c: {  	[tilespmem:s19+$0x10C10] =	vst v4  }
0x36d: {  	v4 =	vld.idx.msk [tilespmem:v39+s2+$0x0], $0xffff  }
0x36e: {  	v5 =	vld.idx.msk [tilespmem:v5+s2+$0x0], $0xffff;
	_ =	sdelay $0x1  }
0x36f: {  	[tilespmem:s17+$0x11010] =	vst v32  }
0x370: {  	[tilespmem:s18+$0x11000] =	vst v33  }
0x371: {  	[tilespmem:s19+$0x11010] =	vst v4  }
0x372: {  	[tilespmem:s20+$0x10C00] =	vst v5  }
0x373: {  	v4 =	vld [tilespmem:$0x1FD70];
	_ =	sdelay $0x1  }
0x374: {  	v42 =	vadd.s32 $0x4800, v2;
	_ =	sdelay $0x2  }
0x375: {  	v3 =	vld.idx.msk [tilespmem:v3+s2+$0x0], $0xffff  }
0x376: {  	v5 =	vld.idx.msk [tilespmem:v12+s2+$0x0], $0xffff  }
0x377: {  	v12 =	vld.idx.msk [tilespmem:v42+s2+$0x0], $0xffff  }
0x378: {  	v4 =	vld.idx.msk [tilespmem:v4+s2+$0x0], $0xffff;
	_ =	sdelay $0x1  }
0x379: {  	[tilespmem:s17+$0x11410] =	vst v3  }
0x37a: {  	[tilespmem:s20+$0x11000] =	vst v5  }
0x37b: {  	[tilespmem:s19+$0x11410] =	vst v12  }
0x37c: {  	[tilespmem:s18+$0x11400] =	vst v4  }
0x37d: {  	v4 =	vld [tilespmem:$0x1FD80]  }
0x37e: {  	v7 =	vadd.s32 $0x4A00, v1  }
0x37f: {  	v8 =	vadd.s32 $0x4A00, v2  }
0x380: {  	v26 =	vld.idx.msk [tilespmem:v24+s2+$0x0], $0xffff;
	_ =	sdelay $0x2  }
0x381: {  	v3 =	vld.idx.msk [tilespmem:v7+s2+$0x0], $0xffff  }
0x382: {  	v29 =	vld.idx.msk [tilespmem:v8+s2+$0x0], $0xffff  }
0x383: {  	[tilespmem:s20+$0x11400] =	vst v26;
	v4 =	vld.idx.msk [tilespmem:v4+s2+$0x0], $0xffff  }
0x384: {  	v32 =	vld [tilespmem:$0x1FF10];
	_ =	sdelay $0x1  }
0x385: {  	[tilespmem:s17+$0x11810] =	vst v3  }
0x386: {  	[tilespmem:s19+$0x11810] =	vst v29  }
0x387: {  	[tilespmem:s18+$0x11800] =	vst v4  }
0x388: {  	v4 =	vld [tilespmem:$0x1FD90]  }
0x389: {  	v28 =	vadd.s32 $0x4C00, v1  }
0x38a: {  	v33 =	vadd.s32 $0x4C00, v2  }
0x38b: {  	v7 =	vld.idx.msk [tilespmem:v32+s2+$0x0], $0xffff;
	_ =	sdelay $0x2  }
0x38c: {  	v3 =	vld.idx.msk [tilespmem:v28+s2+$0x0], $0xffff  }
0x38d: {  	v6 =	vld.idx.msk [tilespmem:v33+s2+$0x0], $0xffff  }
0x38e: {  	[tilespmem:s20+$0x11800] =	vst v7;
	v4 =	vld.idx.msk [tilespmem:v4+s2+$0x0], $0xffff  }
0x38f: {  	v7 =	vld.idx.msk [tilespmem:v11+s2+$0x0], $0xffff;
	_ =	sdelay $0x1  }
0x390: {  	[tilespmem:s17+$0x11C10] =	vst v3  }
0x391: {  	[tilespmem:s19+$0x11C10] =	vst v6  }
0x392: {  	[tilespmem:s18+$0x11C00] =	vst v4  }
0x393: {  	v4 =	vld [tilespmem:$0x1FDA0];
	[tilespmem:s20+$0x11C00] =	vst v7  }
0x394: {  	v34 =	vadd.s32 $0x4E00, v1;
	v7 =	vld [tilespmem:$0x1FF20]  }
0x395: {  	v35 =	vadd.s32 $0x4E00, v2;
	_ =	sdelay $0x3  }
0x396: {  	v3 =	vld.idx.msk [tilespmem:v34+s2+$0x0], $0xffff  }
0x397: {  	v6 =	vld.idx.msk [tilespmem:v35+s2+$0x0], $0xffff  }
0x398: {  	v4 =	vld.idx.msk [tilespmem:v4+s2+$0x0], $0xffff  }
0x399: {  	v7 =	vld.idx.msk [tilespmem:v7+s2+$0x0], $0xffff;
	_ =	sdelay $0x1  }
0x39a: {  	[tilespmem:s17+$0x12010] =	vst v3  }
0x39b: {  	[tilespmem:s19+$0x12010] =	vst v6  }
0x39c: {  	[tilespmem:s18+$0x12000] =	vst v4  }
0x39d: {  	v4 =	vld [tilespmem:$0x1FDB0];
	[tilespmem:s20+$0x12000] =	vst v7  }
0x39e: {  	v36 =	vadd.s32 $0x5000, v1;
	v7 =	vld [tilespmem:$0x1FF30]  }
0x39f: {  	v39 =	vadd.s32 $0x5000, v2;
	_ =	sdelay $0x3  }
0x3a0: {  	v3 =	vld.idx.msk [tilespmem:v36+s2+$0x0], $0xffff  }
0x3a1: {  	v6 =	vld.idx.msk [tilespmem:v39+s2+$0x0], $0xffff  }
0x3a2: {  	v4 =	vld.idx.msk [tilespmem:v4+s2+$0x0], $0xffff  }
0x3a3: {  	v7 =	vld.idx.msk [tilespmem:v7+s2+$0x0], $0xffff;
	_ =	sdelay $0x1  }
0x3a4: {  	[tilespmem:s17+$0x12410] =	vst v3  }
0x3a5: {  	[tilespmem:s19+$0x12410] =	vst v6  }
0x3a6: {  	[tilespmem:s18+$0x12400] =	vst v4  }
0x3a7: {  	v4 =	vld [tilespmem:$0x1FDC0];
	[tilespmem:s20+$0x12400] =	vst v7  }
0x3a8: {  	v42 =	vadd.s32 $0x5200, v1;
	v7 =	vld [tilespmem:$0x1FF40]  }
0x3a9: {  	v12 =	vadd.s32 $0x5200, v2;
	_ =	sdelay $0x3  }
0x3aa: {  	v3 =	vld.idx.msk [tilespmem:v42+s2+$0x0], $0xffff  }
0x3ab: {  	v6 =	vld.idx.msk [tilespmem:v12+s2+$0x0], $0xffff  }
0x3ac: {  	v4 =	vld.idx.msk [tilespmem:v4+s2+$0x0], $0xffff  }
0x3ad: {  	v7 =	vld.idx.msk [tilespmem:v7+s2+$0x0], $0xffff;
	_ =	sdelay $0x1  }
0x3ae: {  	[tilespmem:s17+$0x12810] =	vst v3  }
0x3af: {  	[tilespmem:s19+$0x12810] =	vst v6  }
0x3b0: {  	[tilespmem:s18+$0x12800] =	vst v4  }
0x3b1: {  	v29 =	vld [tilespmem:$0x1FDD0];
	[tilespmem:s20+$0x12800] =	vst v7  }
0x3b2: {  	v24 =	vadd.s32 $0x5400, v1;
	v33 =	vld [tilespmem:$0x1FF50]  }
0x3b3: {  	v26 =	vadd.s32 $0x5400, v2;
	_ =	sdelay $0x3  }
0x3b4: {  	v3 =	vld.idx.msk [tilespmem:v24+s2+$0x0], $0xffff  }
0x3b5: {  	v6 =	vld.idx.msk [tilespmem:v26+s2+$0x0], $0xffff  }
0x3b6: {  	v5 =	vld.idx.msk [tilespmem:v29+s2+$0x0], $0xffff  }
0x3b7: {  	v8 =	vld.idx.msk [tilespmem:v33+s2+$0x0], $0xffff;
	_ =	sdelay $0x1  }
0x3b8: {  	[tilespmem:s17+$0x12C10] =	vst v3  }
0x3b9: {  	[tilespmem:s19+$0x12C10] =	vst v6  }
0x3ba: {  	[tilespmem:s18+$0x12C00] =	vst v5  }
0x3bb: {  	v5 =	vld [tilespmem:$0x1FDE0];
	[tilespmem:s20+$0x12C00] =	vst v8  }
0x3bc: {  	v28 =	vadd.s32 $0x5600, v1;
	v8 =	vld [tilespmem:$0x1FF60]  }
0x3bd: {  	v32 =	vadd.s32 $0x5600, v2;
	_ =	sdelay $0x3  }
0x3be: {  	v3 =	vld.idx.msk [tilespmem:v28+s2+$0x0], $0xffff  }
0x3bf: {  	v6 =	vld.idx.msk [tilespmem:v32+s2+$0x0], $0xffff  }
0x3c0: {  	v5 =	vld.idx.msk [tilespmem:v5+s2+$0x0], $0xffff  }
0x3c1: {  	v8 =	vld.idx.msk [tilespmem:v8+s2+$0x0], $0xffff;
	_ =	sdelay $0x1  }
0x3c2: {  	[tilespmem:s17+$0x13010] =	vst v3  }
0x3c3: {  	[tilespmem:s19+$0x13010] =	vst v6  }
0x3c4: {  	[tilespmem:s18+$0x13000] =	vst v5  }
0x3c5: {  	v5 =	vld [tilespmem:$0x1FDF0];
	[tilespmem:s20+$0x13000] =	vst v8  }
0x3c6: {  	v34 =	vadd.s32 $0x5800, v1;
	v8 =	vld [tilespmem:$0x1FF70]  }
0x3c7: {  	v35 =	vadd.s32 $0x5800, v2;
	_ =	sdelay $0x3  }
0x3c8: {  	v3 =	vld.idx.msk [tilespmem:v34+s2+$0x0], $0xffff  }
0x3c9: {  	v6 =	vld.idx.msk [tilespmem:v35+s2+$0x0], $0xffff  }
0x3ca: {  	v5 =	vld.idx.msk [tilespmem:v5+s2+$0x0], $0xffff  }
0x3cb: {  	v8 =	vld.idx.msk [tilespmem:v8+s2+$0x0], $0xffff;
	_ =	sdelay $0x1  }
0x3cc: {  	[tilespmem:s17+$0x13410] =	vst v3  }
0x3cd: {  	[tilespmem:s19+$0x13410] =	vst v6  }
0x3ce: {  	[tilespmem:s18+$0x13400] =	vst v5  }
0x3cf: {  	v5 =	vld [tilespmem:$0x1FE00];
	[tilespmem:s20+$0x13400] =	vst v8  }
0x3d0: {  	v36 =	vadd.s32 $0x5A00, v1;
	v8 =	vld [tilespmem:$0x1FF80]  }
0x3d1: {  	v39 =	vadd.s32 $0x5A00, v2;
	_ =	sdelay $0x3  }
0x3d2: {  	v3 =	vld.idx.msk [tilespmem:v36+s2+$0x0], $0xffff  }
0x3d3: {  	v6 =	vld.idx.msk [tilespmem:v39+s2+$0x0], $0xffff  }
0x3d4: {  	v5 =	vld.idx.msk [tilespmem:v5+s2+$0x0], $0xffff  }
0x3d5: {  	v8 =	vld.idx.msk [tilespmem:v8+s2+$0x0], $0xffff;
	_ =	sdelay $0x1  }
0x3d6: {  	[tilespmem:s17+$0x13810] =	vst v3  }
0x3d7: {  	[tilespmem:s19+$0x13810] =	vst v6  }
0x3d8: {  	[tilespmem:s18+$0x13800] =	vst v5  }
0x3d9: {  	[tilespmem:s20+$0x13800] =	vst v8  }
0x3da: {  	v42 =	vadd.s32 $0x5C00, v1;
	v8 =	vld [tilespmem:$0x1FF90]  }
0x3db: {  	v12 =	vadd.s32 $0x5C00, v2;
	_ =	sdelay $0x3  }
0x3dc: {  	v3 =	vld.idx.msk [tilespmem:v42+s2+$0x0], $0xffff  }
0x3dd: {  	v6 =	vld.idx.msk [tilespmem:v12+s2+$0x0], $0xffff  }
0x3de: {  	v5 =	vld.idx.msk [tilespmem:v25+s2+$0x0], $0xffff  }
0x3df: {  	v8 =	vld.idx.msk [tilespmem:v8+s2+$0x0], $0xffff;
	_ =	sdelay $0x1  }
0x3e0: {  	[tilespmem:s17+$0x13C10] =	vst v3  }
0x3e1: {  	[tilespmem:s19+$0x13C10] =	vst v6  }
0x3e2: {  	[tilespmem:s18+$0x13C00] =	vst v5  }
0x3e3: {  	[tilespmem:s20+$0x13C00] =	vst v8  }
0x3e4: {  	v24 =	vadd.s32 $0x5E00, v1;
	v8 =	vld [tilespmem:$0x1FFA0];
	_ =	sdelay $0x1  }
0x3e5: {  	v26 =	vadd.s32 $0x5E00, v2;
	_ =	sdelay $0x2  }
0x3e6: {  	v3 =	vld.idx.msk [tilespmem:v24+s2+$0x0], $0xffff  }
0x3e7: {  	v5 =	vld.idx.msk [tilespmem:v61+s2+$0x0], $0xffff  }
0x3e8: {  	v6 =	vld.idx.msk [tilespmem:v26+s2+$0x0], $0xffff  }
0x3e9: {  	v8 =	vld.idx.msk [tilespmem:v8+s2+$0x0], $0xffff;
	_ =	sdelay $0x1  }
0x3ea: {  	[tilespmem:s17+$0x14010] =	vst v3  }
0x3eb: {  	[tilespmem:s18+$0x14000] =	vst v5  }
0x3ec: {  	[tilespmem:s19+$0x14010] =	vst v6  }
0x3ed: {  	[tilespmem:s20+$0x14000] =	vst v8  }
0x3ee: {  	v28 =	vadd.s32 $0x6000, v1;
	v8 =	vld [tilespmem:$0x1FFB0];
	_ =	sdelay $0x1  }
0x3ef: {  	v29 =	vadd.s32 $0x6000, v2;
	_ =	sdelay $0x2  }
0x3f0: {  	v3 =	vld.idx.msk [tilespmem:v28+s2+$0x0], $0xffff  }
0x3f1: {  	v5 =	vld.idx.msk [tilespmem:v23+s2+$0x0], $0xffff  }
0x3f2: {  	v6 =	vld.idx.msk [tilespmem:v29+s2+$0x0], $0xffff  }
0x3f3: {  	v8 =	vld.idx.msk [tilespmem:v8+s2+$0x0], $0xffff;
	_ =	sdelay $0x1  }
0x3f4: {  	[tilespmem:s17+$0x14410] =	vst v3  }
0x3f5: {  	[tilespmem:s18+$0x14400] =	vst v5  }
0x3f6: {  	[tilespmem:s19+$0x14410] =	vst v6  }
0x3f7: {  	[tilespmem:s20+$0x14400] =	vst v8  }
0x3f8: {  	v32 =	vadd.s32 $0x6200, v1;
	v8 =	vld [tilespmem:$0x1FFC0];
	_ =	sdelay $0x1  }
0x3f9: {  	v33 =	vadd.s32 $0x6200, v2;
	_ =	sdelay $0x2  }
0x3fa: {  	v3 =	vld.idx.msk [tilespmem:v32+s2+$0x0], $0xffff  }
0x3fb: {  	v5 =	vld.idx.msk [tilespmem:v59+s2+$0x0], $0xffff  }
0x3fc: {  	v6 =	vld.idx.msk [tilespmem:v33+s2+$0x0], $0xffff  }
0x3fd: {  	v8 =	vld.idx.msk [tilespmem:v8+s2+$0x0], $0xffff;
	_ =	sdelay $0x1  }
0x3fe: {  	[tilespmem:s17+$0x14810] =	vst v3  }
0x3ff: {  	[tilespmem:s18+$0x14800] =	vst v5  }
0x400: {  	[tilespmem:s19+$0x14810] =	vst v6  }
0x401: {  	[tilespmem:s20+$0x14800] =	vst v8  }
0x402: {  	v34 =	vadd.s32 $0x6400, v1;
	v8 =	vld [tilespmem:$0x1FFD0];
	_ =	sdelay $0x1  }
0x403: {  	v35 =	vadd.s32 $0x6400, v2;
	_ =	sdelay $0x2  }
0x404: {  	v3 =	vld.idx.msk [tilespmem:v34+s2+$0x0], $0xffff  }
0x405: {  	v5 =	vld.idx.msk [tilespmem:v58+s2+$0x0], $0xffff  }
0x406: {  	v6 =	vld.idx.msk [tilespmem:v35+s2+$0x0], $0xffff  }
0x407: {  	v8 =	vld.idx.msk [tilespmem:v8+s2+$0x0], $0xffff;
	_ =	sdelay $0x1  }
0x408: {  	[tilespmem:s17+$0x14C10] =	vst v3  }
0x409: {  	[tilespmem:s18+$0x14C00] =	vst v5  }
0x40a: {  	[tilespmem:s19+$0x14C10] =	vst v6  }
0x40b: {  	[tilespmem:s20+$0x14C00] =	vst v8  }
0x40c: {  	v36 =	vadd.s32 $0x6600, v1;
	v8 =	vld [tilespmem:$0x1FFE0];
	_ =	sdelay $0x1  }
0x40d: {  	v39 =	vadd.s32 $0x6600, v2;
	_ =	sdelay $0x2  }
0x40e: {  	v3 =	vld.idx.msk [tilespmem:v36+s2+$0x0], $0xffff  }
0x40f: {  	v42 =	vadd.s32 $0x6800, v1;
	v5 =	vld.idx.msk [tilespmem:v56+s2+$0x0], $0xffff  }
0x410: {  	v6 =	vld.idx.msk [tilespmem:v39+s2+$0x0], $0xffff  }
0x411: {  	v58 =	vadd.s32 $0x6800, v2;
	v8 =	vld.idx.msk [tilespmem:v8+s2+$0x0], $0xffff;
	_ =	sdelay $0x1  }
0x412: {  	[tilespmem:s17+$0x15010] =	vst v3  }
0x413: {  	[tilespmem:s18+$0x15000] =	vst v5;
	v3 =	vld.idx.msk [tilespmem:v42+s2+$0x0], $0xffff  }
0x414: {  	v59 =	vadd.s32 $0x6A00, v1;
	[tilespmem:s19+$0x15010] =	vst v6;
	v5 =	vld.idx.msk [tilespmem:v54+s2+$0x0], $0xffff  }
0x415: {  	v6 =	vld.idx.msk [tilespmem:v58+s2+$0x0], $0xffff;
	[tilespmem:s20+$0x15000] =	vst v8  }
0x416: {  	v61 =	vadd.s32 $0x6A00, v2;
	v8 =	vld.idx.msk [tilespmem:v38+s2+$0x0], $0xffff  }
0x417: {  	[tilespmem:s16+$0x18000] =	vst v27  }
0x418: {  	[tilespmem:s17+$0x15410] =	vst v3  }
0x419: {  	v23 =	vadd.s32 $0x6E00, v0;
	[tilespmem:s18+$0x15400] =	vst v5;
	v3 =	vld.idx.msk [tilespmem:v59+s2+$0x0], $0xffff  }
0x41a: {  	v12 =	vadd.s32 $0x6C00, v1;
	[tilespmem:s19+$0x15410] =	vst v6;
	v5 =	vld.idx.msk [tilespmem:v22+s2+$0x0], $0xffff  }
0x41b: {  	v6 =	vld.idx.msk [tilespmem:v61+s2+$0x0], $0xffff;
	[tilespmem:s20+$0x15400] =	vst v8  }
0x41c: {  	[tilespmem:s15+$0x15800] =	vst v31;
	v22 =	vadd.s32 $0x6C00, v2;
	v8 =	vld.idx.msk [tilespmem:v9+s2+$0x0], $0xffff  }
0x41d: {  	[tilespmem:s14+$0x15C10] =	vst v30;
	v24 =	vld.idx.msk [tilespmem:v49+s2+$0x0], $0xffff  }
0x41e: {  	[tilespmem:s17+$0x15810] =	vst v3;
	v3 =	vld.idx.msk [tilespmem:v23+s2+$0x0], $0xffff  }
0x41f: {  	[tilespmem:s18+$0x15800] =	vst v5;
	v4 =	vld.idx.msk [tilespmem:v12+s2+$0x0], $0xffff  }
0x420: {  	[tilespmem:s19+$0x15810] =	vst v6;
	v26 =	vld.idx.msk [tilespmem:v19+s2+$0x0], $0xffff  }
0x421: {  	v7 =	vld.idx.msk [tilespmem:v22+s2+$0x0], $0xffff;
	[tilespmem:s20+$0x15800] =	vst v8  }
0x422: {  	[tilespmem:s15+$0x15C00] =	vst v24;
	v10 =	vld.idx.msk [tilespmem:v10+s2+$0x0], $0xffff  }
0x423: {  	[tilespmem:s14+$0x16010] =	vst v3  }
0x424: {  	[tilespmem:s17+$0x15C10] =	vst v4  }
0x425: {  	[tilespmem:s18+$0x15C00] =	vst v26  }
0x426: {  	[tilespmem:s19+$0x15C10] =	vst v7  }
0x427: {  	[tilespmem:s20+$0x15C00] =	vst v10  }
0x428: {  	v25 =	vadd.s32 $0x6E00, v1;
	v10 =	vld [tilespmem:$0x1FFF0];
	_ =	sdelay $0x1  }
0x429: {  	v27 =	vadd.s32 $0x6E00, v2;
	_ =	sdelay $0x1  }
0x42a: {  	v28 =	vadd.s32 $0x7000, v0;
	v9 =	vld.idx.msk [tilespmem:v52+s2+$0x0], $0xffff  }
0x42b: {  	v5 =	vld.idx.msk [tilespmem:v25+s2+$0x0], $0xffff  }
0x42c: {  	v29 =	vadd.s32 $0x7000, v1;
	v30 =	vld.idx.msk [tilespmem:v57+s2+$0x0], $0xffff  }
0x42d: {  	v8 =	vld.idx.msk [tilespmem:v27+s2+$0x0], $0xffff  }
0x42e: {  	v31 =	vadd.s32 $0x7000, v2;
	v10 =	vld.idx.msk [tilespmem:v10+s2+$0x0], $0xffff  }
0x42f: {  	v4 =	vld.idx.msk [tilespmem:v28+s2+$0x0], $0xffff;
	[tilespmem:s15+$0x16000] =	vst v9  }
0x430: {  	v32 =	vadd.s32 $0x7200, v0;
	[tilespmem:s17+$0x16010] =	vst v5;
	v9 =	vld.idx.msk [tilespmem:v48+s2+$0x0], $0xffff  }
0x431: {  	[tilespmem:s18+$0x16000] =	vst v30;
	v6 =	vld.idx.msk [tilespmem:v29+s2+$0x0], $0xffff  }
0x432: {  	v33 =	vadd.s32 $0x7200, v1;
	[tilespmem:s19+$0x16010] =	vst v8;
	v34 =	vld.idx.msk [tilespmem:v55+s2+$0x0], $0xffff  }
0x433: {  	v3 =	vld.idx.msk [tilespmem:v31+s2+$0x0], $0xffff;
	[tilespmem:s20+$0x16000] =	vst v10  }
0x434: {  	v35 =	vadd.s32 $0x7200, v2;
	[tilespmem:s14+$0x16410] =	vst v4;
	v10 =	vld.idx.msk [tilespmem:v62+s2+$0x0], $0xffff  }
0x435: {  	v5 =	vld.idx.msk [tilespmem:v32+s2+$0x0], $0xffff;
	[tilespmem:s15+$0x16400] =	vst v9  }
0x436: {  	v36 =	vadd.s32 $0x7400, v0;
	[tilespmem:s17+$0x16410] =	vst v6;
	v9 =	vld.idx.msk [tilespmem:v47+s2+$0x0], $0xffff  }
0x437: {  	[tilespmem:s18+$0x16400] =	vst v34;
	v7 =	vld.idx.msk [tilespmem:v33+s2+$0x0], $0xffff  }
0x438: {  	v38 =	vadd.s32 $0x7400, v1;
	[tilespmem:s19+$0x16410] =	vst v3;
	v8 =	vld.idx.msk [tilespmem:v53+s2+$0x0], $0xffff  }
0x439: {  	v4 =	vld.idx.msk [tilespmem:v35+s2+$0x0], $0xffff;
	[tilespmem:s20+$0x16400] =	vst v10  }
0x43a: {  	v39 =	vadd.s32 $0x7400, v2;
	[tilespmem:s14+$0x16810] =	vst v5;
	v10 =	vld.idx.msk [tilespmem:v60+s2+$0x0], $0xffff  }
0x43b: {  	v6 =	vld.idx.msk [tilespmem:v36+s2+$0x0], $0xffff;
	[tilespmem:s15+$0x16800] =	vst v9  }
0x43c: {  	v42 =	vadd.s32 $0x7600, v0;
	[tilespmem:s17+$0x16810] =	vst v7;
	v9 =	vld.idx.msk [tilespmem:v44+s2+$0x0], $0xffff  }
0x43d: {  	[tilespmem:s18+$0x16800] =	vst v8;
	v3 =	vld.idx.msk [tilespmem:v38+s2+$0x0], $0xffff  }
0x43e: {  	[tilespmem:s19+$0x16810] =	vst v4;
	v44 =	vadd.s32 $0x7600, v1;
	v8 =	vld.idx.msk [tilespmem:v51+s2+$0x0], $0xffff  }
0x43f: {  	v5 =	vld.idx.msk [tilespmem:v39+s2+$0x0], $0xffff;
	[tilespmem:s20+$0x16800] =	vst v10  }
0x440: {  	v47 =	vadd.s32 $0x7600, v2;
	[tilespmem:s14+$0x16C10] =	vst v6;
	v10 =	vld.idx.msk [tilespmem:v21+s2+$0x0], $0xffff  }
0x441: {  	v7 =	vld.idx.msk [tilespmem:v42+s2+$0x0], $0xffff;
	[tilespmem:s15+$0x16C00] =	vst v9  }
0x442: {  	v48 =	vadd.s32 $0x7800, v0;
	[tilespmem:s17+$0x16C10] =	vst v3;
	v9 =	vld.idx.msk [tilespmem:v43+s2+$0x0], $0xffff  }
0x443: {  	[tilespmem:s18+$0x16C00] =	vst v8;
	v4 =	vld.idx.msk [tilespmem:v44+s2+$0x0], $0xffff  }
0x444: {  	v49 =	vadd.s32 $0x7800, v1;
	[tilespmem:s19+$0x16C10] =	vst v5;
	v8 =	vld.idx.msk [tilespmem:v50+s2+$0x0], $0xffff  }
0x445: {  	v6 =	vld.idx.msk [tilespmem:v47+s2+$0x0], $0xffff;
	[tilespmem:s20+$0x16C00] =	vst v10  }
0x446: {  	[tilespmem:s14+$0x17010] =	vst v7;
	v50 =	vadd.s32 $0x7800, v2;
	v10 =	vld.idx.msk [tilespmem:v20+s2+$0x0], $0xffff  }
0x447: {  	v3 =	vld.idx.msk [tilespmem:v48+s2+$0x0], $0xffff;
	[tilespmem:s15+$0x17000] =	vst v9  }
0x448: {  	v51 =	vadd.s32 $0x7A00, v0;
	[tilespmem:s17+$0x17010] =	vst v4;
	v9 =	vld.idx.msk [tilespmem:v63+s2+$0x0], $0xffff  }
0x449: {  	[tilespmem:s18+$0x17000] =	vst v8;
	v5 =	vld.idx.msk [tilespmem:v49+s2+$0x0], $0xffff  }
0x44a: {  	v52 =	vadd.s32 $0x7A00, v1;
	[tilespmem:s19+$0x17010] =	vst v6;
	v8 =	vld.idx.msk [tilespmem:v46+s2+$0x0], $0xffff  }
0x44b: {  	v7 =	vld.idx.msk [tilespmem:v50+s2+$0x0], $0xffff;
	[tilespmem:s20+$0x17000] =	vst v10  }
0x44c: {  	v53 =	vadd.s32 $0x7A00, v2;
	[tilespmem:s14+$0x17410] =	vst v3;
	v10 =	vld.idx.msk [tilespmem:v18+s2+$0x0], $0xffff  }
0x44d: {  	v4 =	vld.idx.msk [tilespmem:v51+s2+$0x0], $0xffff;
	[tilespmem:s15+$0x17400] =	vst v9  }
0x44e: {  	v54 =	vadd.s32 $0x7C00, v0;
	[tilespmem:s17+$0x17410] =	vst v5;
	v9 =	vld.idx.msk [tilespmem:v41+s2+$0x0], $0xffff  }
0x44f: {  	[tilespmem:s18+$0x17400] =	vst v8;
	v6 =	vld.idx.msk [tilespmem:v52+s2+$0x0], $0xffff  }
0x450: {  	v55 =	vadd.s32 $0x7C00, v1;
	[tilespmem:s19+$0x17410] =	vst v7;
	v8 =	vld.idx.msk [tilespmem:v45+s2+$0x0], $0xffff  }
0x451: {  	v3 =	vld.idx.msk [tilespmem:v53+s2+$0x0], $0xffff;
	[tilespmem:s20+$0x17400] =	vst v10  }
0x452: {  	v56 =	vadd.s32 $0x7C00, v2;
	[tilespmem:s14+$0x17810] =	vst v4;
	v10 =	vld.idx.msk [tilespmem:v17+s2+$0x0], $0xffff  }
0x453: {  	v5 =	vld.idx.msk [tilespmem:v54+s2+$0x0], $0xffff;
	[tilespmem:s15+$0x17800] =	vst v9  }
0x454: {  	v57 =	vadd.s32 $0x7E00, v0;
	[tilespmem:s17+$0x17810] =	vst v6;
	v58 =	vld.idx.msk [tilespmem:v40+s2+$0x0], $0xffff  }
0x455: {  	[tilespmem:s18+$0x17800] =	vst v8;
	v7 =	vld.idx.msk [tilespmem:v55+s2+$0x0], $0xffff  }
0x456: {  	v59 =	vadd.s32 $0x7E00, v1;
	[tilespmem:s19+$0x17810] =	vst v3;
	v60 =	vld.idx.msk [tilespmem:v15+s2+$0x0], $0xffff  }
0x457: {  	v4 =	vld.idx.msk [tilespmem:v56+s2+$0x0], $0xffff;
	[tilespmem:s20+$0x17800] =	vst v10  }
0x458: {  	v61 =	vadd.s32 $0x7E00, v2;
	[tilespmem:s14+$0x17C10] =	vst v5;
	v62 =	vld.idx.msk [tilespmem:v16+s2+$0x0], $0xffff  }
0x459: {  	v0 =	vld.idx.msk [tilespmem:v57+s2+$0x0], $0xffff;
	[tilespmem:s15+$0x17C00] =	vst v58  }
0x45a: {  	[tilespmem:s17+$0x17C10] =	vst v7;
	v6 =	vld.idx.msk [tilespmem:v37+s2+$0x0], $0xffff  }
0x45b: {  	[tilespmem:s18+$0x17C00] =	vst v60;
	v1 =	vld.idx.msk [tilespmem:v59+s2+$0x0], $0xffff  }
0x45c: {  	[tilespmem:s19+$0x17C10] =	vst v4;
	v3 =	vld.idx.msk [tilespmem:v14+s2+$0x0], $0xffff  }
0x45d: {  	v2 =	vld.idx.msk [tilespmem:v61+s2+$0x0], $0xffff;
	[tilespmem:s20+$0x17C00] =	vst v62  }
0x45e: {  	[tilespmem:s14+$0x18010] =	vst v0;
	v63 =	vld.idx.msk [tilespmem:v13+s2+$0x0], $0xffff  }
0x45f: {  	[tilespmem:s15+$0x18000] =	vst v6  }
0x460: {  	[tilespmem:s17+$0x18010] =	vst v1  }
0x461: {  	s12 =	sadd.s32 $0x1, s12;
	[tilespmem:s18+$0x18000] =	vst v3  }
0x462: {  	s13 =	sshll.u32 s13, $0xD;
	p0 =	sne.s32 s12, $0x8;
	[tilespmem:s19+$0x18010] =	vst v2  }
.Ltmp1:
0x463: {  	s13 =	sadd.s32 s1, s13;
	[tilespmem:s20+$0x18000] =	vst v63;
	(pc) =	sbr.rel @p0 .LBB2_2-.Ltmp1, $4  }
0x464: {  	[hbm4b:s13+s2] =	stream.linear.scatter [tilespmem:s10], [sflag:$0x1], $0x10000, $0x38;
	[tilespmem:$0x18400] =	vst v63  }
0x465: {  	_ =	swait.ge [sflag:s8], $0x10000  }
0x466: {  	[sflag:s8] =	ssyncset.done $0x0  }
0x467: {  	[sflag:s8] =	ssyncadd.s32 $0xFFFF0000  }
0x468: {  	s11 =	sadd.s32 $0x1, s11  }
0x469: {  	p0 =	sne.s32 s11, s7  }
.Ltmp2:
0x46a: {  	_ = 	snop;
	(pc) =	sbr.rel @p0 .LBB2_1-.Ltmp2, $1  }
0x46b: {  	_ =	sdelay $0x3  }
0x46c: {  	_ =	sfence.sel $0x180000  }
0x46d: {  	[bflag:$0x0] =	sbarrier.arrive $0xFFFF  }
0x46e: {  	p0 =	sne.s32 s3, $0x0;
	_ =	strace $0x90000047  }
0x46f: {  	s0 =	sadd.s32 @!p0 $0x100000, s0;
	[bflag:$0x2] =	sbarrier.arrive $0xFFFF  }
0x470: {  	[sflag:s0] =	ssyncadd.tile.s32 @!p0 $0x1;
	_ =	shalt  }
.Lfunc_end2:
_tile_overlayer_lowered:
.L_overlay_start_2:
0x471: {  	(tag) =	ssettag $0x2  }
0x472: {  	s0 =	rddreg [dreg:$0x0];
	s2 =	stileid.u32  }
0x473: {  	s1 =	rddreg [dreg:$0x1];
	p0 =	sne.s32 s2, $0x0  }
0x474: {  	s3 =	rddreg [dreg:$0x2];
	[bflag:$0x3] =	sbarrier.arrive $0xFFFF;
	s2 =	simm.s32 @!p0 $0x1C01  }
0x475: {  	[timem:s3], [sflag:s2] =	dma.local @!p0 [hbm:s0], s1  }
0x476: {  	s0 =	simm.s32 @!p0 $0x1  }
0x477: {  	_ =	swait.ge @!p0 [sflag:s0], s1  }
0x478: {  	s1 =	ssub.s32 @!p0 $0x0, s1;
	[sflag:s0] =	ssyncset.done @!p0 $0x0  }
0x479: {  	[sflag:s0] =	ssyncadd.s32 @!p0 s1  }
0x47a: {  	[bflag:$0x3] =	sbarrier.arrive $0xFFFF  }
0x47b: {  	_ =	shalt  }

// kernel: sparse-core-data-format-call.cloned.1.call-start
scs
called_computation_lowered:
.L_overlay_start_0:
0x0: {  	s2 =	sld [smem:$0x3FD9]  }
0x1: {  	s3 =	sld [smem:$0x3FFE];
	_ =	sdelay $0x1  }
0x2: {  	s1 =	srdreg.scid  }
0x3: {  	s0 =	sand.u32 $0x1, s1  }
0x4: {  	s18 =	sshll.u32 s0, $0xA;
	s2 =	sadd.s32 s3, s2  }
0x5: {  	s2 =	sadd.s32 s2, s18  }
0x6: {  	[smem:$0x3FC6] =	sst s2  }
0x7: {  	_ = 	snop  }
0x8: {  	s2 =	sld [smem:$0x3FD0];
	(tm) =	ssettm $0x1  }
0x9: {  	s19 =	sld [smem:$0x3FFB];
	_ =	sdelay $0x3  }
0xa: {  	_ =	strace s19  }
0xb: {  	s3 =	sld [smem:$0x3FFC];
	_ =	sdelay $0x3  }
0xc: {  	_ =	strace s3  }
0xd: {  	s3 =	sld [smem:$0x3FFD];
	_ =	sdelay $0x3  }
0xe: {  	_ =	strace s3  }
0xf: {  	_ =	strace $0x8FFFFFFF  }
0x10: {  	s20 =	sld [smem:$0x3FDB];
	_ =	sdelay $0x1  }
0x11: {  	s4 =	simm.s32 $_scs_section_size  }
0x12: {  	s5 =	simm.s32 $_size__tile_overlayer_lowered;
	s6 =	simm.s32 $_tile_overlayer_lowered  }
0x13: {  	s23 =	simm.s32 $0x1BFF;
	s22 =	sshll.u32 s6, $0x1;
	s3 =	sadd.s32 s4, s20  }
0x14: {  	s7 =	simm.s32 $0x0;
	s21 =	sshll.u32 s5, $0x1;
	s5 =	sadd.s32 s22, s3  }
0x15: {  	[timem:s7], [sflag:s23] =	dma.local [hbm:s5], s21  }
0x16: {  	_ =	swait.ge [sflag:s23], s21  }
0x17: {  	s4 =	ssub.s32 $0x0, s21;
	[sflag:s23] =	ssyncset.done $0x0  }
0x18: {  	[sflag:s23] =	ssyncadd.s32 s4;
	_ =	sdelay $0x1  }
0x19: {  	s24 =	simm.s32 $0x1B8B  }
0x1a: {  	_ =	swait.ge [sflag:s24], $0x1  }
0x1b: {  	[sflag:s24] =	ssyncset.done $0x0  }
0x1c: {  	s26 =	simm.s32 $0x1B8E;
	s25 =	sld [smem:$0x3FFE];
	[sflag:s24] =	ssyncadd.s32 $0xFFFFFFFF  }
0x1d: {  	s27 =	simm.s32 $execute0_lowered;
	[smem:$0x3FD2] =	sst s26  }
0x1e: {  	s5 =	sshll.u32 s27, $0x1;
	_ =	strace $0x80000049;
	[dreg:$0x1] =	wrdreg $0xFFFFFFFF  }
0x1f: {  	s28 =	simm.s32 $_size_execute0_lowered;
	s3 =	sadd.s32 s3, s5;
	[dreg:$0x0] =	wrdreg $0x0  }
0x20: {  	s5 =	sshll.u32 s28, $0x1;
	[dreg:$0x2] =	wrdreg s3  }
0x21: {  	[dreg:$0x3] =	wrdreg s5  }
0x22: {  	[dreg:$0x4] =	wrdreg $0xC0  }
0x23: {  	_ =	task [dreg:s7], $0x5FFFF  }
0x24: {  	[dreg:$0x1] =	wrdreg $0xFFFFFFFF  }
0x25: {  	[dreg:$0x0] =	wrdreg $0x60  }
0x26: {  	[dreg:$0x2] =	wrdreg s25  }
0x27: {  	[dreg:$0x3] =	wrdreg s2  }
0x28: {  	[dreg:$0x4] =	wrdreg $0x9  }
0x29: {  	_ =	task.clear_ibuf [dreg:s7], $0x5FFFF;
	_ =	strace $0x90000049  }
0x2a: {  	s29 =	simm.s32 $0x9;
	_ =	strace $0x8000004B  }
0x2b: {  	_ =	swait.ge [sflag:s29], $0x1  }
0x2c: {  	[sflag:s29] =	ssyncadd.s32 $0xFFFFFFFF  }
0x2d: {  	_ =	strace $0x9000004B  }
0x2e: {  	_ =	sfence  }
0x2f: {  	s30 =	sld [smem:$0x0];
	_ =	sdelay $0x2  }
0x30: {  	s31 =	sshll.u32 s1, $0xD;
	s1 =	sshrl.u32 s1, $0x2  }
0x31: {  	s3 =	sand.u32 $0x4000, s31;
	s1 =	sadd.s32 s1, s30  }
0x32: {  	s0 =	sor.u32 s3, s0;
	s1 =	sshll.u32 s1, $0x11  }
0x33: {  	s0 =	sor.u32 s1, s0  }
0x34: {  	s0 =	sadd.s32 $0x8F2B, s0  }
0x35: {  	[sflag:s0] =	ssyncadd.remote.s32 $0x1  }
0x36: {  	_ =	sfence.sel $0xFFFF  }
0x37: {  	[dreg:$0x0] =	wrdreg $0xFFFFFFFF;
	(pc) =	sbr.abs _section_cstart, $3  }
0x38: {  	[dreg:$0x1] =	wrdreg $0xFFFFFFFF  }
0x39: {  	_ =	task.clear_ibuf [dreg:s7], $0x2FFFF;
	_ =	strace $0x9FFFFFFF  }
0x3a: {  	(tm) =	ssettm $0x7FFFFFFF  }
0x3b: {  	_ =	shalt  }
tec
execute0_lowered:
.L_overlay_start_1:
0x0: {  	(tag) =	ssettag $0x1  }
0x1: {  	s4 =	rddreg [dreg:$0x0]  }
0x2: {  	s0 =	stileid.u32;
	s1 =	srdreg.scid  }
0x3: {  	s2 =	rddreg [dreg:$0x1];
	s9 =	simm.s32 $0x2;
	s14 =	simm.s32 $0x0  }
0x4: {  	p0 =	por $0x0, $0x0;
	s16 =	simm.s32 $0x0;
	s15 =	simm.s32 $0x0  }
0x5: {  	s10 =	simm.s32 $0x0;
	s13 =	simm.s32 $0x0;
	s3 =	sshll.u32 s1, $0x4  }
0x6: {  	s5 =	sshll.u32 s0, $0x7;
	s1 =	rddreg [dreg:$0x2];
	_ =	strace $0x8000004A  }
0x7: {  	s4 =	sadd.s32 $0xC00, s4;
	s6 =	sand.u32 $0x10, s3;
	s3 =	sand.u32 $0x80, s5  }
.Ltmp0:
0x8: {  	s31 =	sor.u32 s0, s6;
	s7 =	ssub.s32 $0x100, s3;
	(pc) =	sbr.rel .LBB1_1-.Ltmp0, $4  }
0x9: {  	s6 =	simm.s32 $0x1;
	s12 =	smov.u32 s3;
	s8 =	sshrl.u32 s7, $0x1  }
0xa: {  	s7 =	sand.u32 $0x80, s7;
	[sflag:s6] =	ssyncpa.u1 $0x0;
	s8 =	sand.u32 $0x80, s8  }
0xb: {  	s5 =	sshrl.u32 s31, $0x1;
	[sflag:s9] =	ssyncpa.u1 $0x0;
	s7 =	sadd.s32 s7, s8  }
0xc: {  	s9 =	simm.s32 $0x800;
	s11 =	smov.u32 s5;
	s8 =	sor.u32 $0x1, s7  }
.LBB1_4:
0xd: {  	s19 =	sand.u32 $0x380, s15  }
0xe: {  	s16 =	sshll.u32 s16, $0xF;
	s20 =	sshrl.u32 s15, $0x3;
	s19 =	sadd.s32 s2, s19  }
0xf: {  	s31 =	sand.u32 $0x7, s15;
	s20 =	sand.u32 $0xF, s20;
	s16 =	sadd.s32 s16, s19  }
0x10: {  	s14 =	sshll.u32 s14, $0xA;
	s15 =	sshll.u32 s31, $0x12;
	s16 =	sadd.s32 s20, s16  }
0x11: {  	[tilespmem:s18+$0x0 ss:$0x81] =	vst.msk $0xffff, v0;
	s15 =	sor.u32 $0x400, s15;
	s14 =	sadd.s32 s14, s16  }
0x12: {  	[hbm4b:s14+s15] =	stream.strided.scatter [tilespmem:s17], [sflag:$0x2], $0x1000, s9, s15, $0x20;
	[tilespmem:$0x4040] =	vst v63  }
.LBB1_5:
0x13: {  	s17 =	sadd.s32 $0x1, s10  }
0x14: {  	s14 =	sadd.s32 $0x10, s11;
	s18 =	smov.u32 s11;
	p2 =	sgt.s32 s17, $0x1F  }
0x15: {  	s18 =	smov.u32 @p2 s14  }
0x16: {  	s20 =	smov.u32 s12;
	s14 =	sadd.s32 $0x100, s12;
	p3 =	sgt.s32 s18, $0x3F  }
0x17: {  	s20 =	smov.u32 @p3 s14  }
0x18: {  	s17 =	simm.s32 @p2 $0x0;
	p2 =	sgt.s32 s20, $0xFF  }
0x19: {  	p1 =	slt.u32 s13, $0x2;
	s20 =	smov.u32 @p2 s3;
	p2 =	sne.s32 s13, s8  }
.Ltmp1:
0x1a: {  	s19 =	simm.s32 @!p1 $0x2;
	(pc) =	sbr.rel @!p2 .LBB1_6-.Ltmp1, $4  }
0x1b: {  	s16 =	smov.u32 s11;
	s15 =	smov.u32 s12;
	_ =	swait.ge @!p1 [sflag:s19], $0x1000  }
0x1c: {  	p0 =	por !p0, !p0;
	[sflag:s19] =	ssyncset.done @!p1 $0x0;
	s18 =	smov.u32 @p3 s5  }
0x1d: {  	s14 =	smov.u32 s10;
	[sflag:s19] =	ssyncadd.s32 @!p1 $0xFFFFF000;
	s10 =	smov.u32 s17  }
0x1e: {  	s11 =	smov.u32 s18;
	s13 =	sadd.s32 $0x1, s13;
	s12 =	smov.u32 s20  }
.LBB1_1:
0x1f: {  	p1 =	sge.u32 s13, s7;
	s31 =	sadd.s32 $0xFFFFFFFF, s13  }
0x20: {  	s17 =	sxor.u32 @!p1 $0xFFFFFFFF, s13;
	s18 =	sshll.u32 @!p1 s12, $0xF;
	s19 =	sshll.u32 @!p1 s11, $0x9  }
0x21: {  	s20 =	sshll.u32 @!p1 s10, $0x4;
	s17 =	sshll.u32 @!p1 s17, $0xC;
	s18 =	sadd.s32 @!p1 s4, s18  }
0x22: {  	s20 =	sand.u32 @!p1 $0x1F0, s20;
	s17 =	sand.u32 @!p1 $0x1000, s17;
	s18 =	sadd.s32 @!p1 s19, s18  }
0x23: {  	s19 =	simm.s32 @!p1 $0x20;
	s18 =	sadd.s32 @!p1 s20, s18;
	s20 =	simm.s32 @!p1 $0x40000  }
0x24: {  	[tilespmem:s17], [sflag:$0x1] =	stream.strided.gather @!p1 [hbm4b:s18+s19], $0x1000, s20, s19, $0x38;
	[tilespmem:$0x4040] =	vst v63  }
0x25: {  	p1 =	sge.u32 s31, s7  }
.Ltmp2:
0x26: {  	_ = 	snop;
	(pc) =	sbr.rel @p1 .LBB1_5-.Ltmp2, $1  }
0x27: {  	_ =	sdelay $0x3  }
0x28: {  	s17 =	simm.s32 $0x1  }
0x29: {  	_ =	swait.ge [sflag:s6], $0x1000;
	s17 =	simm.s32 @!p0 $0x0  }
0x2a: {  	[sflag:s6] =	ssyncset.done $0x0;
	s18 =	sshll.u32 s17, $0xC  }
0x2b: {  	[sflag:s6] =	ssyncadd.s32 $0xFFFFF000;
	s21 =	sor.u32 $0x10, s18  }
0x2c: {  	s17 =	smul.u32 $0x4080, s17;
	v1 =	vld [tilespmem:s21+$0x0]  }
0x2d: {  	s30 =	sand.u32 $0x1, s13;
	v0 =	vld [tilespmem:s21+$0xFFFFFFF0]  }
0x2e: {  	s18 =	smul.u32 $0x4080, s30;
	s17 =	sshrl.u32 s17, $0x2  }
0x2f: {  	s19 =	sor.u32 $0x2000, s17  }
0x30: {  	s31 =	sshrl.u32 s18, $0x2;
	s18 =	sadd.s32 $0x0, s19  }
0x31: {  	s20 =	simm.s32 $0x4;
	s21 =	sadd.s32 $0x20, s21;
	s17 =	sor.u32 $0x2000, s31;
	[tilespmem:s18+$0x810 ss:$0x81] =	vst.msk $0xffff, v1  }
.LBB1_3:
0x32: {  	v1 =	vld [tilespmem:s21+$0x0];
	p1 =	sne.s32 s20, $0x1FC;
	[tilespmem:s18+$0x0 ss:$0x81] =	vst.msk $0xffff, v0;
	s18 =	smov.u32 s20;
	s20 =	sadd.s32 $0x4, s20  }
.Ltmp3:
0x33: {  	v0 =	vld [tilespmem:s21+$0xFFFFFFF0];
	(pc) =	sbr.rel @p1 .LBB1_3-.Ltmp3, $4  }
0x34: {  	_ = 	snop  }
0x35: {  	s18 =	sshra.s32 s18, $0x2  }
0x36: {  	s18 =	sadd.s32 s18, s19  }
0x37: {  	s21 =	sadd.s32 $0x20, s21;
	[tilespmem:s18+$0x810 ss:$0x81] =	vst.msk $0xffff, v1  }
.Ltmp4:
0x38: {  	_ = 	snop;
	(pc) =	sbr.rel .LBB1_4-.Ltmp4, $1  }
0x39: {  	_ =	sdelay $0x3  }
.LBB1_6:
0x3a: {  	_ =	sfence.sel $0x180000  }
0x3b: {  	s2 =	simm.s32 $0x1;
	[bflag:$0x0] =	sbarrier.arrive $0xFFFF  }
0x3c: {  	s31 =	simm.s32 $0x2;
	[sflag:s2] =	ssyncpa.u1 $0x1  }
0x3d: {  	[sflag:s31] =	ssyncpa.u1 $0x1  }
0x3e: {  	p0 =	sne.s32 s0, $0x0;
	_ =	strace $0x9000004A  }
0x3f: {  	s0 =	sadd.s32 @!p0 $0x100000, s1;
	[bflag:$0x2] =	sbarrier.arrive $0xFFFF  }
0x40: {  	[sflag:s0] =	ssyncadd.tile.s32 @!p0 $0x1;
	_ =	shalt  }
.Lfunc_end1:
_tile_overlayer_lowered:
.L_overlay_start_2:
0x41: {  	(tag) =	ssettag $0x2  }
0x42: {  	s0 =	rddreg [dreg:$0x0];
	s2 =	stileid.u32  }
0x43: {  	s1 =	rddreg [dreg:$0x1];
	p0 =	sne.s32 s2, $0x0  }
0x44: {  	s3 =	rddreg [dreg:$0x2];
	[bflag:$0x3] =	sbarrier.arrive $0xFFFF;
	s2 =	simm.s32 @!p0 $0x1C01  }
0x45: {  	[timem:s3], [sflag:s2] =	dma.local @!p0 [hbm:s0], s1  }
0x46: {  	s0 =	simm.s32 @!p0 $0x1  }
0x47: {  	_ =	swait.ge @!p0 [sflag:s0], s1  }
0x48: {  	s1 =	ssub.s32 @!p0 $0x0, s1;
	[sflag:s0] =	ssyncset.done @!p0 $0x0  }
0x49: {  	[sflag:s0] =	ssyncadd.s32 @!p0 s1  }
0x4a: {  	[bflag:$0x3] =	sbarrier.arrive $0xFFFF  }
0x4b: {  	_ =	shalt  }

</sc_bundles>
